<compile_context>
chip_gen: v7x
topology: tpu7x:2x2x1
jax: 0.10.2.dev20260603
libtpu: 0.0.44.dev20260713+nightly
codegen_flags: <defaults>
</compile_context>

<pallas_src>
import functools

import jax
import jax.numpy as jnp
import numpy as np
from jax import lax
from jax.experimental import pallas as pl
from jax.experimental.pallas import tpu as pltpu
from jax.experimental.pallas import tpu_sc as plsc

N = 10000
D = 128
S = 5000
NPAD = 10240
RSQ = np.float32(0.1 * 0.1)
K = 64
QPW = 160
SPAD = 32 * QPW
CAP = 256
FAR = np.float32(1e9)

RSQM = np.float32(0.1 * 0.1 * 1.001)
NEG_INF = np.float32(-np.inf)
POS_INF = np.float32(np.inf)



def _g_body(x_ref, w_ref, b_ref, o_ref):
    o_ref[...] = (
        jnp.dot(x_ref[...], w_ref[...], preferred_element_type=jnp.float32)
        + b_ref[...]
    )


def _compute_g(x_pad, wx, b2):
    grid = NPAD // 512
    return pl.pallas_call(
        _g_body,
        grid=(grid,),
        in_specs=[
            pl.BlockSpec((512, D), lambda i: (i, 0)),
            pl.BlockSpec((D, D), lambda i: (0, 0)),
            pl.BlockSpec((1, D), lambda i: (0, 0)),
        ],
        out_specs=pl.BlockSpec((512, D), lambda i: (i, 0)),
        out_shape=jax.ShapeDtypeStruct((NPAD, D), jnp.float32),
    )(x_pad, wx, b2)



def _fps_body(px_ref, py_ref, pz_ref, idx_ref, sx_ref, sy_ref, sz_ref):
    px = px_ref[...]
    py = py_ref[...]
    pz = pz_ref[...]
    flat = (lax.broadcasted_iota(jnp.int32, (8, 1280), 0) * 1280
            + lax.broadcasted_iota(jnp.int32, (8, 1280), 1))
    zero = flat == 0
    x0 = jnp.sum(jnp.where(zero, px, 0.0))
    y0 = jnp.sum(jnp.where(zero, py, 0.0))
    z0 = jnp.sum(jnp.where(zero, pz, 0.0))

    idx_ref[0] = jnp.int32(0)
    sx_ref[0] = x0
    sy_ref[0] = y0
    sz_ref[0] = z0

    d0 = (px - x0) ** 2 + (py - y0) ** 2 + (pz - z0) ** 2
    dists = jnp.where(flat < N, d0, NEG_INF)

    def body(i, dists):
        m = jnp.max(dists)
        nxt = jnp.min(jnp.where(dists == m, flat, jnp.int32(2 ** 30)))
        eq = flat == nxt
        sx = jnp.sum(jnp.where(eq, px, 0.0))
        sy = jnp.sum(jnp.where(eq, py, 0.0))
        sz = jnp.sum(jnp.where(eq, pz, 0.0))
        idx_ref[i] = nxt
        sx_ref[i] = sx
        sy_ref[i] = sy
        sz_ref[i] = sz
        dn = (px - sx) ** 2 + (py - sy) ** 2 + (pz - sz) ** 2
        return jnp.minimum(dists, dn)

    lax.fori_loop(1, S, body, dists)

    def pad(i, _):
        idx_ref[i] = jnp.int32(0)
        sx_ref[i] = x0
        sy_ref[i] = y0
        sz_ref[i] = z0
        return 0

    lax.fori_loop(S, SPAD, pad, 0)


def _run_fps(px, py, pz):
    smem = pl.BlockSpec(memory_space=pltpu.SMEM)
    return pl.pallas_call(
        _fps_body,
        out_shape=[
            jax.ShapeDtypeStruct((SPAD,), jnp.int32),
            jax.ShapeDtypeStruct((SPAD,), jnp.float32),
            jax.ShapeDtypeStruct((SPAD,), jnp.float32),
            jax.ShapeDtypeStruct((SPAD,), jnp.float32),
        ],
        out_specs=[smem, smem, smem, smem],
    )(px, py, pz)





def _cmin_body(qx_ref, qy_ref, qz_ref, pxt_ref, pyt_ref, pzt_ref, o_ref):
    qx = qx_ref[...].reshape(256, 1)
    qy = qy_ref[...].reshape(256, 1)
    qz = qz_ref[...].reshape(256, 1)
    cm = jnp.full((256, 640), POS_INF, jnp.float32)
    for t in range(16):
        dx = qx - pxt_ref[t, :].reshape(1, 640)
        dy = qy - pyt_ref[t, :].reshape(1, 640)
        dz = qz - pzt_ref[t, :].reshape(1, 640)
        d2 = (dx * dx + dy * dy) + dz * dz
        cm = jnp.minimum(cm, d2)
    o_ref[...] = cm


def _compute_cmins(qx, qy, qz, pxt, pyt, pzt):
    grid = SPAD // 256
    vec = pl.BlockSpec((256,), lambda i: (i,))
    full = pl.BlockSpec((16, 640), lambda i: (0, 0))
    return pl.pallas_call(
        _cmin_body,
        grid=(grid,),
        in_specs=[vec, vec, vec, full, full, full],
        out_specs=pl.BlockSpec((256, 640), lambda i: (i, 0)),
        out_shape=jax.ShapeDtypeStruct((SPAD, 640), jnp.float32),
    )(qx, qy, qz, pxt, pyt, pzt)


def _sc_conv_body(px_hbm, py_hbm, pz_hbm, qx_hbm, qy_hbm, qz_hbm, g_hbm,
                  wp_hbm, cm_hbm, out_hbm,
                  px_v, py_v, pz_v, qx_v, qy_v, qz_v,
                  ci_v, cx_v, cy_v, cz_v,
                  t_v, cm_v, fi_v, grows_v, wp_v, outq_v, sem):
    nc = 2
    wid = lax.axis_index("s") * nc + lax.axis_index("c")
    pltpu.sync_copy(px_hbm, px_v.at[pl.ds(0, NPAD)])
    pltpu.sync_copy(py_hbm, py_v.at[pl.ds(0, NPAD)])
    pltpu.sync_copy(pz_hbm, pz_v.at[pl.ds(0, NPAD)])
    qbase = wid * QPW
    pltpu.sync_copy(qx_hbm.at[pl.ds(qbase, QPW)], qx_v.at[pl.ds(0, QPW)])
    pltpu.sync_copy(qy_hbm.at[pl.ds(qbase, QPW)], qy_v.at[pl.ds(0, QPW)])
    pltpu.sync_copy(qz_hbm.at[pl.ds(qbase, QPW)], qz_v.at[pl.ds(0, QPW)])
    pltpu.sync_copy(wp_hbm, wp_v)

    def per_query(k, _):
        qxs = qx_v[pl.ds(k, 16)][0]
        qys = qy_v[pl.ds(k, 16)][0]
        qzs = qz_v[pl.ds(k, 16)][0]
        pltpu.sync_copy(cm_hbm.at[pl.ds((qbase + k) * 640, 640)],
                        cm_v.at[pl.ds(0, 640)])

        def chunk(c, nk):
            cmc = cm_v[pl.ds(c, 16)][0]

            def dig(nk):
                base = c * 16
                dx = px_v[pl.ds(base, 16)] - qxs
                dy = py_v[pl.ds(base, 16)] - qys
                dz = pz_v[pl.ds(base, 16)] - qzs
                d2 = (dx * dx + dy * dy) + dz * dz
                t_v[pl.ds(0, 16)] = d2
                for t in range(16):
                    d2t = t_v[pl.ds(t, 16)][0]
                    j = base + t
                    rx = px_v[pl.ds(j, 16)][0] - qxs
                    ry = py_v[pl.ds(j, 16)][0] - qys
                    rz = pz_v[pl.ds(j, 16)][0] - qzs
                    ok = (d2t <= RSQ) & (nk < CAP)
                    tgt = jnp.where(ok, nk, jnp.int32(CAP + 8))
                    ci_v[pl.ds(tgt, 16)] = jnp.full((16,), j, jnp.int32)
                    cx_v[pl.ds(tgt, 16)] = jnp.full((16,), rx, jnp.float32)
                    cy_v[pl.ds(tgt, 16)] = jnp.full((16,), ry, jnp.float32)
                    cz_v[pl.ds(tgt, 16)] = jnp.full((16,), rz, jnp.float32)
                    nk = nk + ok.astype(jnp.int32)
                return nk

            return lax.cond(cmc <= RSQM, dig, lambda nk: nk, nk)

        nk = lax.fori_loop(0, NPAD // 16, chunk, jnp.int32(0))

        @pl.when(nk <= K)
        def _fill():
            c0i = ci_v[pl.ds(0, 16)][0]
            c0x = cx_v[pl.ds(0, 16)][0]
            c0y = cy_v[pl.ds(0, 16)][0]
            c0z = cz_v[pl.ds(0, 16)][0]

            def pad1(t, _):
                ci_v[pl.ds(t, 16)] = jnp.full((16,), c0i, jnp.int32)
                cx_v[pl.ds(t, 16)] = jnp.full((16,), c0x, jnp.float32)
                cy_v[pl.ds(t, 16)] = jnp.full((16,), c0y, jnp.float32)
                cz_v[pl.ds(t, 16)] = jnp.full((16,), c0z, jnp.float32)
                return 0

            lax.fori_loop(nk, K, pad1, 0)

        @pl.when(nk > K)
        def _prune():
            def remove_one(j, nk):
                def scanmax(t, st):
                    bd, bi = st
                    rx = cx_v[pl.ds(t, 16)][0]
                    ry = cy_v[pl.ds(t, 16)][0]
                    rz = cz_v[pl.ds(t, 16)][0]
                    d = (rx * rx + ry * ry) + rz * rz
                    better = (d > bd) | ((d == bd) & (t > bi))
                    return (jnp.where(better, d, bd),
                            jnp.where(better, t, bi))

                bd, bi = lax.fori_loop(0, nk, scanmax,
                                       (NEG_INF, jnp.int32(-1)))
                last = nk - 1
                li = ci_v[pl.ds(last, 16)][0]
                lx = cx_v[pl.ds(last, 16)][0]
                ly = cy_v[pl.ds(last, 16)][0]
                lz = cz_v[pl.ds(last, 16)][0]
                iota = lax.iota(jnp.int32, 16)
                lane0 = iota == 0
                vi = ci_v[pl.ds(bi, 16)]
                ci_v[pl.ds(bi, 16)] = jnp.where(lane0, jnp.full((16,), li), vi)
                vx = cx_v[pl.ds(bi, 16)]
                cx_v[pl.ds(bi, 16)] = jnp.where(lane0, jnp.full((16,), lx), vx)
                vy = cy_v[pl.ds(bi, 16)]
                cy_v[pl.ds(bi, 16)] = jnp.where(lane0, jnp.full((16,), ly), vy)
                vz = cz_v[pl.ds(bi, 16)]
                cz_v[pl.ds(bi, 16)] = jnp.where(lane0, jnp.full((16,), lz), vz)
                return nk - 1

            lax.fori_loop(0, nk - K, remove_one, nk)

        for v in range(K // 16):
            fi_v[pl.ds(v * 16, 16)] = ci_v[pl.ds(v * 16, 16)]
        pltpu.async_copy(g_hbm.at[fi_v], grows_v, sem).wait()

        def pair(kp, acc):
            rxs = cx_v[pl.ds(kp, 16)][0]
            rys = cy_v[pl.ds(kp, 16)][0]
            rzs = cz_v[pl.ds(kp, 16)][0]
            out = []
            for c in range(8):
                gv = grows_v[kp, pl.ds(c * 16, 16)]
                h = (gv + rxs * wp_v[0, pl.ds(c * 16, 16)]
                     + rys * wp_v[1, pl.ds(c * 16, 16)]
                     + rzs * wp_v[2, pl.ds(c * 16, 16)])
                out.append(jnp.maximum(acc[c], jnp.maximum(h, 0.0)))
            return tuple(out)

        acc = lax.fori_loop(0, K, pair,
                            tuple(jnp.zeros((16,), jnp.float32)
                                  for _ in range(8)))
        obase = k * D
        for c in range(8):
            outq_v[pl.ds(obase + c * 16, 16)] = acc[c]
        return 0

    lax.fori_loop(0, QPW, per_query, 0)
    pltpu.sync_copy(outq_v, out_hbm.at[pl.ds(qbase * D, QPW * D)])


def _run_sc_conv(px, py, pz, qx, qy, qz, g, wp, cmins):
    mesh = plsc.VectorSubcoreMesh(core_axis_name="c", subcore_axis_name="s",
                                  num_cores=2, num_subcores=16)
    f = functools.partial(
        pl.kernel,
        out_type=jax.ShapeDtypeStruct((SPAD * D,), jnp.float32),
        mesh=mesh,
        scratch_types=[
            pltpu.VMEM((NPAD + 16,), jnp.float32),
            pltpu.VMEM((NPAD + 16,), jnp.float32),
            pltpu.VMEM((NPAD + 16,), jnp.float32),
            pltpu.VMEM((QPW + 16,), jnp.float32),
            pltpu.VMEM((QPW + 16,), jnp.float32),
            pltpu.VMEM((QPW + 16,), jnp.float32),
            pltpu.VMEM((CAP + 32,), jnp.int32),
            pltpu.VMEM((CAP + 32,), jnp.float32),
            pltpu.VMEM((CAP + 32,), jnp.float32),
            pltpu.VMEM((CAP + 32,), jnp.float32),
            pltpu.VMEM((96,), jnp.float32),
            pltpu.VMEM((640 + 16,), jnp.float32),
            pltpu.VMEM((K,), jnp.int32),
            pltpu.VMEM((K, D), jnp.float32),
            pltpu.VMEM((3, D), jnp.float32),
            pltpu.VMEM((QPW * D,), jnp.float32),
            pltpu.SemaphoreType.DMA,
        ],
    )(_sc_conv_body)
    return f(px, py, pz, qx, qy, qz, g, wp, cmins)



def kernel(x, pos, batch, W, b):
    wx = W[:D, :]
    wp = W[D:, :]
    b2 = b.reshape(1, D)
    x_pad = jnp.pad(x, ((0, NPAD - N), (0, 0)))
    g = _compute_g(x_pad, wx, b2)

    posp = jnp.pad(pos, ((0, NPAD - N), (0, 0)), constant_values=FAR)
    planes = posp.T.reshape(3, 8, 1280)
    idx_pad, selx, sely, selz = _run_fps(planes[0], planes[1], planes[2])

    pts = posp.reshape(640, 16, 3)
    cmins = _compute_cmins(selx, sely, selz,
                           pts[:, :, 0].T.copy(), pts[:, :, 1].T.copy(),
                           pts[:, :, 2].T.copy())

    out_flat = _run_sc_conv(
        planes[0].reshape(NPAD), planes[1].reshape(NPAD),
        planes[2].reshape(NPAD), selx, sely, selz, g, wp,
        cmins.reshape(SPAD * 640))

    out = out_flat.reshape(SPAD, D)[:S]
    idx = idx_pad[:S]
    pos_dst = jnp.stack([selx[:S], sely[:S], selz[:S]], axis=1)
    batch_dst = batch[idx]
    return (out, pos_dst, batch_dst)

# --- scband reference (transcript-rebuilt; emitter-appended) ---
"""Pipeline reference for scband-samodule-51453708206219 (READ-ONLY COPY).

The authoritative reference and input builder live on the scoring server;
editing this copy changes nothing except your own understanding.
"""

import jax, jax.numpy as jnp
import numpy as np

RATIO = 0.5
R = 0.1
MAX_NEIGHBORS = 64


def setup_inputs(seed: int = 0):
    key = jax.random.key(seed)
    k1, k2, k3 = jax.random.split(key, 3)
    N, D = 10000, 128
    x = jax.random.normal(k1, (N, D), dtype=jnp.float32)
    pos = jax.random.uniform(k2, (N, 3), dtype=jnp.float32)
    batch = jnp.zeros((N,), dtype=jnp.int32)
    W = jax.random.normal(k3, (D + 3, D), dtype=jnp.float32) * 0.05
    b = jnp.zeros((D,), dtype=jnp.float32)
    return {"x": x, "pos": pos, "batch": batch, "W": W, "b": b}


def _fps(pos, num_samples):
    # farthest point sampling, deterministic start at index 0
    idxs = jnp.zeros((num_samples,), dtype=jnp.int32)
    dists = jnp.sum((pos - pos[0]) ** 2, axis=-1)

    def body(i, state):
        idxs, dists = state
        nxt = jnp.argmax(dists).astype(jnp.int32)
        idxs = idxs.at[i].set(nxt)
        d = jnp.sum((pos - pos[nxt]) ** 2, axis=-1)
        dists = jnp.minimum(dists, d)
        return (idxs, dists)

    idxs, _ = jax.lax.fori_loop(1, num_samples, body, (idxs, dists))
    return idxs


def _radius_neighbors(pos_src, pos_query, r, max_nn):
    # for each query, up to max_nn source points within radius r (nearest first)
    d2 = jnp.sum((pos_query[:, None, :] - pos_src[None, :, :]) ** 2, axis=-1)
    mask = d2 <= r * r
    neg = jnp.where(mask, -d2, -jnp.inf)
    vals, nbr = jax.lax.top_k(neg, max_nn)
    valid = vals > -jnp.inf
    return nbr, valid


def reference(x, pos, batch, W, b):
    N = pos.shape[0]
    num_samples = int(np.ceil(RATIO * N))
    idx = _fps(pos, num_samples)
    pos_dst = pos[idx]
    nbr, valid = _radius_neighbors(pos, pos_dst, R, MAX_NEIGHBORS)
    # PointNetConv: msg = local_nn(cat([x_j, pos_j - pos_i])), aggr = max
    x_j = x[nbr]                                   # [S, K, D] gather
    rel = pos[nbr] - pos_dst[:, None, :]           # [S, K, 3]
    h = jnp.concatenate([x_j, rel], axis=-1)       # [S, K, D+3]
    h = jax.nn.relu(h @ W + b)                     # [S, K, D]
    h = jnp.where(valid[:, :, None], h, -jnp.inf)
    out = jnp.max(h, axis=1)                       # max aggregation over neighbors
    batch_dst = batch[idx]
    return (out, pos_dst, batch_dst)

if __name__ == "__main__":
    import jax
    _d = setup_inputs()
    print(jax.jit(kernel)(*tuple(_d.values())))

</pallas_src>

<mosaic_0001>
#map = affine_map<(d0, d1) -> (0)>
#map1 = affine_map<(d0, d1) -> (0, 0)>
module attributes {stable_mosaic.version = 14 : i64} {
  func.func @_sc_conv_body(%arg0: i32, %arg1: i32, %arg2: memref<10240xf32, #tpu.memory_space<hbm>>, %arg3: memref<10240xf32, #tpu.memory_space<hbm>>, %arg4: memref<10240xf32, #tpu.memory_space<hbm>>, %arg5: memref<5120xf32, #tpu.memory_space<hbm>>, %arg6: memref<5120xf32, #tpu.memory_space<hbm>>, %arg7: memref<5120xf32, #tpu.memory_space<hbm>>, %arg8: memref<10240x128xf32, #tpu.memory_space<hbm>>, %arg9: memref<3x128xf32, #tpu.memory_space<hbm>>, %arg10: memref<3276800xf32, #tpu.memory_space<hbm>>, %arg11: memref<655360xf32, #tpu.memory_space<hbm>>, %arg12: memref<10256xf32, #tpu.memory_space<vmem>>, %arg13: memref<10256xf32, #tpu.memory_space<vmem>>, %arg14: memref<10256xf32, #tpu.memory_space<vmem>>, %arg15: memref<176xf32, #tpu.memory_space<vmem>>, %arg16: memref<176xf32, #tpu.memory_space<vmem>>, %arg17: memref<176xf32, #tpu.memory_space<vmem>>, %arg18: memref<288xi32, #tpu.memory_space<vmem>>, %arg19: memref<288xf32, #tpu.memory_space<vmem>>, %arg20: memref<288xf32, #tpu.memory_space<vmem>>, %arg21: memref<288xf32, #tpu.memory_space<vmem>>, %arg22: memref<96xf32, #tpu.memory_space<vmem>>, %arg23: memref<656xf32, #tpu.memory_space<vmem>>, %arg24: memref<64xi32, #tpu.memory_space<vmem>>, %arg25: memref<64x128xf32, #tpu.memory_space<vmem>>, %arg26: memref<3x128xf32, #tpu.memory_space<vmem>>, %arg27: memref<20480xf32, #tpu.memory_space<vmem>>, %arg28: memref<!tpu.dma_semaphore, #tpu.memory_space<semaphore_mem>>) attributes {dimension_semantics = [#tpu.dimension_semantics<core_parallel>, #tpu.dimension_semantics<subcore_parallel>], iteration_bounds = array<i64: 2, 16>, scalar_prefetch = 0 : i64, scratch_operands = 17 : i64, tpu.core_type = #tpu.core_type<sc_vector_subcore>, window_params = [{transform_indices = #map}, {transform_indices = #map}, {transform_indices = #map}, {transform_indices = #map}, {transform_indices = #map}, {transform_indices = #map}, {transform_indices = #map1}, {transform_indices = #map1}, {transform_indices = #map}, {transform_indices = #map}]} {
    %mul3A = arith.constant 2 : i32
    %mul3A_0 = arith.muli %arg1, %mul3A : i32
    %add3A = arith.addi %mul3A_0, %arg0 : i32
    "tpu.region"() ({
      %run_scoped3A = tpu.sem_alloc : memref<!tpu.dma_semaphore, #tpu.memory_space<semaphore_mem>>
      %dma_start3A = arith.constant 0 : i32
      %dma_start3A_11 = tpu.memref_slice %arg12[%dma_start3A] : memref<10256xf32, #tpu.memory_space<vmem>> -> memref<10240xf32, #tpu.memory_space<vmem>>
      %dma_start3A_12 = arith.constant 0 : i32
      %dma_start3A_13 = tpu.memref_slice %arg12[%dma_start3A_12] : memref<10256xf32, #tpu.memory_space<vmem>> -> memref<10240xf32, #tpu.memory_space<vmem>>
      tpu.enqueue_dma source(%arg2 : memref<10240xf32, #tpu.memory_space<hbm>>) target(%dma_start3A_13 : memref<10240xf32, #tpu.memory_space<vmem>>) target_semaphore(%run_scoped3A : memref<!tpu.dma_semaphore, #tpu.memory_space<semaphore_mem>>)
      %dma_wait3A = arith.constant 0 : i32
      %dma_wait3A_14 = tpu.memref_slice %arg12[%dma_wait3A] : memref<10256xf32, #tpu.memory_space<vmem>> -> memref<10240xf32, #tpu.memory_space<vmem>>
      %dma_wait3A_15 = arith.constant 0 : i32
      %dma_wait3A_16 = tpu.memref_slice %arg12[%dma_wait3A_15] : memref<10256xf32, #tpu.memory_space<vmem>> -> memref<10240xf32, #tpu.memory_space<vmem>>
      tpu.wait_dma2 semaphore(%run_scoped3A : memref<!tpu.dma_semaphore, #tpu.memory_space<semaphore_mem>>) src(%arg2 : memref<10240xf32, #tpu.memory_space<hbm>>) dst(%dma_wait3A_16 : memref<10240xf32, #tpu.memory_space<vmem>>)
      tpu.yield
    }) : () -> ()
    "tpu.region"() ({
      %run_scoped3A = tpu.sem_alloc : memref<!tpu.dma_semaphore, #tpu.memory_space<semaphore_mem>>
      %dma_start3A = arith.constant 0 : i32
      %dma_start3A_11 = tpu.memref_slice %arg13[%dma_start3A] : memref<10256xf32, #tpu.memory_space<vmem>> -> memref<10240xf32, #tpu.memory_space<vmem>>
      %dma_start3A_12 = arith.constant 0 : i32
      %dma_start3A_13 = tpu.memref_slice %arg13[%dma_start3A_12] : memref<10256xf32, #tpu.memory_space<vmem>> -> memref<10240xf32, #tpu.memory_space<vmem>>
      tpu.enqueue_dma source(%arg3 : memref<10240xf32, #tpu.memory_space<hbm>>) target(%dma_start3A_13 : memref<10240xf32, #tpu.memory_space<vmem>>) target_semaphore(%run_scoped3A : memref<!tpu.dma_semaphore, #tpu.memory_space<semaphore_mem>>)
      %dma_wait3A = arith.constant 0 : i32
      %dma_wait3A_14 = tpu.memref_slice %arg13[%dma_wait3A] : memref<10256xf32, #tpu.memory_space<vmem>> -> memref<10240xf32, #tpu.memory_space<vmem>>
      %dma_wait3A_15 = arith.constant 0 : i32
      %dma_wait3A_16 = tpu.memref_slice %arg13[%dma_wait3A_15] : memref<10256xf32, #tpu.memory_space<vmem>> -> memref<10240xf32, #tpu.memory_space<vmem>>
      tpu.wait_dma2 semaphore(%run_scoped3A : memref<!tpu.dma_semaphore, #tpu.memory_space<semaphore_mem>>) src(%arg3 : memref<10240xf32, #tpu.memory_space<hbm>>) dst(%dma_wait3A_16 : memref<10240xf32, #tpu.memory_space<vmem>>)
      tpu.yield
    }) : () -> ()
    "tpu.region"() ({
      %run_scoped3A = tpu.sem_alloc : memref<!tpu.dma_semaphore, #tpu.memory_space<semaphore_mem>>
      %dma_start3A = arith.constant 0 : i32
      %dma_start3A_11 = tpu.memref_slice %arg14[%dma_start3A] : memref<10256xf32, #tpu.memory_space<vmem>> -> memref<10240xf32, #tpu.memory_space<vmem>>
      %dma_start3A_12 = arith.constant 0 : i32
      %dma_start3A_13 = tpu.memref_slice %arg14[%dma_start3A_12] : memref<10256xf32, #tpu.memory_space<vmem>> -> memref<10240xf32, #tpu.memory_space<vmem>>
      tpu.enqueue_dma source(%arg4 : memref<10240xf32, #tpu.memory_space<hbm>>) target(%dma_start3A_13 : memref<10240xf32, #tpu.memory_space<vmem>>) target_semaphore(%run_scoped3A : memref<!tpu.dma_semaphore, #tpu.memory_space<semaphore_mem>>)
      %dma_wait3A = arith.constant 0 : i32
      %dma_wait3A_14 = tpu.memref_slice %arg14[%dma_wait3A] : memref<10256xf32, #tpu.memory_space<vmem>> -> memref<10240xf32, #tpu.memory_space<vmem>>
      %dma_wait3A_15 = arith.constant 0 : i32
      %dma_wait3A_16 = tpu.memref_slice %arg14[%dma_wait3A_15] : memref<10256xf32, #tpu.memory_space<vmem>> -> memref<10240xf32, #tpu.memory_space<vmem>>
      tpu.wait_dma2 semaphore(%run_scoped3A : memref<!tpu.dma_semaphore, #tpu.memory_space<semaphore_mem>>) src(%arg4 : memref<10240xf32, #tpu.memory_space<hbm>>) dst(%dma_wait3A_16 : memref<10240xf32, #tpu.memory_space<vmem>>)
      tpu.yield
    }) : () -> ()
    %mul3A_1 = arith.constant 160 : i32
    %mul3A_2 = arith.muli %add3A, %mul3A_1 : i32
    "tpu.region"() ({
      %run_scoped3A = tpu.sem_alloc : memref<!tpu.dma_semaphore, #tpu.memory_space<semaphore_mem>>
      %dma_start3A = arith.constant 0 : i32
      %dma_start3A_11 = tpu.memref_slice %arg15[%dma_start3A] : memref<176xf32, #tpu.memory_space<vmem>> -> memref<160xf32, #tpu.memory_space<vmem>>
      %dma_start3A_12 = tpu.memref_slice %arg5[%mul3A_2] : memref<5120xf32, #tpu.memory_space<hbm>> -> memref<160xf32, #tpu.memory_space<hbm>>
      %dma_start3A_13 = arith.constant 0 : i32
      %dma_start3A_14 = tpu.memref_slice %arg15[%dma_start3A_13] : memref<176xf32, #tpu.memory_space<vmem>> -> memref<160xf32, #tpu.memory_space<vmem>>
      %dma_start3A_15 = tpu.memref_slice %arg5[%mul3A_2] : memref<5120xf32, #tpu.memory_space<hbm>> -> memref<160xf32, #tpu.memory_space<hbm>>
      tpu.enqueue_dma source(%dma_start3A_15 : memref<160xf32, #tpu.memory_space<hbm>>) target(%dma_start3A_14 : memref<160xf32, #tpu.memory_space<vmem>>) target_semaphore(%run_scoped3A : memref<!tpu.dma_semaphore, #tpu.memory_space<semaphore_mem>>)
      %dma_wait3A = arith.constant 0 : i32
      %dma_wait3A_16 = tpu.memref_slice %arg15[%dma_wait3A] : memref<176xf32, #tpu.memory_space<vmem>> -> memref<160xf32, #tpu.memory_space<vmem>>
      %dma_wait3A_17 = tpu.memref_slice %arg5[%mul3A_2] : memref<5120xf32, #tpu.memory_space<hbm>> -> memref<160xf32, #tpu.memory_space<hbm>>
      %dma_wait3A_18 = arith.constant 0 : i32
      %dma_wait3A_19 = tpu.memref_slice %arg15[%dma_wait3A_18] : memref<176xf32, #tpu.memory_space<vmem>> -> memref<160xf32, #tpu.memory_space<vmem>>
      %dma_wait3A_20 = tpu.memref_slice %arg5[%mul3A_2] : memref<5120xf32, #tpu.memory_space<hbm>> -> memref<160xf32, #tpu.memory_space<hbm>>
      tpu.wait_dma2 semaphore(%run_scoped3A : memref<!tpu.dma_semaphore, #tpu.memory_space<semaphore_mem>>) src(%dma_wait3A_20 : memref<160xf32, #tpu.memory_space<hbm>>) dst(%dma_wait3A_19 : memref<160xf32, #tpu.memory_space<vmem>>)
      tpu.yield
    }) : () -> ()
    "tpu.region"() ({
      %run_scoped3A = tpu.sem_alloc : memref<!tpu.dma_semaphore, #tpu.memory_space<semaphore_mem>>
      %dma_start3A = arith.constant 0 : i32
      %dma_start3A_11 = tpu.memref_slice %arg16[%dma_start3A] : memref<176xf32, #tpu.memory_space<vmem>> -> memref<160xf32, #tpu.memory_space<vmem>>
      %dma_start3A_12 = tpu.memref_slice %arg6[%mul3A_2] : memref<5120xf32, #tpu.memory_space<hbm>> -> memref<160xf32, #tpu.memory_space<hbm>>
      %dma_start3A_13 = arith.constant 0 : i32
      %dma_start3A_14 = tpu.memref_slice %arg16[%dma_start3A_13] : memref<176xf32, #tpu.memory_space<vmem>> -> memref<160xf32, #tpu.memory_space<vmem>>
      %dma_start3A_15 = tpu.memref_slice %arg6[%mul3A_2] : memref<5120xf32, #tpu.memory_space<hbm>> -> memref<160xf32, #tpu.memory_space<hbm>>
      tpu.enqueue_dma source(%dma_start3A_15 : memref<160xf32, #tpu.memory_space<hbm>>) target(%dma_start3A_14 : memref<160xf32, #tpu.memory_space<vmem>>) target_semaphore(%run_scoped3A : memref<!tpu.dma_semaphore, #tpu.memory_space<semaphore_mem>>)
      %dma_wait3A = arith.constant 0 : i32
      %dma_wait3A_16 = tpu.memref_slice %arg16[%dma_wait3A] : memref<176xf32, #tpu.memory_space<vmem>> -> memref<160xf32, #tpu.memory_space<vmem>>
      %dma_wait3A_17 = tpu.memref_slice %arg6[%mul3A_2] : memref<5120xf32, #tpu.memory_space<hbm>> -> memref<160xf32, #tpu.memory_space<hbm>>
      %dma_wait3A_18 = arith.constant 0 : i32
      %dma_wait3A_19 = tpu.memref_slice %arg16[%dma_wait3A_18] : memref<176xf32, #tpu.memory_space<vmem>> -> memref<160xf32, #tpu.memory_space<vmem>>
      %dma_wait3A_20 = tpu.memref_slice %arg6[%mul3A_2] : memref<5120xf32, #tpu.memory_space<hbm>> -> memref<160xf32, #tpu.memory_space<hbm>>
      tpu.wait_dma2 semaphore(%run_scoped3A : memref<!tpu.dma_semaphore, #tpu.memory_space<semaphore_mem>>) src(%dma_wait3A_20 : memref<160xf32, #tpu.memory_space<hbm>>) dst(%dma_wait3A_19 : memref<160xf32, #tpu.memory_space<vmem>>)
      tpu.yield
    }) : () -> ()
    "tpu.region"() ({
      %run_scoped3A = tpu.sem_alloc : memref<!tpu.dma_semaphore, #tpu.memory_space<semaphore_mem>>
      %dma_start3A = arith.constant 0 : i32
      %dma_start3A_11 = tpu.memref_slice %arg17[%dma_start3A] : memref<176xf32, #tpu.memory_space<vmem>> -> memref<160xf32, #tpu.memory_space<vmem>>
      %dma_start3A_12 = tpu.memref_slice %arg7[%mul3A_2] : memref<5120xf32, #tpu.memory_space<hbm>> -> memref<160xf32, #tpu.memory_space<hbm>>
      %dma_start3A_13 = arith.constant 0 : i32
      %dma_start3A_14 = tpu.memref_slice %arg17[%dma_start3A_13] : memref<176xf32, #tpu.memory_space<vmem>> -> memref<160xf32, #tpu.memory_space<vmem>>
      %dma_start3A_15 = tpu.memref_slice %arg7[%mul3A_2] : memref<5120xf32, #tpu.memory_space<hbm>> -> memref<160xf32, #tpu.memory_space<hbm>>
      tpu.enqueue_dma source(%dma_start3A_15 : memref<160xf32, #tpu.memory_space<hbm>>) target(%dma_start3A_14 : memref<160xf32, #tpu.memory_space<vmem>>) target_semaphore(%run_scoped3A : memref<!tpu.dma_semaphore, #tpu.memory_space<semaphore_mem>>)
      %dma_wait3A = arith.constant 0 : i32
      %dma_wait3A_16 = tpu.memref_slice %arg17[%dma_wait3A] : memref<176xf32, #tpu.memory_space<vmem>> -> memref<160xf32, #tpu.memory_space<vmem>>
      %dma_wait3A_17 = tpu.memref_slice %arg7[%mul3A_2] : memref<5120xf32, #tpu.memory_space<hbm>> -> memref<160xf32, #tpu.memory_space<hbm>>
      %dma_wait3A_18 = arith.constant 0 : i32
      %dma_wait3A_19 = tpu.memref_slice %arg17[%dma_wait3A_18] : memref<176xf32, #tpu.memory_space<vmem>> -> memref<160xf32, #tpu.memory_space<vmem>>
      %dma_wait3A_20 = tpu.memref_slice %arg7[%mul3A_2] : memref<5120xf32, #tpu.memory_space<hbm>> -> memref<160xf32, #tpu.memory_space<hbm>>
      tpu.wait_dma2 semaphore(%run_scoped3A : memref<!tpu.dma_semaphore, #tpu.memory_space<semaphore_mem>>) src(%dma_wait3A_20 : memref<160xf32, #tpu.memory_space<hbm>>) dst(%dma_wait3A_19 : memref<160xf32, #tpu.memory_space<vmem>>)
      tpu.yield
    }) : () -> ()
    "tpu.region"() ({
      %run_scoped3A = tpu.sem_alloc : memref<!tpu.dma_semaphore, #tpu.memory_space<semaphore_mem>>
      tpu.enqueue_dma source(%arg9 : memref<3x128xf32, #tpu.memory_space<hbm>>) target(%arg26 : memref<3x128xf32, #tpu.memory_space<vmem>>) target_semaphore(%run_scoped3A : memref<!tpu.dma_semaphore, #tpu.memory_space<semaphore_mem>>)
      tpu.wait_dma2 semaphore(%run_scoped3A : memref<!tpu.dma_semaphore, #tpu.memory_space<semaphore_mem>>) src(%arg9 : memref<3x128xf32, #tpu.memory_space<hbm>>) dst(%arg26 : memref<3x128xf32, #tpu.memory_space<vmem>>)
      tpu.yield
    }) : () -> ()
    %scan3A = arith.constant 0 : i32
    %scan3A_3 = arith.constant 0 : i32
    %scan3A_4 = arith.constant 160 : i32
    %scan3A_5 = arith.addi %scan3A_3, %scan3A_4 : i32
    %scan3A_6 = arith.constant 1 : i32
    %scan3A_7 = scf.for %scan3A_11 = %scan3A_3 to %scan3A_5 step %scan3A_6 iter_args(%scan3A_12 = %scan3A) -> (i32)  : i32 {
      %get3A = arith.index_cast %scan3A_11 : i32 to index
      %get3A_13 = tpu.vector_load %arg15[%get3A] {strides = array<i32>} : memref<176xf32, #tpu.memory_space<vmem>>, vector<16xf32>,
      %get3A_14 = vector.shape_cast %get3A_13 : vector<16xf32> to vector<16xf32>
      %slice3A = vector.extract_strided_slice %get3A_14 {offsets = [0], sizes = [1], strides = [1]} : vector<16xf32> to vector<1xf32>
      %squeeze3A = vector.extract %slice3A[0] : f32 from vector<1xf32>
      %get3A_15 = arith.index_cast %scan3A_11 : i32 to index
      %get3A_16 = tpu.vector_load %arg16[%get3A_15] {strides = array<i32>} : memref<176xf32, #tpu.memory_space<vmem>>, vector<16xf32>,
      %get3A_17 = vector.shape_cast %get3A_16 : vector<16xf32> to vector<16xf32>
      %slice3A_18 = vector.extract_strided_slice %get3A_17 {offsets = [0], sizes = [1], strides = [1]} : vector<16xf32> to vector<1xf32>
      %squeeze3A_19 = vector.extract %slice3A_18[0] : f32 from vector<1xf32>
      %get3A_20 = arith.index_cast %scan3A_11 : i32 to index
      %get3A_21 = tpu.vector_load %arg17[%get3A_20] {strides = array<i32>} : memref<176xf32, #tpu.memory_space<vmem>>, vector<16xf32>,
      %get3A_22 = vector.shape_cast %get3A_21 : vector<16xf32> to vector<16xf32>
      %slice3A_23 = vector.extract_strided_slice %get3A_22 {offsets = [0], sizes = [1], strides = [1]} : vector<16xf32> to vector<1xf32>
      %squeeze3A_24 = vector.extract %slice3A_23[0] : f32 from vector<1xf32>
      %add3A_25 = arith.addi %mul3A_2, %scan3A_11 : i32
      %mul3A_26 = arith.constant 640 : i32
      %mul3A_27 = arith.muli %add3A_25, %mul3A_26 : i32
      "tpu.region"() ({
        %run_scoped3A = tpu.sem_alloc : memref<!tpu.dma_semaphore, #tpu.memory_space<semaphore_mem>>
        %dma_start3A_144 = arith.constant 0 : i32
        %dma_start3A_145 = tpu.memref_slice %arg23[%dma_start3A_144] : memref<656xf32, #tpu.memory_space<vmem>> -> memref<640xf32, #tpu.memory_space<vmem>>
        %dma_start3A_146 = tpu.memref_slice %arg10[%mul3A_27] : memref<3276800xf32, #tpu.memory_space<hbm>> -> memref<640xf32, #tpu.memory_space<hbm>>
        %dma_start3A_147 = arith.constant 0 : i32
        %dma_start3A_148 = tpu.memref_slice %arg23[%dma_start3A_147] : memref<656xf32, #tpu.memory_space<vmem>> -> memref<640xf32, #tpu.memory_space<vmem>>
        %dma_start3A_149 = tpu.memref_slice %arg10[%mul3A_27] : memref<3276800xf32, #tpu.memory_space<hbm>> -> memref<640xf32, #tpu.memory_space<hbm>>
        tpu.enqueue_dma source(%dma_start3A_149 : memref<640xf32, #tpu.memory_space<hbm>>) target(%dma_start3A_148 : memref<640xf32, #tpu.memory_space<vmem>>) target_semaphore(%run_scoped3A : memref<!tpu.dma_semaphore, #tpu.memory_space<semaphore_mem>>)
        %dma_wait3A_150 = arith.constant 0 : i32
        %dma_wait3A_151 = tpu.memref_slice %arg23[%dma_wait3A_150] : memref<656xf32, #tpu.memory_space<vmem>> -> memref<640xf32, #tpu.memory_space<vmem>>
        %dma_wait3A_152 = tpu.memref_slice %arg10[%mul3A_27] : memref<3276800xf32, #tpu.memory_space<hbm>> -> memref<640xf32, #tpu.memory_space<hbm>>
        %dma_wait3A_153 = arith.constant 0 : i32
        %dma_wait3A_154 = tpu.memref_slice %arg23[%dma_wait3A_153] : memref<656xf32, #tpu.memory_space<vmem>> -> memref<640xf32, #tpu.memory_space<vmem>>
        %dma_wait3A_155 = tpu.memref_slice %arg10[%mul3A_27] : memref<3276800xf32, #tpu.memory_space<hbm>> -> memref<640xf32, #tpu.memory_space<hbm>>
        tpu.wait_dma2 semaphore(%run_scoped3A : memref<!tpu.dma_semaphore, #tpu.memory_space<semaphore_mem>>) src(%dma_wait3A_155 : memref<640xf32, #tpu.memory_space<hbm>>) dst(%dma_wait3A_154 : memref<640xf32, #tpu.memory_space<vmem>>)
        tpu.yield
      }) : () -> ()
      %scan3A_28 = arith.constant 0 : i32
      %scan3A_29 = arith.constant 0 : i32
      %scan3A_30 = arith.constant 640 : i32
      %scan3A_31 = arith.addi %scan3A_29, %scan3A_30 : i32
      %scan3A_32 = arith.constant 1 : i32
      %scan3A_33 = scf.for %scan3A_144 = %scan3A_29 to %scan3A_31 step %scan3A_32 iter_args(%scan3A_145 = %scan3A_28) -> (i32)  : i32 {
        %get3A_146 = arith.index_cast %scan3A_144 : i32 to index
        %get3A_147 = tpu.vector_load %arg23[%get3A_146] {strides = array<i32>} : memref<656xf32, #tpu.memory_space<vmem>>, vector<16xf32>,
        %get3A_148 = vector.shape_cast %get3A_147 : vector<16xf32> to vector<16xf32>
        %slice3A_149 = vector.extract_strided_slice %get3A_148 {offsets = [0], sizes = [1], strides = [1]} : vector<16xf32> to vector<1xf32>
        %squeeze3A_150 = vector.extract %slice3A_149[0] : f32 from vector<1xf32>
        %le3A_151 = arith.constant 1.001000e-02 : f32
        %le3A_152 = arith.cmpf ole, %squeeze3A_150, %le3A_151 : f32
        %convert_element_type3A_153 = arith.extui %le3A_152 : i1 to i32
        %cond3A_154 = arith.constant 0 : i32
        %cond3A_155 = arith.cmpi ne, %convert_element_type3A_153, %cond3A_154 : i32
        %cond3A_156 = scf.if %cond3A_155 -> (i32) {
          %mul3A_157 = arith.constant 16 : i32
          %mul3A_158 = arith.muli %scan3A_144, %mul3A_157 : i32
          %get3A_159 = arith.index_cast %mul3A_158 : i32 to index
          %get3A_160 = tpu.vector_load %arg12[%get3A_159] {strides = array<i32>} : memref<10256xf32, #tpu.memory_space<vmem>>, vector<16xf32>,
          %get3A_161 = vector.shape_cast %get3A_160 : vector<16xf32> to vector<16xf32>
          %sub3A = vector.broadcast %squeeze3A : f32 to vector<16xf32>
          %sub3A_162 = arith.subf %get3A_161, %sub3A : vector<16xf32>
          %get3A_163 = arith.index_cast %mul3A_158 : i32 to index
          %get3A_164 = tpu.vector_load %arg13[%get3A_163] {strides = array<i32>} : memref<10256xf32, #tpu.memory_space<vmem>>, vector<16xf32>,
          %get3A_165 = vector.shape_cast %get3A_164 : vector<16xf32> to vector<16xf32>
          %sub3A_166 = vector.broadcast %squeeze3A_19 : f32 to vector<16xf32>
          %sub3A_167 = arith.subf %get3A_165, %sub3A_166 : vector<16xf32>
          %get3A_168 = arith.index_cast %mul3A_158 : i32 to index
          %get3A_169 = tpu.vector_load %arg14[%get3A_168] {strides = array<i32>} : memref<10256xf32, #tpu.memory_space<vmem>>, vector<16xf32>,
          %get3A_170 = vector.shape_cast %get3A_169 : vector<16xf32> to vector<16xf32>
          %sub3A_171 = vector.broadcast %squeeze3A_24 : f32 to vector<16xf32>
          %sub3A_172 = arith.subf %get3A_170, %sub3A_171 : vector<16xf32>
          %mul3A_173 = arith.mulf %sub3A_162, %sub3A_162 : vector<16xf32>
          %mul3A_174 = arith.mulf %sub3A_167, %sub3A_167 : vector<16xf32>
          %add3A_175 = arith.addf %mul3A_173, %mul3A_174 : vector<16xf32>
          %mul3A_176 = arith.mulf %sub3A_172, %sub3A_172 : vector<16xf32>
          %add3A_177 = arith.addf %add3A_175, %mul3A_176 : vector<16xf32>
          %swap3A_178 = arith.constant 0 : index
          %swap3A_179 = tpu.vector_load %arg22[%swap3A_178] {strides = array<i32>} : memref<96xf32, #tpu.memory_space<vmem>>, vector<16xf32>,
          %swap3A_180 = vector.shape_cast %swap3A_179 : vector<16xf32> to vector<16xf32>
          %swap3A_181 = vector.shape_cast %add3A_177 : vector<16xf32> to vector<16xf32>
          tpu.vector_store %arg22[%swap3A_178], %swap3A_181 {strides = array<i32>} : memref<96xf32, #tpu.memory_space<vmem>>, vector<16xf32>,
          %get3A_182 = arith.constant 0 : index
          %get3A_183 = tpu.vector_load %arg22[%get3A_182] {strides = array<i32>} : memref<96xf32, #tpu.memory_space<vmem>>, vector<16xf32>,
          %get3A_184 = vector.shape_cast %get3A_183 : vector<16xf32> to vector<16xf32>
          %slice3A_185 = vector.extract_strided_slice %get3A_184 {offsets = [0], sizes = [1], strides = [1]} : vector<16xf32> to vector<1xf32>
          %squeeze3A_186 = vector.extract %slice3A_185[0] : f32 from vector<1xf32>
          %add3A_187 = arith.constant 0 : i32
          %add3A_188 = arith.addi %mul3A_158, %add3A_187 : i32
          %get3A_189 = arith.index_cast %add3A_188 : i32 to index
          %get3A_190 = tpu.vector_load %arg12[%get3A_189] {strides = array<i32>} : memref<10256xf32, #tpu.memory_space<vmem>>, vector<16xf32>,
          %get3A_191 = vector.shape_cast %get3A_190 : vector<16xf32> to vector<16xf32>
          %slice3A_192 = vector.extract_strided_slice %get3A_191 {offsets = [0], sizes = [1], strides = [1]} : vector<16xf32> to vector<1xf32>
          %squeeze3A_193 = vector.extract %slice3A_192[0] : f32 from vector<1xf32>
          %sub3A_194 = arith.subf %squeeze3A_193, %squeeze3A : f32
          %get3A_195 = arith.index_cast %add3A_188 : i32 to index
          %get3A_196 = tpu.vector_load %arg13[%get3A_195] {strides = array<i32>} : memref<10256xf32, #tpu.memory_space<vmem>>, vector<16xf32>,
          %get3A_197 = vector.shape_cast %get3A_196 : vector<16xf32> to vector<16xf32>
          %slice3A_198 = vector.extract_strided_slice %get3A_197 {offsets = [0], sizes = [1], strides = [1]} : vector<16xf32> to vector<1xf32>
          %squeeze3A_199 = vector.extract %slice3A_198[0] : f32 from vector<1xf32>
          %sub3A_200 = arith.subf %squeeze3A_199, %squeeze3A_19 : f32
          %get3A_201 = arith.index_cast %add3A_188 : i32 to index
          %get3A_202 = tpu.vector_load %arg14[%get3A_201] {strides = array<i32>} : memref<10256xf32, #tpu.memory_space<vmem>>, vector<16xf32>,
          %get3A_203 = vector.shape_cast %get3A_202 : vector<16xf32> to vector<16xf32>
          %slice3A_204 = vector.extract_strided_slice %get3A_203 {offsets = [0], sizes = [1], strides = [1]} : vector<16xf32> to vector<1xf32>
          %squeeze3A_205 = vector.extract %slice3A_204[0] : f32 from vector<1xf32>
          %sub3A_206 = arith.subf %squeeze3A_205, %squeeze3A_24 : f32
          %le3A_207 = arith.constant 0.00999999977 : f32
          %le3A_208 = arith.cmpf ole, %squeeze3A_186, %le3A_207 : f32
          %lt3A = arith.constant 256 : i32
          %lt3A_209 = arith.cmpi slt, %scan3A_145, %lt3A : i32
          %and3A = arith.andi %le3A_208, %lt3A_209 : i1
          %jit3A = arith.constant 264 : i32
          %select_n3A = arith.select %and3A, %scan3A_145, %jit3A : i32
          %broadcast_in_dim3A_210 = vector.broadcast %add3A_188 : i32 to vector<16xi32>
          %swap3A_211 = arith.index_cast %select_n3A : i32 to index
          %swap3A_212 = tpu.vector_load %arg18[%swap3A_211] {strides = array<i32>} : memref<288xi32, #tpu.memory_space<vmem>>, vector<16xi32>,
          %swap3A_213 = vector.shape_cast %swap3A_212 : vector<16xi32> to vector<16xi32>
          %swap3A_214 = vector.shape_cast %broadcast_in_dim3A_210 : vector<16xi32> to vector<16xi32>
          tpu.vector_store %arg18[%swap3A_211], %swap3A_214 {strides = array<i32>} : memref<288xi32, #tpu.memory_space<vmem>>, vector<16xi32>,
          %broadcast_in_dim3A_215 = vector.broadcast %sub3A_194 : f32 to vector<16xf32>
          %swap3A_216 = arith.index_cast %select_n3A : i32 to index
          %swap3A_217 = tpu.vector_load %arg19[%swap3A_216] {strides = array<i32>} : memref<288xf32, #tpu.memory_space<vmem>>, vector<16xf32>,
          %swap3A_218 = vector.shape_cast %swap3A_217 : vector<16xf32> to vector<16xf32>
          %swap3A_219 = vector.shape_cast %broadcast_in_dim3A_215 : vector<16xf32> to vector<16xf32>
          tpu.vector_store %arg19[%swap3A_216], %swap3A_219 {strides = array<i32>} : memref<288xf32, #tpu.memory_space<vmem>>, vector<16xf32>,
          %broadcast_in_dim3A_220 = vector.broadcast %sub3A_200 : f32 to vector<16xf32>
          %swap3A_221 = arith.index_cast %select_n3A : i32 to index
          %swap3A_222 = tpu.vector_load %arg20[%swap3A_221] {strides = array<i32>} : memref<288xf32, #tpu.memory_space<vmem>>, vector<16xf32>,
          %swap3A_223 = vector.shape_cast %swap3A_222 : vector<16xf32> to vector<16xf32>
          %swap3A_224 = vector.shape_cast %broadcast_in_dim3A_220 : vector<16xf32> to vector<16xf32>
          tpu.vector_store %arg20[%swap3A_221], %swap3A_224 {strides = array<i32>} : memref<288xf32, #tpu.memory_space<vmem>>, vector<16xf32>,
          %broadcast_in_dim3A_225 = vector.broadcast %sub3A_206 : f32 to vector<16xf32>
          %swap3A_226 = arith.index_cast %select_n3A : i32 to index
          %swap3A_227 = tpu.vector_load %arg21[%swap3A_226] {strides = array<i32>} : memref<288xf32, #tpu.memory_space<vmem>>, vector<16xf32>,
          %swap3A_228 = vector.shape_cast %swap3A_227 : vector<16xf32> to vector<16xf32>
          %swap3A_229 = vector.shape_cast %broadcast_in_dim3A_225 : vector<16xf32> to vector<16xf32>
          tpu.vector_store %arg21[%swap3A_226], %swap3A_229 {strides = array<i32>} : memref<288xf32, #tpu.memory_space<vmem>>, vector<16xf32>,
          %convert_element_type3A_230 = arith.extui %and3A : i1 to i32
          %add3A_231 = arith.addi %scan3A_145, %convert_element_type3A_230 : i32
          %get3A_232 = arith.constant 1 : index
          %get3A_233 = tpu.vector_load %arg22[%get3A_232] {strides = array<i32>} : memref<96xf32, #tpu.memory_space<vmem>>, vector<16xf32>,
          %get3A_234 = vector.shape_cast %get3A_233 : vector<16xf32> to vector<16xf32>
          %slice3A_235 = vector.extract_strided_slice %get3A_234 {offsets = [0], sizes = [1], strides = [1]} : vector<16xf32> to vector<1xf32>
          %squeeze3A_236 = vector.extract %slice3A_235[0] : f32 from vector<1xf32>
          %add3A_237 = arith.constant 1 : i32
          %add3A_238 = arith.addi %mul3A_158, %add3A_237 : i32
          %get3A_239 = arith.index_cast %add3A_238 : i32 to index
          %get3A_240 = tpu.vector_load %arg12[%get3A_239] {strides = array<i32>} : memref<10256xf32, #tpu.memory_space<vmem>>, vector<16xf32>,
          %get3A_241 = vector.shape_cast %get3A_240 : vector<16xf32> to vector<16xf32>
          %slice3A_242 = vector.extract_strided_slice %get3A_241 {offsets = [0], sizes = [1], strides = [1]} : vector<16xf32> to vector<1xf32>
          %squeeze3A_243 = vector.extract %slice3A_242[0] : f32 from vector<1xf32>
          %sub3A_244 = arith.subf %squeeze3A_243, %squeeze3A : f32
          %get3A_245 = arith.index_cast %add3A_238 : i32 to index
          %get3A_246 = tpu.vector_load %arg13[%get3A_245] {strides = array<i32>} : memref<10256xf32, #tpu.memory_space<vmem>>, vector<16xf32>,
          %get3A_247 = vector.shape_cast %get3A_246 : vector<16xf32> to vector<16xf32>
          %slice3A_248 = vector.extract_strided_slice %get3A_247 {offsets = [0], sizes = [1], strides = [1]} : vector<16xf32> to vector<1xf32>
          %squeeze3A_249 = vector.extract %slice3A_248[0] : f32 from vector<1xf32>
          %sub3A_250 = arith.subf %squeeze3A_249, %squeeze3A_19 : f32
          %get3A_251 = arith.index_cast %add3A_238 : i32 to index
          %get3A_252 = tpu.vector_load %arg14[%get3A_251] {strides = array<i32>} : memref<10256xf32, #tpu.memory_space<vmem>>, vector<16xf32>,
          %get3A_253 = vector.shape_cast %get3A_252 : vector<16xf32> to vector<16xf32>
          %slice3A_254 = vector.extract_strided_slice %get3A_253 {offsets = [0], sizes = [1], strides = [1]} : vector<16xf32> to vector<1xf32>
          %squeeze3A_255 = vector.extract %slice3A_254[0] : f32 from vector<1xf32>
          %sub3A_256 = arith.subf %squeeze3A_255, %squeeze3A_24 : f32
          %le3A_257 = arith.constant 0.00999999977 : f32
          %le3A_258 = arith.cmpf ole, %squeeze3A_236, %le3A_257 : f32
          %lt3A_259 = arith.constant 256 : i32
          %lt3A_260 = arith.cmpi slt, %add3A_231, %lt3A_259 : i32
          %and3A_261 = arith.andi %le3A_258, %lt3A_260 : i1
          %jit3A_262 = arith.constant 264 : i32
          %select_n3A_263 = arith.select %and3A_261, %add3A_231, %jit3A_262 : i32
          %broadcast_in_dim3A_264 = vector.broadcast %add3A_238 : i32 to vector<16xi32>
          %swap3A_265 = arith.index_cast %select_n3A_263 : i32 to index
          %swap3A_266 = tpu.vector_load %arg18[%swap3A_265] {strides = array<i32>} : memref<288xi32, #tpu.memory_space<vmem>>, vector<16xi32>,
          %swap3A_267 = vector.shape_cast %swap3A_266 : vector<16xi32> to vector<16xi32>
          %swap3A_268 = vector.shape_cast %broadcast_in_dim3A_264 : vector<16xi32> to vector<16xi32>
          tpu.vector_store %arg18[%swap3A_265], %swap3A_268 {strides = array<i32>} : memref<288xi32, #tpu.memory_space<vmem>>, vector<16xi32>,
          %broadcast_in_dim3A_269 = vector.broadcast %sub3A_244 : f32 to vector<16xf32>
          %swap3A_270 = arith.index_cast %select_n3A_263 : i32 to index
          %swap3A_271 = tpu.vector_load %arg19[%swap3A_270] {strides = array<i32>} : memref<288xf32, #tpu.memory_space<vmem>>, vector<16xf32>,
          %swap3A_272 = vector.shape_cast %swap3A_271 : vector<16xf32> to vector<16xf32>
          %swap3A_273 = vector.shape_cast %broadcast_in_dim3A_269 : vector<16xf32> to vector<16xf32>
          tpu.vector_store %arg19[%swap3A_270], %swap3A_273 {strides = array<i32>} : memref<288xf32, #tpu.memory_space<vmem>>, vector<16xf32>,
          %broadcast_in_dim3A_274 = vector.broadcast %sub3A_250 : f32 to vector<16xf32>
          %swap3A_275 = arith.index_cast %select_n3A_263 : i32 to index
          %swap3A_276 = tpu.vector_load %arg20[%swap3A_275] {strides = array<i32>} : memref<288xf32, #tpu.memory_space<vmem>>, vector<16xf32>,
          %swap3A_277 = vector.shape_cast %swap3A_276 : vector<16xf32> to vector<16xf32>
          %swap3A_278 = vector.shape_cast %broadcast_in_dim3A_274 : vector<16xf32> to vector<16xf32>
          tpu.vector_store %arg20[%swap3A_275], %swap3A_278 {strides = array<i32>} : memref<288xf32, #tpu.memory_space<vmem>>, vector<16xf32>,
          %broadcast_in_dim3A_279 = vector.broadcast %sub3A_256 : f32 to vector<16xf32>
          %swap3A_280 = arith.index_cast %select_n3A_263 : i32 to index
          %swap3A_281 = tpu.vector_load %arg21[%swap3A_280] {strides = array<i32>} : memref<288xf32, #tpu.memory_space<vmem>>, vector<16xf32>,
          %swap3A_282 = vector.shape_cast %swap3A_281 : vector<16xf32> to vector<16xf32>
          %swap3A_283 = vector.shape_cast %broadcast_in_dim3A_279 : vector<16xf32> to vector<16xf32>
          tpu.vector_store %arg21[%swap3A_280], %swap3A_283 {strides = array<i32>} : memref<288xf32, #tpu.memory_space<vmem>>, vector<16xf32>,
          %convert_element_type3A_284 = arith.extui %and3A_261 : i1 to i32
          %add3A_285 = arith.addi %add3A_231, %convert_element_type3A_284 : i32
          %get3A_286 = arith.constant 2 : index
          %get3A_287 = tpu.vector_load %arg22[%get3A_286] {strides = array<i32>} : memref<96xf32, #tpu.memory_space<vmem>>, vector<16xf32>,
          %get3A_288 = vector.shape_cast %get3A_287 : vector<16xf32> to vector<16xf32>
          %slice3A_289 = vector.extract_strided_slice %get3A_288 {offsets = [0], sizes = [1], strides = [1]} : vector<16xf32> to vector<1xf32>
          %squeeze3A_290 = vector.extract %slice3A_289[0] : f32 from vector<1xf32>
          %add3A_291 = arith.constant 2 : i32
          %add3A_292 = arith.addi %mul3A_158, %add3A_291 : i32
          %get3A_293 = arith.index_cast %add3A_292 : i32 to index
          %get3A_294 = tpu.vector_load %arg12[%get3A_293] {strides = array<i32>} : memref<10256xf32, #tpu.memory_space<vmem>>, vector<16xf32>,
          %get3A_295 = vector.shape_cast %get3A_294 : vector<16xf32> to vector<16xf32>
          %slice3A_296 = vector.extract_strided_slice %get3A_295 {offsets = [0], sizes = [1], strides = [1]} : vector<16xf32> to vector<1xf32>
          %squeeze3A_297 = vector.extract %slice3A_296[0] : f32 from vector<1xf32>
          %sub3A_298 = arith.subf %squeeze3A_297, %squeeze3A : f32
          %get3A_299 = arith.index_cast %add3A_292 : i32 to index
          %get3A_300 = tpu.vector_load %arg13[%get3A_299] {strides = array<i32>} : memref<10256xf32, #tpu.memory_space<vmem>>, vector<16xf32>,
          %get3A_301 = vector.shape_cast %get3A_300 : vector<16xf32> to vector<16xf32>
          %slice3A_302 = vector.extract_strided_slice %get3A_301 {offsets = [0], sizes = [1], strides = [1]} : vector<16xf32> to vector<1xf32>
          %squeeze3A_303 = vector.extract %slice3A_302[0] : f32 from vector<1xf32>
          %sub3A_304 = arith.subf %squeeze3A_303, %squeeze3A_19 : f32
          %get3A_305 = arith.index_cast %add3A_292 : i32 to index
          %get3A_306 = tpu.vector_load %arg14[%get3A_305] {strides = array<i32>} : memref<10256xf32, #tpu.memory_space<vmem>>, vector<16xf32>,
          %get3A_307 = vector.shape_cast %get3A_306 : vector<16xf32> to vector<16xf32>
          %slice3A_308 = vector.extract_strided_slice %get3A_307 {offsets = [0], sizes = [1], strides = [1]} : vector<16xf32> to vector<1xf32>
          %squeeze3A_309 = vector.extract %slice3A_308[0] : f32 from vector<1xf32>
          %sub3A_310 = arith.subf %squeeze3A_309, %squeeze3A_24 : f32
          %le3A_311 = arith.constant 0.00999999977 : f32
          %le3A_312 = arith.cmpf ole, %squeeze3A_290, %le3A_311 : f32
          %lt3A_313 = arith.constant 256 : i32
          %lt3A_314 = arith.cmpi slt, %add3A_285, %lt3A_313 : i32
          %and3A_315 = arith.andi %le3A_312, %lt3A_314 : i1
          %jit3A_316 = arith.constant 264 : i32
          %select_n3A_317 = arith.select %and3A_315, %add3A_285, %jit3A_316 : i32
          %broadcast_in_dim3A_318 = vector.broadcast %add3A_292 : i32 to vector<16xi32>
          %swap3A_319 = arith.index_cast %select_n3A_317 : i32 to index
          %swap3A_320 = tpu.vector_load %arg18[%swap3A_319] {strides = array<i32>} : memref<288xi32, #tpu.memory_space<vmem>>, vector<16xi32>,
          %swap3A_321 = vector.shape_cast %swap3A_320 : vector<16xi32> to vector<16xi32>
          %swap3A_322 = vector.shape_cast %broadcast_in_dim3A_318 : vector<16xi32> to vector<16xi32>
          tpu.vector_store %arg18[%swap3A_319], %swap3A_322 {strides = array<i32>} : memref<288xi32, #tpu.memory_space<vmem>>, vector<16xi32>,
          %broadcast_in_dim3A_323 = vector.broadcast %sub3A_298 : f32 to vector<16xf32>
          %swap3A_324 = arith.index_cast %select_n3A_317 : i32 to index
          %swap3A_325 = tpu.vector_load %arg19[%swap3A_324] {strides = array<i32>} : memref<288xf32, #tpu.memory_space<vmem>>, vector<16xf32>,
          %swap3A_326 = vector.shape_cast %swap3A_325 : vector<16xf32> to vector<16xf32>
          %swap3A_327 = vector.shape_cast %broadcast_in_dim3A_323 : vector<16xf32> to vector<16xf32>
          tpu.vector_store %arg19[%swap3A_324], %swap3A_327 {strides = array<i32>} : memref<288xf32, #tpu.memory_space<vmem>>, vector<16xf32>,
          %broadcast_in_dim3A_328 = vector.broadcast %sub3A_304 : f32 to vector<16xf32>
          %swap3A_329 = arith.index_cast %select_n3A_317 : i32 to index
          %swap3A_330 = tpu.vector_load %arg20[%swap3A_329] {strides = array<i32>} : memref<288xf32, #tpu.memory_space<vmem>>, vector<16xf32>,
          %swap3A_331 = vector.shape_cast %swap3A_330 : vector<16xf32> to vector<16xf32>
          %swap3A_332 = vector.shape_cast %broadcast_in_dim3A_328 : vector<16xf32> to vector<16xf32>
          tpu.vector_store %arg20[%swap3A_329], %swap3A_332 {strides = array<i32>} : memref<288xf32, #tpu.memory_space<vmem>>, vector<16xf32>,
          %broadcast_in_dim3A_333 = vector.broadcast %sub3A_310 : f32 to vector<16xf32>
          %swap3A_334 = arith.index_cast %select_n3A_317 : i32 to index
          %swap3A_335 = tpu.vector_load %arg21[%swap3A_334] {strides = array<i32>} : memref<288xf32, #tpu.memory_space<vmem>>, vector<16xf32>,
          %swap3A_336 = vector.shape_cast %swap3A_335 : vector<16xf32> to vector<16xf32>
          %swap3A_337 = vector.shape_cast %broadcast_in_dim3A_333 : vector<16xf32> to vector<16xf32>
          tpu.vector_store %arg21[%swap3A_334], %swap3A_337 {strides = array<i32>} : memref<288xf32, #tpu.memory_space<vmem>>, vector<16xf32>,
          %convert_element_type3A_338 = arith.extui %and3A_315 : i1 to i32
          %add3A_339 = arith.addi %add3A_285, %convert_element_type3A_338 : i32
          %get3A_340 = arith.constant 3 : index
          %get3A_341 = tpu.vector_load %arg22[%get3A_340] {strides = array<i32>} : memref<96xf32, #tpu.memory_space<vmem>>, vector<16xf32>,
          %get3A_342 = vector.shape_cast %get3A_341 : vector<16xf32> to vector<16xf32>
          %slice3A_343 = vector.extract_strided_slice %get3A_342 {offsets = [0], sizes = [1], strides = [1]} : vector<16xf32> to vector<1xf32>
          %squeeze3A_344 = vector.extract %slice3A_343[0] : f32 from vector<1xf32>
          %add3A_345 = arith.constant 3 : i32
          %add3A_346 = arith.addi %mul3A_158, %add3A_345 : i32
          %get3A_347 = arith.index_cast %add3A_346 : i32 to index
          %get3A_348 = tpu.vector_load %arg12[%get3A_347] {strides = array<i32>} : memref<10256xf32, #tpu.memory_space<vmem>>, vector<16xf32>,
          %get3A_349 = vector.shape_cast %get3A_348 : vector<16xf32> to vector<16xf32>
          %slice3A_350 = vector.extract_strided_slice %get3A_349 {offsets = [0], sizes = [1], strides = [1]} : vector<16xf32> to vector<1xf32>
          %squeeze3A_351 = vector.extract %slice3A_350[0] : f32 from vector<1xf32>
          %sub3A_352 = arith.subf %squeeze3A_351, %squeeze3A : f32
          %get3A_353 = arith.index_cast %add3A_346 : i32 to index
          %get3A_354 = tpu.vector_load %arg13[%get3A_353] {strides = array<i32>} : memref<10256xf32, #tpu.memory_space<vmem>>, vector<16xf32>,
          %get3A_355 = vector.shape_cast %get3A_354 : vector<16xf32> to vector<16xf32>
          %slice3A_356 = vector.extract_strided_slice %get3A_355 {offsets = [0], sizes = [1], strides = [1]} : vector<16xf32> to vector<1xf32>
          %squeeze3A_357 = vector.extract %slice3A_356[0] : f32 from vector<1xf32>
          %sub3A_358 = arith.subf %squeeze3A_357, %squeeze3A_19 : f32
          %get3A_359 = arith.index_cast %add3A_346 : i32 to index
          %get3A_360 = tpu.vector_load %arg14[%get3A_359] {strides = array<i32>} : memref<10256xf32, #tpu.memory_space<vmem>>, vector<16xf32>,
          %get3A_361 = vector.shape_cast %get3A_360 : vector<16xf32> to vector<16xf32>
          %slice3A_362 = vector.extract_strided_slice %get3A_361 {offsets = [0], sizes = [1], strides = [1]} : vector<16xf32> to vector<1xf32>
          %squeeze3A_363 = vector.extract %slice3A_362[0] : f32 from vector<1xf32>
          %sub3A_364 = arith.subf %squeeze3A_363, %squeeze3A_24 : f32
          %le3A_365 = arith.constant 0.00999999977 : f32
          %le3A_366 = arith.cmpf ole, %squeeze3A_344, %le3A_365 : f32
          %lt3A_367 = arith.constant 256 : i32
          %lt3A_368 = arith.cmpi slt, %add3A_339, %lt3A_367 : i32
          %and3A_369 = arith.andi %le3A_366, %lt3A_368 : i1
          %jit3A_370 = arith.constant 264 : i32
          %select_n3A_371 = arith.select %and3A_369, %add3A_339, %jit3A_370 : i32
          %broadcast_in_dim3A_372 = vector.broadcast %add3A_346 : i32 to vector<16xi32>
          %swap3A_373 = arith.index_cast %select_n3A_371 : i32 to index
          %swap3A_374 = tpu.vector_load %arg18[%swap3A_373] {strides = array<i32>} : memref<288xi32, #tpu.memory_space<vmem>>, vector<16xi32>,
          %swap3A_375 = vector.shape_cast %swap3A_374 : vector<16xi32> to vector<16xi32>
          %swap3A_376 = vector.shape_cast %broadcast_in_dim3A_372 : vector<16xi32> to vector<16xi32>
          tpu.vector_store %arg18[%swap3A_373], %swap3A_376 {strides = array<i32>} : memref<288xi32, #tpu.memory_space<vmem>>, vector<16xi32>,
          %broadcast_in_dim3A_377 = vector.broadcast %sub3A_352 : f32 to vector<16xf32>
          %swap3A_378 = arith.index_cast %select_n3A_371 : i32 to index
          %swap3A_379 = tpu.vector_load %arg19[%swap3A_378] {strides = array<i32>} : memref<288xf32, #tpu.memory_space<vmem>>, vector<16xf32>,
          %swap3A_380 = vector.shape_cast %swap3A_379 : vector<16xf32> to vector<16xf32>
          %swap3A_381 = vector.shape_cast %broadcast_in_dim3A_377 : vector<16xf32> to vector<16xf32>
          tpu.vector_store %arg19[%swap3A_378], %swap3A_381 {strides = array<i32>} : memref<288xf32, #tpu.memory_space<vmem>>, vector<16xf32>,
          %broadcast_in_dim3A_382 = vector.broadcast %sub3A_358 : f32 to vector<16xf32>
          %swap3A_383 = arith.index_cast %select_n3A_371 : i32 to index
          %swap3A_384 = tpu.vector_load %arg20[%swap3A_383] {strides = array<i32>} : memref<288xf32, #tpu.memory_space<vmem>>, vector<16xf32>,
          %swap3A_385 = vector.shape_cast %swap3A_384 : vector<16xf32> to vector<16xf32>
          %swap3A_386 = vector.shape_cast %broadcast_in_dim3A_382 : vector<16xf32> to vector<16xf32>
          tpu.vector_store %arg20[%swap3A_383], %swap3A_386 {strides = array<i32>} : memref<288xf32, #tpu.memory_space<vmem>>, vector<16xf32>,
          %broadcast_in_dim3A_387 = vector.broadcast %sub3A_364 : f32 to vector<16xf32>
          %swap3A_388 = arith.index_cast %select_n3A_371 : i32 to index
          %swap3A_389 = tpu.vector_load %arg21[%swap3A_388] {strides = array<i32>} : memref<288xf32, #tpu.memory_space<vmem>>, vector<16xf32>,
          %swap3A_390 = vector.shape_cast %swap3A_389 : vector<16xf32> to vector<16xf32>
          %swap3A_391 = vector.shape_cast %broadcast_in_dim3A_387 : vector<16xf32> to vector<16xf32>
          tpu.vector_store %arg21[%swap3A_388], %swap3A_391 {strides = array<i32>} : memref<288xf32, #tpu.memory_space<vmem>>, vector<16xf32>,
          %convert_element_type3A_392 = arith.extui %and3A_369 : i1 to i32
          %add3A_393 = arith.addi %add3A_339, %convert_element_type3A_392 : i32
          %get3A_394 = arith.constant 4 : index
          %get3A_395 = tpu.vector_load %arg22[%get3A_394] {strides = array<i32>} : memref<96xf32, #tpu.memory_space<vmem>>, vector<16xf32>,
          %get3A_396 = vector.shape_cast %get3A_395 : vector<16xf32> to vector<16xf32>
          %slice3A_397 = vector.extract_strided_slice %get3A_396 {offsets = [0], sizes = [1], strides = [1]} : vector<16xf32> to vector<1xf32>
          %squeeze3A_398 = vector.extract %slice3A_397[0] : f32 from vector<1xf32>
          %add3A_399 = arith.constant 4 : i32
          %add3A_400 = arith.addi %mul3A_158, %add3A_399 : i32
          %get3A_401 = arith.index_cast %add3A_400 : i32 to index
          %get3A_402 = tpu.vector_load %arg12[%get3A_401] {strides = array<i32>} : memref<10256xf32, #tpu.memory_space<vmem>>, vector<16xf32>,
          %get3A_403 = vector.shape_cast %get3A_402 : vector<16xf32> to vector<16xf32>
          %slice3A_404 = vector.extract_strided_slice %get3A_403 {offsets = [0], sizes = [1], strides = [1]} : vector<16xf32> to vector<1xf32>
          %squeeze3A_405 = vector.extract %slice3A_404[0] : f32 from vector<1xf32>
          %sub3A_406 = arith.subf %squeeze3A_405, %squeeze3A : f32
          %get3A_407 = arith.index_cast %add3A_400 : i32 to index
          %get3A_408 = tpu.vector_load %arg13[%get3A_407] {strides = array<i32>} : memref<10256xf32, #tpu.memory_space<vmem>>, vector<16xf32>,
          %get3A_409 = vector.shape_cast %get3A_408 : vector<16xf32> to vector<16xf32>
          %slice3A_410 = vector.extract_strided_slice %get3A_409 {offsets = [0], sizes = [1], strides = [1]} : vector<16xf32> to vector<1xf32>
          %squeeze3A_411 = vector.extract %slice3A_410[0] : f32 from vector<1xf32>
          %sub3A_412 = arith.subf %squeeze3A_411, %squeeze3A_19 : f32
          %get3A_413 = arith.index_cast %add3A_400 : i32 to index
          %get3A_414 = tpu.vector_load %arg14[%get3A_413] {strides = array<i32>} : memref<10256xf32, #tpu.memory_space<vmem>>, vector<16xf32>,
          %get3A_415 = vector.shape_cast %get3A_414 : vector<16xf32> to vector<16xf32>
          %slice3A_416 = vector.extract_strided_slice %get3A_415 {offsets = [0], sizes = [1], strides = [1]} : vector<16xf32> to vector<1xf32>
          %squeeze3A_417 = vector.extract %slice3A_416[0] : f32 from vector<1xf32>
          %sub3A_418 = arith.subf %squeeze3A_417, %squeeze3A_24 : f32
          %le3A_419 = arith.constant 0.00999999977 : f32
          %le3A_420 = arith.cmpf ole, %squeeze3A_398, %le3A_419 : f32
          %lt3A_421 = arith.constant 256 : i32
          %lt3A_422 = arith.cmpi slt, %add3A_393, %lt3A_421 : i32
          %and3A_423 = arith.andi %le3A_420, %lt3A_422 : i1
          %jit3A_424 = arith.constant 264 : i32
          %select_n3A_425 = arith.select %and3A_423, %add3A_393, %jit3A_424 : i32
          %broadcast_in_dim3A_426 = vector.broadcast %add3A_400 : i32 to vector<16xi32>
          %swap3A_427 = arith.index_cast %select_n3A_425 : i32 to index
          %swap3A_428 = tpu.vector_load %arg18[%swap3A_427] {strides = array<i32>} : memref<288xi32, #tpu.memory_space<vmem>>, vector<16xi32>,
          %swap3A_429 = vector.shape_cast %swap3A_428 : vector<16xi32> to vector<16xi32>
          %swap3A_430 = vector.shape_cast %broadcast_in_dim3A_426 : vector<16xi32> to vector<16xi32>
          tpu.vector_store %arg18[%swap3A_427], %swap3A_430 {strides = array<i32>} : memref<288xi32, #tpu.memory_space<vmem>>, vector<16xi32>,
          %broadcast_in_dim3A_431 = vector.broadcast %sub3A_406 : f32 to vector<16xf32>
          %swap3A_432 = arith.index_cast %select_n3A_425 : i32 to index
          %swap3A_433 = tpu.vector_load %arg19[%swap3A_432] {strides = array<i32>} : memref<288xf32, #tpu.memory_space<vmem>>, vector<16xf32>,
          %swap3A_434 = vector.shape_cast %swap3A_433 : vector<16xf32> to vector<16xf32>
          %swap3A_435 = vector.shape_cast %broadcast_in_dim3A_431 : vector<16xf32> to vector<16xf32>
          tpu.vector_store %arg19[%swap3A_432], %swap3A_435 {strides = array<i32>} : memref<288xf32, #tpu.memory_space<vmem>>, vector<16xf32>,
          %broadcast_in_dim3A_436 = vector.broadcast %sub3A_412 : f32 to vector<16xf32>
          %swap3A_437 = arith.index_cast %select_n3A_425 : i32 to index
          %swap3A_438 = tpu.vector_load %arg20[%swap3A_437] {strides = array<i32>} : memref<288xf32, #tpu.memory_space<vmem>>, vector<16xf32>,
          %swap3A_439 = vector.shape_cast %swap3A_438 : vector<16xf32> to vector<16xf32>
          %swap3A_440 = vector.shape_cast %broadcast_in_dim3A_436 : vector<16xf32> to vector<16xf32>
          tpu.vector_store %arg20[%swap3A_437], %swap3A_440 {strides = array<i32>} : memref<288xf32, #tpu.memory_space<vmem>>, vector<16xf32>,
          %broadcast_in_dim3A_441 = vector.broadcast %sub3A_418 : f32 to vector<16xf32>
          %swap3A_442 = arith.index_cast %select_n3A_425 : i32 to index
          %swap3A_443 = tpu.vector_load %arg21[%swap3A_442] {strides = array<i32>} : memref<288xf32, #tpu.memory_space<vmem>>, vector<16xf32>,
          %swap3A_444 = vector.shape_cast %swap3A_443 : vector<16xf32> to vector<16xf32>
          %swap3A_445 = vector.shape_cast %broadcast_in_dim3A_441 : vector<16xf32> to vector<16xf32>
          tpu.vector_store %arg21[%swap3A_442], %swap3A_445 {strides = array<i32>} : memref<288xf32, #tpu.memory_space<vmem>>, vector<16xf32>,
          %convert_element_type3A_446 = arith.extui %and3A_423 : i1 to i32
          %add3A_447 = arith.addi %add3A_393, %convert_element_type3A_446 : i32
          %get3A_448 = arith.constant 5 : index
          %get3A_449 = tpu.vector_load %arg22[%get3A_448] {strides = array<i32>} : memref<96xf32, #tpu.memory_space<vmem>>, vector<16xf32>,
          %get3A_450 = vector.shape_cast %get3A_449 : vector<16xf32> to vector<16xf32>
          %slice3A_451 = vector.extract_strided_slice %get3A_450 {offsets = [0], sizes = [1], strides = [1]} : vector<16xf32> to vector<1xf32>
          %squeeze3A_452 = vector.extract %slice3A_451[0] : f32 from vector<1xf32>
          %add3A_453 = arith.constant 5 : i32
          %add3A_454 = arith.addi %mul3A_158, %add3A_453 : i32
          %get3A_455 = arith.index_cast %add3A_454 : i32 to index
          %get3A_456 = tpu.vector_load %arg12[%get3A_455] {strides = array<i32>} : memref<10256xf32, #tpu.memory_space<vmem>>, vector<16xf32>,
          %get3A_457 = vector.shape_cast %get3A_456 : vector<16xf32> to vector<16xf32>
          %slice3A_458 = vector.extract_strided_slice %get3A_457 {offsets = [0], sizes = [1], strides = [1]} : vector<16xf32> to vector<1xf32>
          %squeeze3A_459 = vector.extract %slice3A_458[0] : f32 from vector<1xf32>
          %sub3A_460 = arith.subf %squeeze3A_459, %squeeze3A : f32
          %get3A_461 = arith.index_cast %add3A_454 : i32 to index
          %get3A_462 = tpu.vector_load %arg13[%get3A_461] {strides = array<i32>} : memref<10256xf32, #tpu.memory_space<vmem>>, vector<16xf32>,
          %get3A_463 = vector.shape_cast %get3A_462 : vector<16xf32> to vector<16xf32>
          %slice3A_464 = vector.extract_strided_slice %get3A_463 {offsets = [0], sizes = [1], strides = [1]} : vector<16xf32> to vector<1xf32>
          %squeeze3A_465 = vector.extract %slice3A_464[0] : f32 from vector<1xf32>
          %sub3A_466 = arith.subf %squeeze3A_465, %squeeze3A_19 : f32
          %get3A_467 = arith.index_cast %add3A_454 : i32 to index
          %get3A_468 = tpu.vector_load %arg14[%get3A_467] {strides = array<i32>} : memref<10256xf32, #tpu.memory_space<vmem>>, vector<16xf32>,
          %get3A_469 = vector.shape_cast %get3A_468 : vector<16xf32> to vector<16xf32>
          %slice3A_470 = vector.extract_strided_slice %get3A_469 {offsets = [0], sizes = [1], strides = [1]} : vector<16xf32> to vector<1xf32>
          %squeeze3A_471 = vector.extract %slice3A_470[0] : f32 from vector<1xf32>
          %sub3A_472 = arith.subf %squeeze3A_471, %squeeze3A_24 : f32
          %le3A_473 = arith.constant 0.00999999977 : f32
          %le3A_474 = arith.cmpf ole, %squeeze3A_452, %le3A_473 : f32
          %lt3A_475 = arith.constant 256 : i32
          %lt3A_476 = arith.cmpi slt, %add3A_447, %lt3A_475 : i32
          %and3A_477 = arith.andi %le3A_474, %lt3A_476 : i1
          %jit3A_478 = arith.constant 264 : i32
          %select_n3A_479 = arith.select %and3A_477, %add3A_447, %jit3A_478 : i32
          %broadcast_in_dim3A_480 = vector.broadcast %add3A_454 : i32 to vector<16xi32>
          %swap3A_481 = arith.index_cast %select_n3A_479 : i32 to index
          %swap3A_482 = tpu.vector_load %arg18[%swap3A_481] {strides = array<i32>} : memref<288xi32, #tpu.memory_space<vmem>>, vector<16xi32>,
          %swap3A_483 = vector.shape_cast %swap3A_482 : vector<16xi32> to vector<16xi32>
          %swap3A_484 = vector.shape_cast %broadcast_in_dim3A_480 : vector<16xi32> to vector<16xi32>
          tpu.vector_store %arg18[%swap3A_481], %swap3A_484 {strides = array<i32>} : memref<288xi32, #tpu.memory_space<vmem>>, vector<16xi32>,
          %broadcast_in_dim3A_485 = vector.broadcast %sub3A_460 : f32 to vector<16xf32>
          %swap3A_486 = arith.index_cast %select_n3A_479 : i32 to index
          %swap3A_487 = tpu.vector_load %arg19[%swap3A_486] {strides = array<i32>} : memref<288xf32, #tpu.memory_space<vmem>>, vector<16xf32>,
          %swap3A_488 = vector.shape_cast %swap3A_487 : vector<16xf32> to vector<16xf32>
          %swap3A_489 = vector.shape_cast %broadcast_in_dim3A_485 : vector<16xf32> to vector<16xf32>
          tpu.vector_store %arg19[%swap3A_486], %swap3A_489 {strides = array<i32>} : memref<288xf32, #tpu.memory_space<vmem>>, vector<16xf32>,
          %broadcast_in_dim3A_490 = vector.broadcast %sub3A_466 : f32 to vector<16xf32>
          %swap3A_491 = arith.index_cast %select_n3A_479 : i32 to index
          %swap3A_492 = tpu.vector_load %arg20[%swap3A_491] {strides = array<i32>} : memref<288xf32, #tpu.memory_space<vmem>>, vector<16xf32>,
          %swap3A_493 = vector.shape_cast %swap3A_492 : vector<16xf32> to vector<16xf32>
          %swap3A_494 = vector.shape_cast %broadcast_in_dim3A_490 : vector<16xf32> to vector<16xf32>
          tpu.vector_store %arg20[%swap3A_491], %swap3A_494 {strides = array<i32>} : memref<288xf32, #tpu.memory_space<vmem>>, vector<16xf32>,
          %broadcast_in_dim3A_495 = vector.broadcast %sub3A_472 : f32 to vector<16xf32>
          %swap3A_496 = arith.index_cast %select_n3A_479 : i32 to index
          %swap3A_497 = tpu.vector_load %arg21[%swap3A_496] {strides = array<i32>} : memref<288xf32, #tpu.memory_space<vmem>>, vector<16xf32>,
          %swap3A_498 = vector.shape_cast %swap3A_497 : vector<16xf32> to vector<16xf32>
          %swap3A_499 = vector.shape_cast %broadcast_in_dim3A_495 : vector<16xf32> to vector<16xf32>
          tpu.vector_store %arg21[%swap3A_496], %swap3A_499 {strides = array<i32>} : memref<288xf32, #tpu.memory_space<vmem>>, vector<16xf32>,
          %convert_element_type3A_500 = arith.extui %and3A_477 : i1 to i32
          %add3A_501 = arith.addi %add3A_447, %convert_element_type3A_500 : i32
          %get3A_502 = arith.constant 6 : index
          %get3A_503 = tpu.vector_load %arg22[%get3A_502] {strides = array<i32>} : memref<96xf32, #tpu.memory_space<vmem>>, vector<16xf32>,
          %get3A_504 = vector.shape_cast %get3A_503 : vector<16xf32> to vector<16xf32>
          %slice3A_505 = vector.extract_strided_slice %get3A_504 {offsets = [0], sizes = [1], strides = [1]} : vector<16xf32> to vector<1xf32>
          %squeeze3A_506 = vector.extract %slice3A_505[0] : f32 from vector<1xf32>
          %add3A_507 = arith.constant 6 : i32
          %add3A_508 = arith.addi %mul3A_158, %add3A_507 : i32
          %get3A_509 = arith.index_cast %add3A_508 : i32 to index
          %get3A_510 = tpu.vector_load %arg12[%get3A_509] {strides = array<i32>} : memref<10256xf32, #tpu.memory_space<vmem>>, vector<16xf32>,
          %get3A_511 = vector.shape_cast %get3A_510 : vector<16xf32> to vector<16xf32>
          %slice3A_512 = vector.extract_strided_slice %get3A_511 {offsets = [0], sizes = [1], strides = [1]} : vector<16xf32> to vector<1xf32>
          %squeeze3A_513 = vector.extract %slice3A_512[0] : f32 from vector<1xf32>
          %sub3A_514 = arith.subf %squeeze3A_513, %squeeze3A : f32
          %get3A_515 = arith.index_cast %add3A_508 : i32 to index
          %get3A_516 = tpu.vector_load %arg13[%get3A_515] {strides = array<i32>} : memref<10256xf32, #tpu.memory_space<vmem>>, vector<16xf32>,
          %get3A_517 = vector.shape_cast %get3A_516 : vector<16xf32> to vector<16xf32>
          %slice3A_518 = vector.extract_strided_slice %get3A_517 {offsets = [0], sizes = [1], strides = [1]} : vector<16xf32> to vector<1xf32>
          %squeeze3A_519 = vector.extract %slice3A_518[0] : f32 from vector<1xf32>
          %sub3A_520 = arith.subf %squeeze3A_519, %squeeze3A_19 : f32
          %get3A_521 = arith.index_cast %add3A_508 : i32 to index
          %get3A_522 = tpu.vector_load %arg14[%get3A_521] {strides = array<i32>} : memref<10256xf32, #tpu.memory_space<vmem>>, vector<16xf32>,
          %get3A_523 = vector.shape_cast %get3A_522 : vector<16xf32> to vector<16xf32>
          %slice3A_524 = vector.extract_strided_slice %get3A_523 {offsets = [0], sizes = [1], strides = [1]} : vector<16xf32> to vector<1xf32>
          %squeeze3A_525 = vector.extract %slice3A_524[0] : f32 from vector<1xf32>
          %sub3A_526 = arith.subf %squeeze3A_525, %squeeze3A_24 : f32
          %le3A_527 = arith.constant 0.00999999977 : f32
          %le3A_528 = arith.cmpf ole, %squeeze3A_506, %le3A_527 : f32
          %lt3A_529 = arith.constant 256 : i32
          %lt3A_530 = arith.cmpi slt, %add3A_501, %lt3A_529 : i32
          %and3A_531 = arith.andi %le3A_528, %lt3A_530 : i1
          %jit3A_532 = arith.constant 264 : i32
          %select_n3A_533 = arith.select %and3A_531, %add3A_501, %jit3A_532 : i32
          %broadcast_in_dim3A_534 = vector.broadcast %add3A_508 : i32 to vector<16xi32>
          %swap3A_535 = arith.index_cast %select_n3A_533 : i32 to index
          %swap3A_536 = tpu.vector_load %arg18[%swap3A_535] {strides = array<i32>} : memref<288xi32, #tpu.memory_space<vmem>>, vector<16xi32>,
          %swap3A_537 = vector.shape_cast %swap3A_536 : vector<16xi32> to vector<16xi32>
          %swap3A_538 = vector.shape_cast %broadcast_in_dim3A_534 : vector<16xi32> to vector<16xi32>
          tpu.vector_store %arg18[%swap3A_535], %swap3A_538 {strides = array<i32>} : memref<288xi32, #tpu.memory_space<vmem>>, vector<16xi32>,
          %broadcast_in_dim3A_539 = vector.broadcast %sub3A_514 : f32 to vector<16xf32>
          %swap3A_540 = arith.index_cast %select_n3A_533 : i32 to index
          %swap3A_541 = tpu.vector_load %arg19[%swap3A_540] {strides = array<i32>} : memref<288xf32, #tpu.memory_space<vmem>>, vector<16xf32>,
          %swap3A_542 = vector.shape_cast %swap3A_541 : vector<16xf32> to vector<16xf32>
          %swap3A_543 = vector.shape_cast %broadcast_in_dim3A_539 : vector<16xf32> to vector<16xf32>
          tpu.vector_store %arg19[%swap3A_540], %swap3A_543 {strides = array<i32>} : memref<288xf32, #tpu.memory_space<vmem>>, vector<16xf32>,
          %broadcast_in_dim3A_544 = vector.broadcast %sub3A_520 : f32 to vector<16xf32>
          %swap3A_545 = arith.index_cast %select_n3A_533 : i32 to index
          %swap3A_546 = tpu.vector_load %arg20[%swap3A_545] {strides = array<i32>} : memref<288xf32, #tpu.memory_space<vmem>>, vector<16xf32>,
          %swap3A_547 = vector.shape_cast %swap3A_546 : vector<16xf32> to vector<16xf32>
          %swap3A_548 = vector.shape_cast %broadcast_in_dim3A_544 : vector<16xf32> to vector<16xf32>
          tpu.vector_store %arg20[%swap3A_545], %swap3A_548 {strides = array<i32>} : memref<288xf32, #tpu.memory_space<vmem>>, vector<16xf32>,
          %broadcast_in_dim3A_549 = vector.broadcast %sub3A_526 : f32 to vector<16xf32>
          %swap3A_550 = arith.index_cast %select_n3A_533 : i32 to index
          %swap3A_551 = tpu.vector_load %arg21[%swap3A_550] {strides = array<i32>} : memref<288xf32, #tpu.memory_space<vmem>>, vector<16xf32>,
          %swap3A_552 = vector.shape_cast %swap3A_551 : vector<16xf32> to vector<16xf32>
          %swap3A_553 = vector.shape_cast %broadcast_in_dim3A_549 : vector<16xf32> to vector<16xf32>
          tpu.vector_store %arg21[%swap3A_550], %swap3A_553 {strides = array<i32>} : memref<288xf32, #tpu.memory_space<vmem>>, vector<16xf32>,
          %convert_element_type3A_554 = arith.extui %and3A_531 : i1 to i32
          %add3A_555 = arith.addi %add3A_501, %convert_element_type3A_554 : i32
          %get3A_556 = arith.constant 7 : index
          %get3A_557 = tpu.vector_load %arg22[%get3A_556] {strides = array<i32>} : memref<96xf32, #tpu.memory_space<vmem>>, vector<16xf32>,
          %get3A_558 = vector.shape_cast %get3A_557 : vector<16xf32> to vector<16xf32>
          %slice3A_559 = vector.extract_strided_slice %get3A_558 {offsets = [0], sizes = [1], strides = [1]} : vector<16xf32> to vector<1xf32>
          %squeeze3A_560 = vector.extract %slice3A_559[0] : f32 from vector<1xf32>
          %add3A_561 = arith.constant 7 : i32
          %add3A_562 = arith.addi %mul3A_158, %add3A_561 : i32
          %get3A_563 = arith.index_cast %add3A_562 : i32 to index
          %get3A_564 = tpu.vector_load %arg12[%get3A_563] {strides = array<i32>} : memref<10256xf32, #tpu.memory_space<vmem>>, vector<16xf32>,
          %get3A_565 = vector.shape_cast %get3A_564 : vector<16xf32> to vector<16xf32>
          %slice3A_566 = vector.extract_strided_slice %get3A_565 {offsets = [0], sizes = [1], strides = [1]} : vector<16xf32> to vector<1xf32>
          %squeeze3A_567 = vector.extract %slice3A_566[0] : f32 from vector<1xf32>
          %sub3A_568 = arith.subf %squeeze3A_567, %squeeze3A : f32
          %get3A_569 = arith.index_cast %add3A_562 : i32 to index
          %get3A_570 = tpu.vector_load %arg13[%get3A_569] {strides = array<i32>} : memref<10256xf32, #tpu.memory_space<vmem>>, vector<16xf32>,
          %get3A_571 = vector.shape_cast %get3A_570 : vector<16xf32> to vector<16xf32>
          %slice3A_572 = vector.extract_strided_slice %get3A_571 {offsets = [0], sizes = [1], strides = [1]} : vector<16xf32> to vector<1xf32>
          %squeeze3A_573 = vector.extract %slice3A_572[0] : f32 from vector<1xf32>
          %sub3A_574 = arith.subf %squeeze3A_573, %squeeze3A_19 : f32
          %get3A_575 = arith.index_cast %add3A_562 : i32 to index
          %get3A_576 = tpu.vector_load %arg14[%get3A_575] {strides = array<i32>} : memref<10256xf32, #tpu.memory_space<vmem>>, vector<16xf32>,
          %get3A_577 = vector.shape_cast %get3A_576 : vector<16xf32> to vector<16xf32>
          %slice3A_578 = vector.extract_strided_slice %get3A_577 {offsets = [0], sizes = [1], strides = [1]} : vector<16xf32> to vector<1xf32>
          %squeeze3A_579 = vector.extract %slice3A_578[0] : f32 from vector<1xf32>
          %sub3A_580 = arith.subf %squeeze3A_579, %squeeze3A_24 : f32
          %le3A_581 = arith.constant 0.00999999977 : f32
          %le3A_582 = arith.cmpf ole, %squeeze3A_560, %le3A_581 : f32
          %lt3A_583 = arith.constant 256 : i32
          %lt3A_584 = arith.cmpi slt, %add3A_555, %lt3A_583 : i32
          %and3A_585 = arith.andi %le3A_582, %lt3A_584 : i1
          %jit3A_586 = arith.constant 264 : i32
          %select_n3A_587 = arith.select %and3A_585, %add3A_555, %jit3A_586 : i32
          %broadcast_in_dim3A_588 = vector.broadcast %add3A_562 : i32 to vector<16xi32>
          %swap3A_589 = arith.index_cast %select_n3A_587 : i32 to index
          %swap3A_590 = tpu.vector_load %arg18[%swap3A_589] {strides = array<i32>} : memref<288xi32, #tpu.memory_space<vmem>>, vector<16xi32>,
          %swap3A_591 = vector.shape_cast %swap3A_590 : vector<16xi32> to vector<16xi32>
          %swap3A_592 = vector.shape_cast %broadcast_in_dim3A_588 : vector<16xi32> to vector<16xi32>
          tpu.vector_store %arg18[%swap3A_589], %swap3A_592 {strides = array<i32>} : memref<288xi32, #tpu.memory_space<vmem>>, vector<16xi32>,
          %broadcast_in_dim3A_593 = vector.broadcast %sub3A_568 : f32 to vector<16xf32>
          %swap3A_594 = arith.index_cast %select_n3A_587 : i32 to index
          %swap3A_595 = tpu.vector_load %arg19[%swap3A_594] {strides = array<i32>} : memref<288xf32, #tpu.memory_space<vmem>>, vector<16xf32>,
          %swap3A_596 = vector.shape_cast %swap3A_595 : vector<16xf32> to vector<16xf32>
          %swap3A_597 = vector.shape_cast %broadcast_in_dim3A_593 : vector<16xf32> to vector<16xf32>
          tpu.vector_store %arg19[%swap3A_594], %swap3A_597 {strides = array<i32>} : memref<288xf32, #tpu.memory_space<vmem>>, vector<16xf32>,
          %broadcast_in_dim3A_598 = vector.broadcast %sub3A_574 : f32 to vector<16xf32>
          %swap3A_599 = arith.index_cast %select_n3A_587 : i32 to index
          %swap3A_600 = tpu.vector_load %arg20[%swap3A_599] {strides = array<i32>} : memref<288xf32, #tpu.memory_space<vmem>>, vector<16xf32>,
          %swap3A_601 = vector.shape_cast %swap3A_600 : vector<16xf32> to vector<16xf32>
          %swap3A_602 = vector.shape_cast %broadcast_in_dim3A_598 : vector<16xf32> to vector<16xf32>
          tpu.vector_store %arg20[%swap3A_599], %swap3A_602 {strides = array<i32>} : memref<288xf32, #tpu.memory_space<vmem>>, vector<16xf32>,
          %broadcast_in_dim3A_603 = vector.broadcast %sub3A_580 : f32 to vector<16xf32>
          %swap3A_604 = arith.index_cast %select_n3A_587 : i32 to index
          %swap3A_605 = tpu.vector_load %arg21[%swap3A_604] {strides = array<i32>} : memref<288xf32, #tpu.memory_space<vmem>>, vector<16xf32>,
          %swap3A_606 = vector.shape_cast %swap3A_605 : vector<16xf32> to vector<16xf32>
          %swap3A_607 = vector.shape_cast %broadcast_in_dim3A_603 : vector<16xf32> to vector<16xf32>
          tpu.vector_store %arg21[%swap3A_604], %swap3A_607 {strides = array<i32>} : memref<288xf32, #tpu.memory_space<vmem>>, vector<16xf32>,
          %convert_element_type3A_608 = arith.extui %and3A_585 : i1 to i32
          %add3A_609 = arith.addi %add3A_555, %convert_element_type3A_608 : i32
          %get3A_610 = arith.constant 8 : index
          %get3A_611 = tpu.vector_load %arg22[%get3A_610] {strides = array<i32>} : memref<96xf32, #tpu.memory_space<vmem>>, vector<16xf32>,
          %get3A_612 = vector.shape_cast %get3A_611 : vector<16xf32> to vector<16xf32>
          %slice3A_613 = vector.extract_strided_slice %get3A_612 {offsets = [0], sizes = [1], strides = [1]} : vector<16xf32> to vector<1xf32>
          %squeeze3A_614 = vector.extract %slice3A_613[0] : f32 from vector<1xf32>
          %add3A_615 = arith.constant 8 : i32
          %add3A_616 = arith.addi %mul3A_158, %add3A_615 : i32
          %get3A_617 = arith.index_cast %add3A_616 : i32 to index
          %get3A_618 = tpu.vector_load %arg12[%get3A_617] {strides = array<i32>} : memref<10256xf32, #tpu.memory_space<vmem>>, vector<16xf32>,
          %get3A_619 = vector.shape_cast %get3A_618 : vector<16xf32> to vector<16xf32>
          %slice3A_620 = vector.extract_strided_slice %get3A_619 {offsets = [0], sizes = [1], strides = [1]} : vector<16xf32> to vector<1xf32>
          %squeeze3A_621 = vector.extract %slice3A_620[0] : f32 from vector<1xf32>
          %sub3A_622 = arith.subf %squeeze3A_621, %squeeze3A : f32
          %get3A_623 = arith.index_cast %add3A_616 : i32 to index
          %get3A_624 = tpu.vector_load %arg13[%get3A_623] {strides = array<i32>} : memref<10256xf32, #tpu.memory_space<vmem>>, vector<16xf32>,
          %get3A_625 = vector.shape_cast %get3A_624 : vector<16xf32> to vector<16xf32>
          %slice3A_626 = vector.extract_strided_slice %get3A_625 {offsets = [0], sizes = [1], strides = [1]} : vector<16xf32> to vector<1xf32>
          %squeeze3A_627 = vector.extract %slice3A_626[0] : f32 from vector<1xf32>
          %sub3A_628 = arith.subf %squeeze3A_627, %squeeze3A_19 : f32
          %get3A_629 = arith.index_cast %add3A_616 : i32 to index
          %get3A_630 = tpu.vector_load %arg14[%get3A_629] {strides = array<i32>} : memref<10256xf32, #tpu.memory_space<vmem>>, vector<16xf32>,
          %get3A_631 = vector.shape_cast %get3A_630 : vector<16xf32> to vector<16xf32>
          %slice3A_632 = vector.extract_strided_slice %get3A_631 {offsets = [0], sizes = [1], strides = [1]} : vector<16xf32> to vector<1xf32>
          %squeeze3A_633 = vector.extract %slice3A_632[0] : f32 from vector<1xf32>
          %sub3A_634 = arith.subf %squeeze3A_633, %squeeze3A_24 : f32
          %le3A_635 = arith.constant 0.00999999977 : f32
          %le3A_636 = arith.cmpf ole, %squeeze3A_614, %le3A_635 : f32
          %lt3A_637 = arith.constant 256 : i32
          %lt3A_638 = arith.cmpi slt, %add3A_609, %lt3A_637 : i32
          %and3A_639 = arith.andi %le3A_636, %lt3A_638 : i1
          %jit3A_640 = arith.constant 264 : i32
          %select_n3A_641 = arith.select %and3A_639, %add3A_609, %jit3A_640 : i32
          %broadcast_in_dim3A_642 = vector.broadcast %add3A_616 : i32 to vector<16xi32>
          %swap3A_643 = arith.index_cast %select_n3A_641 : i32 to index
          %swap3A_644 = tpu.vector_load %arg18[%swap3A_643] {strides = array<i32>} : memref<288xi32, #tpu.memory_space<vmem>>, vector<16xi32>,
          %swap3A_645 = vector.shape_cast %swap3A_644 : vector<16xi32> to vector<16xi32>
          %swap3A_646 = vector.shape_cast %broadcast_in_dim3A_642 : vector<16xi32> to vector<16xi32>
          tpu.vector_store %arg18[%swap3A_643], %swap3A_646 {strides = array<i32>} : memref<288xi32, #tpu.memory_space<vmem>>, vector<16xi32>,
          %broadcast_in_dim3A_647 = vector.broadcast %sub3A_622 : f32 to vector<16xf32>
          %swap3A_648 = arith.index_cast %select_n3A_641 : i32 to index
          %swap3A_649 = tpu.vector_load %arg19[%swap3A_648] {strides = array<i32>} : memref<288xf32, #tpu.memory_space<vmem>>, vector<16xf32>,
          %swap3A_650 = vector.shape_cast %swap3A_649 : vector<16xf32> to vector<16xf32>
          %swap3A_651 = vector.shape_cast %broadcast_in_dim3A_647 : vector<16xf32> to vector<16xf32>
          tpu.vector_store %arg19[%swap3A_648], %swap3A_651 {strides = array<i32>} : memref<288xf32, #tpu.memory_space<vmem>>, vector<16xf32>,
          %broadcast_in_dim3A_652 = vector.broadcast %sub3A_628 : f32 to vector<16xf32>
          %swap3A_653 = arith.index_cast %select_n3A_641 : i32 to index
          %swap3A_654 = tpu.vector_load %arg20[%swap3A_653] {strides = array<i32>} : memref<288xf32, #tpu.memory_space<vmem>>, vector<16xf32>,
          %swap3A_655 = vector.shape_cast %swap3A_654 : vector<16xf32> to vector<16xf32>
          %swap3A_656 = vector.shape_cast %broadcast_in_dim3A_652 : vector<16xf32> to vector<16xf32>
          tpu.vector_store %arg20[%swap3A_653], %swap3A_656 {strides = array<i32>} : memref<288xf32, #tpu.memory_space<vmem>>, vector<16xf32>,
          %broadcast_in_dim3A_657 = vector.broadcast %sub3A_634 : f32 to vector<16xf32>
          %swap3A_658 = arith.index_cast %select_n3A_641 : i32 to index
          %swap3A_659 = tpu.vector_load %arg21[%swap3A_658] {strides = array<i32>} : memref<288xf32, #tpu.memory_space<vmem>>, vector<16xf32>,
          %swap3A_660 = vector.shape_cast %swap3A_659 : vector<16xf32> to vector<16xf32>
          %swap3A_661 = vector.shape_cast %broadcast_in_dim3A_657 : vector<16xf32> to vector<16xf32>
          tpu.vector_store %arg21[%swap3A_658], %swap3A_661 {strides = array<i32>} : memref<288xf32, #tpu.memory_space<vmem>>, vector<16xf32>,
          %convert_element_type3A_662 = arith.extui %and3A_639 : i1 to i32
          %add3A_663 = arith.addi %add3A_609, %convert_element_type3A_662 : i32
          %get3A_664 = arith.constant 9 : index
          %get3A_665 = tpu.vector_load %arg22[%get3A_664] {strides = array<i32>} : memref<96xf32, #tpu.memory_space<vmem>>, vector<16xf32>,
          %get3A_666 = vector.shape_cast %get3A_665 : vector<16xf32> to vector<16xf32>
          %slice3A_667 = vector.extract_strided_slice %get3A_666 {offsets = [0], sizes = [1], strides = [1]} : vector<16xf32> to vector<1xf32>
          %squeeze3A_668 = vector.extract %slice3A_667[0] : f32 from vector<1xf32>
          %add3A_669 = arith.constant 9 : i32
          %add3A_670 = arith.addi %mul3A_158, %add3A_669 : i32
          %get3A_671 = arith.index_cast %add3A_670 : i32 to index
          %get3A_672 = tpu.vector_load %arg12[%get3A_671] {strides = array<i32>} : memref<10256xf32, #tpu.memory_space<vmem>>, vector<16xf32>,
          %get3A_673 = vector.shape_cast %get3A_672 : vector<16xf32> to vector<16xf32>
          %slice3A_674 = vector.extract_strided_slice %get3A_673 {offsets = [0], sizes = [1], strides = [1]} : vector<16xf32> to vector<1xf32>
          %squeeze3A_675 = vector.extract %slice3A_674[0] : f32 from vector<1xf32>
          %sub3A_676 = arith.subf %squeeze3A_675, %squeeze3A : f32
          %get3A_677 = arith.index_cast %add3A_670 : i32 to index
          %get3A_678 = tpu.vector_load %arg13[%get3A_677] {strides = array<i32>} : memref<10256xf32, #tpu.memory_space<vmem>>, vector<16xf32>,
          %get3A_679 = vector.shape_cast %get3A_678 : vector<16xf32> to vector<16xf32>
          %slice3A_680 = vector.extract_strided_slice %get3A_679 {offsets = [0], sizes = [1], strides = [1]} : vector<16xf32> to vector<1xf32>
          %squeeze3A_681 = vector.extract %slice3A_680[0] : f32 from vector<1xf32>
          %sub3A_682 = arith.subf %squeeze3A_681, %squeeze3A_19 : f32
          %get3A_683 = arith.index_cast %add3A_670 : i32 to index
          %get3A_684 = tpu.vector_load %arg14[%get3A_683] {strides = array<i32>} : memref<10256xf32, #tpu.memory_space<vmem>>, vector<16xf32>,
          %get3A_685 = vector.shape_cast %get3A_684 : vector<16xf32> to vector<16xf32>
          %slice3A_686 = vector.extract_strided_slice %get3A_685 {offsets = [0], sizes = [1], strides = [1]} : vector<16xf32> to vector<1xf32>
          %squeeze3A_687 = vector.extract %slice3A_686[0] : f32 from vector<1xf32>
          %sub3A_688 = arith.subf %squeeze3A_687, %squeeze3A_24 : f32
          %le3A_689 = arith.constant 0.00999999977 : f32
          %le3A_690 = arith.cmpf ole, %squeeze3A_668, %le3A_689 : f32
          %lt3A_691 = arith.constant 256 : i32
          %lt3A_692 = arith.cmpi slt, %add3A_663, %lt3A_691 : i32
          %and3A_693 = arith.andi %le3A_690, %lt3A_692 : i1
          %jit3A_694 = arith.constant 264 : i32
          %select_n3A_695 = arith.select %and3A_693, %add3A_663, %jit3A_694 : i32
          %broadcast_in_dim3A_696 = vector.broadcast %add3A_670 : i32 to vector<16xi32>
          %swap3A_697 = arith.index_cast %select_n3A_695 : i32 to index
          %swap3A_698 = tpu.vector_load %arg18[%swap3A_697] {strides = array<i32>} : memref<288xi32, #tpu.memory_space<vmem>>, vector<16xi32>,
          %swap3A_699 = vector.shape_cast %swap3A_698 : vector<16xi32> to vector<16xi32>
          %swap3A_700 = vector.shape_cast %broadcast_in_dim3A_696 : vector<16xi32> to vector<16xi32>
          tpu.vector_store %arg18[%swap3A_697], %swap3A_700 {strides = array<i32>} : memref<288xi32, #tpu.memory_space<vmem>>, vector<16xi32>,
          %broadcast_in_dim3A_701 = vector.broadcast %sub3A_676 : f32 to vector<16xf32>
          %swap3A_702 = arith.index_cast %select_n3A_695 : i32 to index
          %swap3A_703 = tpu.vector_load %arg19[%swap3A_702] {strides = array<i32>} : memref<288xf32, #tpu.memory_space<vmem>>, vector<16xf32>,
          %swap3A_704 = vector.shape_cast %swap3A_703 : vector<16xf32> to vector<16xf32>
          %swap3A_705 = vector.shape_cast %broadcast_in_dim3A_701 : vector<16xf32> to vector<16xf32>
          tpu.vector_store %arg19[%swap3A_702], %swap3A_705 {strides = array<i32>} : memref<288xf32, #tpu.memory_space<vmem>>, vector<16xf32>,
          %broadcast_in_dim3A_706 = vector.broadcast %sub3A_682 : f32 to vector<16xf32>
          %swap3A_707 = arith.index_cast %select_n3A_695 : i32 to index
          %swap3A_708 = tpu.vector_load %arg20[%swap3A_707] {strides = array<i32>} : memref<288xf32, #tpu.memory_space<vmem>>, vector<16xf32>,
          %swap3A_709 = vector.shape_cast %swap3A_708 : vector<16xf32> to vector<16xf32>
          %swap3A_710 = vector.shape_cast %broadcast_in_dim3A_706 : vector<16xf32> to vector<16xf32>
          tpu.vector_store %arg20[%swap3A_707], %swap3A_710 {strides = array<i32>} : memref<288xf32, #tpu.memory_space<vmem>>, vector<16xf32>,
          %broadcast_in_dim3A_711 = vector.broadcast %sub3A_688 : f32 to vector<16xf32>
          %swap3A_712 = arith.index_cast %select_n3A_695 : i32 to index
          %swap3A_713 = tpu.vector_load %arg21[%swap3A_712] {strides = array<i32>} : memref<288xf32, #tpu.memory_space<vmem>>, vector<16xf32>,
          %swap3A_714 = vector.shape_cast %swap3A_713 : vector<16xf32> to vector<16xf32>
          %swap3A_715 = vector.shape_cast %broadcast_in_dim3A_711 : vector<16xf32> to vector<16xf32>
          tpu.vector_store %arg21[%swap3A_712], %swap3A_715 {strides = array<i32>} : memref<288xf32, #tpu.memory_space<vmem>>, vector<16xf32>,
          %convert_element_type3A_716 = arith.extui %and3A_693 : i1 to i32
          %add3A_717 = arith.addi %add3A_663, %convert_element_type3A_716 : i32
          %get3A_718 = arith.constant 10 : index
          %get3A_719 = tpu.vector_load %arg22[%get3A_718] {strides = array<i32>} : memref<96xf32, #tpu.memory_space<vmem>>, vector<16xf32>,
          %get3A_720 = vector.shape_cast %get3A_719 : vector<16xf32> to vector<16xf32>
          %slice3A_721 = vector.extract_strided_slice %get3A_720 {offsets = [0], sizes = [1], strides = [1]} : vector<16xf32> to vector<1xf32>
          %squeeze3A_722 = vector.extract %slice3A_721[0] : f32 from vector<1xf32>
          %add3A_723 = arith.constant 10 : i32
          %add3A_724 = arith.addi %mul3A_158, %add3A_723 : i32
          %get3A_725 = arith.index_cast %add3A_724 : i32 to index
          %get3A_726 = tpu.vector_load %arg12[%get3A_725] {strides = array<i32>} : memref<10256xf32, #tpu.memory_space<vmem>>, vector<16xf32>,
          %get3A_727 = vector.shape_cast %get3A_726 : vector<16xf32> to vector<16xf32>
          %slice3A_728 = vector.extract_strided_slice %get3A_727 {offsets = [0], sizes = [1], strides = [1]} : vector<16xf32> to vector<1xf32>
          %squeeze3A_729 = vector.extract %slice3A_728[0] : f32 from vector<1xf32>
          %sub3A_730 = arith.subf %squeeze3A_729, %squeeze3A : f32
          %get3A_731 = arith.index_cast %add3A_724 : i32 to index
          %get3A_732 = tpu.vector_load %arg13[%get3A_731] {strides = array<i32>} : memref<10256xf32, #tpu.memory_space<vmem>>, vector<16xf32>,
          %get3A_733 = vector.shape_cast %get3A_732 : vector<16xf32> to vector<16xf32>
          %slice3A_734 = vector.extract_strided_slice %get3A_733 {offsets = [0], sizes = [1], strides = [1]} : vector<16xf32> to vector<1xf32>
          %squeeze3A_735 = vector.extract %slice3A_734[0] : f32 from vector<1xf32>
          %sub3A_736 = arith.subf %squeeze3A_735, %squeeze3A_19 : f32
          %get3A_737 = arith.index_cast %add3A_724 : i32 to index
          %get3A_738 = tpu.vector_load %arg14[%get3A_737] {strides = array<i32>} : memref<10256xf32, #tpu.memory_space<vmem>>, vector<16xf32>,
          %get3A_739 = vector.shape_cast %get3A_738 : vector<16xf32> to vector<16xf32>
          %slice3A_740 = vector.extract_strided_slice %get3A_739 {offsets = [0], sizes = [1], strides = [1]} : vector<16xf32> to vector<1xf32>
          %squeeze3A_741 = vector.extract %slice3A_740[0] : f32 from vector<1xf32>
          %sub3A_742 = arith.subf %squeeze3A_741, %squeeze3A_24 : f32
          %le3A_743 = arith.constant 0.00999999977 : f32
          %le3A_744 = arith.cmpf ole, %squeeze3A_722, %le3A_743 : f32
          %lt3A_745 = arith.constant 256 : i32
          %lt3A_746 = arith.cmpi slt, %add3A_717, %lt3A_745 : i32
          %and3A_747 = arith.andi %le3A_744, %lt3A_746 : i1
          %jit3A_748 = arith.constant 264 : i32
          %select_n3A_749 = arith.select %and3A_747, %add3A_717, %jit3A_748 : i32
          %broadcast_in_dim3A_750 = vector.broadcast %add3A_724 : i32 to vector<16xi32>
          %swap3A_751 = arith.index_cast %select_n3A_749 : i32 to index
          %swap3A_752 = tpu.vector_load %arg18[%swap3A_751] {strides = array<i32>} : memref<288xi32, #tpu.memory_space<vmem>>, vector<16xi32>,
          %swap3A_753 = vector.shape_cast %swap3A_752 : vector<16xi32> to vector<16xi32>
          %swap3A_754 = vector.shape_cast %broadcast_in_dim3A_750 : vector<16xi32> to vector<16xi32>
          tpu.vector_store %arg18[%swap3A_751], %swap3A_754 {strides = array<i32>} : memref<288xi32, #tpu.memory_space<vmem>>, vector<16xi32>,
          %broadcast_in_dim3A_755 = vector.broadcast %sub3A_730 : f32 to vector<16xf32>
          %swap3A_756 = arith.index_cast %select_n3A_749 : i32 to index
          %swap3A_757 = tpu.vector_load %arg19[%swap3A_756] {strides = array<i32>} : memref<288xf32, #tpu.memory_space<vmem>>, vector<16xf32>,
          %swap3A_758 = vector.shape_cast %swap3A_757 : vector<16xf32> to vector<16xf32>
          %swap3A_759 = vector.shape_cast %broadcast_in_dim3A_755 : vector<16xf32> to vector<16xf32>
          tpu.vector_store %arg19[%swap3A_756], %swap3A_759 {strides = array<i32>} : memref<288xf32, #tpu.memory_space<vmem>>, vector<16xf32>,
          %broadcast_in_dim3A_760 = vector.broadcast %sub3A_736 : f32 to vector<16xf32>
          %swap3A_761 = arith.index_cast %select_n3A_749 : i32 to index
          %swap3A_762 = tpu.vector_load %arg20[%swap3A_761] {strides = array<i32>} : memref<288xf32, #tpu.memory_space<vmem>>, vector<16xf32>,
          %swap3A_763 = vector.shape_cast %swap3A_762 : vector<16xf32> to vector<16xf32>
          %swap3A_764 = vector.shape_cast %broadcast_in_dim3A_760 : vector<16xf32> to vector<16xf32>
          tpu.vector_store %arg20[%swap3A_761], %swap3A_764 {strides = array<i32>} : memref<288xf32, #tpu.memory_space<vmem>>, vector<16xf32>,
          %broadcast_in_dim3A_765 = vector.broadcast %sub3A_742 : f32 to vector<16xf32>
          %swap3A_766 = arith.index_cast %select_n3A_749 : i32 to index
          %swap3A_767 = tpu.vector_load %arg21[%swap3A_766] {strides = array<i32>} : memref<288xf32, #tpu.memory_space<vmem>>, vector<16xf32>,
          %swap3A_768 = vector.shape_cast %swap3A_767 : vector<16xf32> to vector<16xf32>
          %swap3A_769 = vector.shape_cast %broadcast_in_dim3A_765 : vector<16xf32> to vector<16xf32>
          tpu.vector_store %arg21[%swap3A_766], %swap3A_769 {strides = array<i32>} : memref<288xf32, #tpu.memory_space<vmem>>, vector<16xf32>,
          %convert_element_type3A_770 = arith.extui %and3A_747 : i1 to i32
          %add3A_771 = arith.addi %add3A_717, %convert_element_type3A_770 : i32
          %get3A_772 = arith.constant 11 : index
          %get3A_773 = tpu.vector_load %arg22[%get3A_772] {strides = array<i32>} : memref<96xf32, #tpu.memory_space<vmem>>, vector<16xf32>,
          %get3A_774 = vector.shape_cast %get3A_773 : vector<16xf32> to vector<16xf32>
          %slice3A_775 = vector.extract_strided_slice %get3A_774 {offsets = [0], sizes = [1], strides = [1]} : vector<16xf32> to vector<1xf32>
          %squeeze3A_776 = vector.extract %slice3A_775[0] : f32 from vector<1xf32>
          %add3A_777 = arith.constant 11 : i32
          %add3A_778 = arith.addi %mul3A_158, %add3A_777 : i32
          %get3A_779 = arith.index_cast %add3A_778 : i32 to index
          %get3A_780 = tpu.vector_load %arg12[%get3A_779] {strides = array<i32>} : memref<10256xf32, #tpu.memory_space<vmem>>, vector<16xf32>,
          %get3A_781 = vector.shape_cast %get3A_780 : vector<16xf32> to vector<16xf32>
          %slice3A_782 = vector.extract_strided_slice %get3A_781 {offsets = [0], sizes = [1], strides = [1]} : vector<16xf32> to vector<1xf32>
          %squeeze3A_783 = vector.extract %slice3A_782[0] : f32 from vector<1xf32>
          %sub3A_784 = arith.subf %squeeze3A_783, %squeeze3A : f32
          %get3A_785 = arith.index_cast %add3A_778 : i32 to index
          %get3A_786 = tpu.vector_load %arg13[%get3A_785] {strides = array<i32>} : memref<10256xf32, #tpu.memory_space<vmem>>, vector<16xf32>,
          %get3A_787 = vector.shape_cast %get3A_786 : vector<16xf32> to vector<16xf32>
          %slice3A_788 = vector.extract_strided_slice %get3A_787 {offsets = [0], sizes = [1], strides = [1]} : vector<16xf32> to vector<1xf32>
          %squeeze3A_789 = vector.extract %slice3A_788[0] : f32 from vector<1xf32>
          %sub3A_790 = arith.subf %squeeze3A_789, %squeeze3A_19 : f32
          %get3A_791 = arith.index_cast %add3A_778 : i32 to index
          %get3A_792 = tpu.vector_load %arg14[%get3A_791] {strides = array<i32>} : memref<10256xf32, #tpu.memory_space<vmem>>, vector<16xf32>,
          %get3A_793 = vector.shape_cast %get3A_792 : vector<16xf32> to vector<16xf32>
          %slice3A_794 = vector.extract_strided_slice %get3A_793 {offsets = [0], sizes = [1], strides = [1]} : vector<16xf32> to vector<1xf32>
          %squeeze3A_795 = vector.extract %slice3A_794[0] : f32 from vector<1xf32>
          %sub3A_796 = arith.subf %squeeze3A_795, %squeeze3A_24 : f32
          %le3A_797 = arith.constant 0.00999999977 : f32
          %le3A_798 = arith.cmpf ole, %squeeze3A_776, %le3A_797 : f32
          %lt3A_799 = arith.constant 256 : i32
          %lt3A_800 = arith.cmpi slt, %add3A_771, %lt3A_799 : i32
          %and3A_801 = arith.andi %le3A_798, %lt3A_800 : i1
          %jit3A_802 = arith.constant 264 : i32
          %select_n3A_803 = arith.select %and3A_801, %add3A_771, %jit3A_802 : i32
          %broadcast_in_dim3A_804 = vector.broadcast %add3A_778 : i32 to vector<16xi32>
          %swap3A_805 = arith.index_cast %select_n3A_803 : i32 to index
          %swap3A_806 = tpu.vector_load %arg18[%swap3A_805] {strides = array<i32>} : memref<288xi32, #tpu.memory_space<vmem>>, vector<16xi32>,
          %swap3A_807 = vector.shape_cast %swap3A_806 : vector<16xi32> to vector<16xi32>
          %swap3A_808 = vector.shape_cast %broadcast_in_dim3A_804 : vector<16xi32> to vector<16xi32>
          tpu.vector_store %arg18[%swap3A_805], %swap3A_808 {strides = array<i32>} : memref<288xi32, #tpu.memory_space<vmem>>, vector<16xi32>,
          %broadcast_in_dim3A_809 = vector.broadcast %sub3A_784 : f32 to vector<16xf32>
          %swap3A_810 = arith.index_cast %select_n3A_803 : i32 to index
          %swap3A_811 = tpu.vector_load %arg19[%swap3A_810] {strides = array<i32>} : memref<288xf32, #tpu.memory_space<vmem>>, vector<16xf32>,
          %swap3A_812 = vector.shape_cast %swap3A_811 : vector<16xf32> to vector<16xf32>
          %swap3A_813 = vector.shape_cast %broadcast_in_dim3A_809 : vector<16xf32> to vector<16xf32>
          tpu.vector_store %arg19[%swap3A_810], %swap3A_813 {strides = array<i32>} : memref<288xf32, #tpu.memory_space<vmem>>, vector<16xf32>,
          %broadcast_in_dim3A_814 = vector.broadcast %sub3A_790 : f32 to vector<16xf32>
          %swap3A_815 = arith.index_cast %select_n3A_803 : i32 to index
          %swap3A_816 = tpu.vector_load %arg20[%swap3A_815] {strides = array<i32>} : memref<288xf32, #tpu.memory_space<vmem>>, vector<16xf32>,
          %swap3A_817 = vector.shape_cast %swap3A_816 : vector<16xf32> to vector<16xf32>
          %swap3A_818 = vector.shape_cast %broadcast_in_dim3A_814 : vector<16xf32> to vector<16xf32>
          tpu.vector_store %arg20[%swap3A_815], %swap3A_818 {strides = array<i32>} : memref<288xf32, #tpu.memory_space<vmem>>, vector<16xf32>,
          %broadcast_in_dim3A_819 = vector.broadcast %sub3A_796 : f32 to vector<16xf32>
          %swap3A_820 = arith.index_cast %select_n3A_803 : i32 to index
          %swap3A_821 = tpu.vector_load %arg21[%swap3A_820] {strides = array<i32>} : memref<288xf32, #tpu.memory_space<vmem>>, vector<16xf32>,
          %swap3A_822 = vector.shape_cast %swap3A_821 : vector<16xf32> to vector<16xf32>
          %swap3A_823 = vector.shape_cast %broadcast_in_dim3A_819 : vector<16xf32> to vector<16xf32>
          tpu.vector_store %arg21[%swap3A_820], %swap3A_823 {strides = array<i32>} : memref<288xf32, #tpu.memory_space<vmem>>, vector<16xf32>,
          %convert_element_type3A_824 = arith.extui %and3A_801 : i1 to i32
          %add3A_825 = arith.addi %add3A_771, %convert_element_type3A_824 : i32
          %get3A_826 = arith.constant 12 : index
          %get3A_827 = tpu.vector_load %arg22[%get3A_826] {strides = array<i32>} : memref<96xf32, #tpu.memory_space<vmem>>, vector<16xf32>,
          %get3A_828 = vector.shape_cast %get3A_827 : vector<16xf32> to vector<16xf32>
          %slice3A_829 = vector.extract_strided_slice %get3A_828 {offsets = [0], sizes = [1], strides = [1]} : vector<16xf32> to vector<1xf32>
          %squeeze3A_830 = vector.extract %slice3A_829[0] : f32 from vector<1xf32>
          %add3A_831 = arith.constant 12 : i32
          %add3A_832 = arith.addi %mul3A_158, %add3A_831 : i32
          %get3A_833 = arith.index_cast %add3A_832 : i32 to index
          %get3A_834 = tpu.vector_load %arg12[%get3A_833] {strides = array<i32>} : memref<10256xf32, #tpu.memory_space<vmem>>, vector<16xf32>,
          %get3A_835 = vector.shape_cast %get3A_834 : vector<16xf32> to vector<16xf32>
          %slice3A_836 = vector.extract_strided_slice %get3A_835 {offsets = [0], sizes = [1], strides = [1]} : vector<16xf32> to vector<1xf32>
          %squeeze3A_837 = vector.extract %slice3A_836[0] : f32 from vector<1xf32>
          %sub3A_838 = arith.subf %squeeze3A_837, %squeeze3A : f32
          %get3A_839 = arith.index_cast %add3A_832 : i32 to index
          %get3A_840 = tpu.vector_load %arg13[%get3A_839] {strides = array<i32>} : memref<10256xf32, #tpu.memory_space<vmem>>, vector<16xf32>,
          %get3A_841 = vector.shape_cast %get3A_840 : vector<16xf32> to vector<16xf32>
          %slice3A_842 = vector.extract_strided_slice %get3A_841 {offsets = [0], sizes = [1], strides = [1]} : vector<16xf32> to vector<1xf32>
          %squeeze3A_843 = vector.extract %slice3A_842[0] : f32 from vector<1xf32>
          %sub3A_844 = arith.subf %squeeze3A_843, %squeeze3A_19 : f32
          %get3A_845 = arith.index_cast %add3A_832 : i32 to index
          %get3A_846 = tpu.vector_load %arg14[%get3A_845] {strides = array<i32>} : memref<10256xf32, #tpu.memory_space<vmem>>, vector<16xf32>,
          %get3A_847 = vector.shape_cast %get3A_846 : vector<16xf32> to vector<16xf32>
          %slice3A_848 = vector.extract_strided_slice %get3A_847 {offsets = [0], sizes = [1], strides = [1]} : vector<16xf32> to vector<1xf32>
          %squeeze3A_849 = vector.extract %slice3A_848[0] : f32 from vector<1xf32>
          %sub3A_850 = arith.subf %squeeze3A_849, %squeeze3A_24 : f32
          %le3A_851 = arith.constant 0.00999999977 : f32
          %le3A_852 = arith.cmpf ole, %squeeze3A_830, %le3A_851 : f32
          %lt3A_853 = arith.constant 256 : i32
          %lt3A_854 = arith.cmpi slt, %add3A_825, %lt3A_853 : i32
          %and3A_855 = arith.andi %le3A_852, %lt3A_854 : i1
          %jit3A_856 = arith.constant 264 : i32
          %select_n3A_857 = arith.select %and3A_855, %add3A_825, %jit3A_856 : i32
          %broadcast_in_dim3A_858 = vector.broadcast %add3A_832 : i32 to vector<16xi32>
          %swap3A_859 = arith.index_cast %select_n3A_857 : i32 to index
          %swap3A_860 = tpu.vector_load %arg18[%swap3A_859] {strides = array<i32>} : memref<288xi32, #tpu.memory_space<vmem>>, vector<16xi32>,
          %swap3A_861 = vector.shape_cast %swap3A_860 : vector<16xi32> to vector<16xi32>
          %swap3A_862 = vector.shape_cast %broadcast_in_dim3A_858 : vector<16xi32> to vector<16xi32>
          tpu.vector_store %arg18[%swap3A_859], %swap3A_862 {strides = array<i32>} : memref<288xi32, #tpu.memory_space<vmem>>, vector<16xi32>,
          %broadcast_in_dim3A_863 = vector.broadcast %sub3A_838 : f32 to vector<16xf32>
          %swap3A_864 = arith.index_cast %select_n3A_857 : i32 to index
          %swap3A_865 = tpu.vector_load %arg19[%swap3A_864] {strides = array<i32>} : memref<288xf32, #tpu.memory_space<vmem>>, vector<16xf32>,
          %swap3A_866 = vector.shape_cast %swap3A_865 : vector<16xf32> to vector<16xf32>
          %swap3A_867 = vector.shape_cast %broadcast_in_dim3A_863 : vector<16xf32> to vector<16xf32>
          tpu.vector_store %arg19[%swap3A_864], %swap3A_867 {strides = array<i32>} : memref<288xf32, #tpu.memory_space<vmem>>, vector<16xf32>,
          %broadcast_in_dim3A_868 = vector.broadcast %sub3A_844 : f32 to vector<16xf32>
          %swap3A_869 = arith.index_cast %select_n3A_857 : i32 to index
          %swap3A_870 = tpu.vector_load %arg20[%swap3A_869] {strides = array<i32>} : memref<288xf32, #tpu.memory_space<vmem>>, vector<16xf32>,
          %swap3A_871 = vector.shape_cast %swap3A_870 : vector<16xf32> to vector<16xf32>
          %swap3A_872 = vector.shape_cast %broadcast_in_dim3A_868 : vector<16xf32> to vector<16xf32>
          tpu.vector_store %arg20[%swap3A_869], %swap3A_872 {strides = array<i32>} : memref<288xf32, #tpu.memory_space<vmem>>, vector<16xf32>,
          %broadcast_in_dim3A_873 = vector.broadcast %sub3A_850 : f32 to vector<16xf32>
          %swap3A_874 = arith.index_cast %select_n3A_857 : i32 to index
          %swap3A_875 = tpu.vector_load %arg21[%swap3A_874] {strides = array<i32>} : memref<288xf32, #tpu.memory_space<vmem>>, vector<16xf32>,
          %swap3A_876 = vector.shape_cast %swap3A_875 : vector<16xf32> to vector<16xf32>
          %swap3A_877 = vector.shape_cast %broadcast_in_dim3A_873 : vector<16xf32> to vector<16xf32>
          tpu.vector_store %arg21[%swap3A_874], %swap3A_877 {strides = array<i32>} : memref<288xf32, #tpu.memory_space<vmem>>, vector<16xf32>,
          %convert_element_type3A_878 = arith.extui %and3A_855 : i1 to i32
          %add3A_879 = arith.addi %add3A_825, %convert_element_type3A_878 : i32
          %get3A_880 = arith.constant 13 : index
          %get3A_881 = tpu.vector_load %arg22[%get3A_880] {strides = array<i32>} : memref<96xf32, #tpu.memory_space<vmem>>, vector<16xf32>,
          %get3A_882 = vector.shape_cast %get3A_881 : vector<16xf32> to vector<16xf32>
          %slice3A_883 = vector.extract_strided_slice %get3A_882 {offsets = [0], sizes = [1], strides = [1]} : vector<16xf32> to vector<1xf32>
          %squeeze3A_884 = vector.extract %slice3A_883[0] : f32 from vector<1xf32>
          %add3A_885 = arith.constant 13 : i32
          %add3A_886 = arith.addi %mul3A_158, %add3A_885 : i32
          %get3A_887 = arith.index_cast %add3A_886 : i32 to index
          %get3A_888 = tpu.vector_load %arg12[%get3A_887] {strides = array<i32>} : memref<10256xf32, #tpu.memory_space<vmem>>, vector<16xf32>,
          %get3A_889 = vector.shape_cast %get3A_888 : vector<16xf32> to vector<16xf32>
          %slice3A_890 = vector.extract_strided_slice %get3A_889 {offsets = [0], sizes = [1], strides = [1]} : vector<16xf32> to vector<1xf32>
          %squeeze3A_891 = vector.extract %slice3A_890[0] : f32 from vector<1xf32>
          %sub3A_892 = arith.subf %squeeze3A_891, %squeeze3A : f32
          %get3A_893 = arith.index_cast %add3A_886 : i32 to index
          %get3A_894 = tpu.vector_load %arg13[%get3A_893] {strides = array<i32>} : memref<10256xf32, #tpu.memory_space<vmem>>, vector<16xf32>,
          %get3A_895 = vector.shape_cast %get3A_894 : vector<16xf32> to vector<16xf32>
          %slice3A_896 = vector.extract_strided_slice %get3A_895 {offsets = [0], sizes = [1], strides = [1]} : vector<16xf32> to vector<1xf32>
          %squeeze3A_897 = vector.extract %slice3A_896[0] : f32 from vector<1xf32>
          %sub3A_898 = arith.subf %squeeze3A_897, %squeeze3A_19 : f32
          %get3A_899 = arith.index_cast %add3A_886 : i32 to index
          %get3A_900 = tpu.vector_load %arg14[%get3A_899] {strides = array<i32>} : memref<10256xf32, #tpu.memory_space<vmem>>, vector<16xf32>,
          %get3A_901 = vector.shape_cast %get3A_900 : vector<16xf32> to vector<16xf32>
          %slice3A_902 = vector.extract_strided_slice %get3A_901 {offsets = [0], sizes = [1], strides = [1]} : vector<16xf32> to vector<1xf32>
          %squeeze3A_903 = vector.extract %slice3A_902[0] : f32 from vector<1xf32>
          %sub3A_904 = arith.subf %squeeze3A_903, %squeeze3A_24 : f32
          %le3A_905 = arith.constant 0.00999999977 : f32
          %le3A_906 = arith.cmpf ole, %squeeze3A_884, %le3A_905 : f32
          %lt3A_907 = arith.constant 256 : i32
          %lt3A_908 = arith.cmpi slt, %add3A_879, %lt3A_907 : i32
          %and3A_909 = arith.andi %le3A_906, %lt3A_908 : i1
          %jit3A_910 = arith.constant 264 : i32
          %select_n3A_911 = arith.select %and3A_909, %add3A_879, %jit3A_910 : i32
          %broadcast_in_dim3A_912 = vector.broadcast %add3A_886 : i32 to vector<16xi32>
          %swap3A_913 = arith.index_cast %select_n3A_911 : i32 to index
          %swap3A_914 = tpu.vector_load %arg18[%swap3A_913] {strides = array<i32>} : memref<288xi32, #tpu.memory_space<vmem>>, vector<16xi32>,
          %swap3A_915 = vector.shape_cast %swap3A_914 : vector<16xi32> to vector<16xi32>
          %swap3A_916 = vector.shape_cast %broadcast_in_dim3A_912 : vector<16xi32> to vector<16xi32>
          tpu.vector_store %arg18[%swap3A_913], %swap3A_916 {strides = array<i32>} : memref<288xi32, #tpu.memory_space<vmem>>, vector<16xi32>,
          %broadcast_in_dim3A_917 = vector.broadcast %sub3A_892 : f32 to vector<16xf32>
          %swap3A_918 = arith.index_cast %select_n3A_911 : i32 to index
          %swap3A_919 = tpu.vector_load %arg19[%swap3A_918] {strides = array<i32>} : memref<288xf32, #tpu.memory_space<vmem>>, vector<16xf32>,
          %swap3A_920 = vector.shape_cast %swap3A_919 : vector<16xf32> to vector<16xf32>
          %swap3A_921 = vector.shape_cast %broadcast_in_dim3A_917 : vector<16xf32> to vector<16xf32>
          tpu.vector_store %arg19[%swap3A_918], %swap3A_921 {strides = array<i32>} : memref<288xf32, #tpu.memory_space<vmem>>, vector<16xf32>,
          %broadcast_in_dim3A_922 = vector.broadcast %sub3A_898 : f32 to vector<16xf32>
          %swap3A_923 = arith.index_cast %select_n3A_911 : i32 to index
          %swap3A_924 = tpu.vector_load %arg20[%swap3A_923] {strides = array<i32>} : memref<288xf32, #tpu.memory_space<vmem>>, vector<16xf32>,
          %swap3A_925 = vector.shape_cast %swap3A_924 : vector<16xf32> to vector<16xf32>
          %swap3A_926 = vector.shape_cast %broadcast_in_dim3A_922 : vector<16xf32> to vector<16xf32>
          tpu.vector_store %arg20[%swap3A_923], %swap3A_926 {strides = array<i32>} : memref<288xf32, #tpu.memory_space<vmem>>, vector<16xf32>,
          %broadcast_in_dim3A_927 = vector.broadcast %sub3A_904 : f32 to vector<16xf32>
          %swap3A_928 = arith.index_cast %select_n3A_911 : i32 to index
          %swap3A_929 = tpu.vector_load %arg21[%swap3A_928] {strides = array<i32>} : memref<288xf32, #tpu.memory_space<vmem>>, vector<16xf32>,
          %swap3A_930 = vector.shape_cast %swap3A_929 : vector<16xf32> to vector<16xf32>
          %swap3A_931 = vector.shape_cast %broadcast_in_dim3A_927 : vector<16xf32> to vector<16xf32>
          tpu.vector_store %arg21[%swap3A_928], %swap3A_931 {strides = array<i32>} : memref<288xf32, #tpu.memory_space<vmem>>, vector<16xf32>,
          %convert_element_type3A_932 = arith.extui %and3A_909 : i1 to i32
          %add3A_933 = arith.addi %add3A_879, %convert_element_type3A_932 : i32
          %get3A_934 = arith.constant 14 : index
          %get3A_935 = tpu.vector_load %arg22[%get3A_934] {strides = array<i32>} : memref<96xf32, #tpu.memory_space<vmem>>, vector<16xf32>,
          %get3A_936 = vector.shape_cast %get3A_935 : vector<16xf32> to vector<16xf32>
          %slice3A_937 = vector.extract_strided_slice %get3A_936 {offsets = [0], sizes = [1], strides = [1]} : vector<16xf32> to vector<1xf32>
          %squeeze3A_938 = vector.extract %slice3A_937[0] : f32 from vector<1xf32>
          %add3A_939 = arith.constant 14 : i32
          %add3A_940 = arith.addi %mul3A_158, %add3A_939 : i32
          %get3A_941 = arith.index_cast %add3A_940 : i32 to index
          %get3A_942 = tpu.vector_load %arg12[%get3A_941] {strides = array<i32>} : memref<10256xf32, #tpu.memory_space<vmem>>, vector<16xf32>,
          %get3A_943 = vector.shape_cast %get3A_942 : vector<16xf32> to vector<16xf32>
          %slice3A_944 = vector.extract_strided_slice %get3A_943 {offsets = [0], sizes = [1], strides = [1]} : vector<16xf32> to vector<1xf32>
          %squeeze3A_945 = vector.extract %slice3A_944[0] : f32 from vector<1xf32>
          %sub3A_946 = arith.subf %squeeze3A_945, %squeeze3A : f32
          %get3A_947 = arith.index_cast %add3A_940 : i32 to index
          %get3A_948 = tpu.vector_load %arg13[%get3A_947] {strides = array<i32>} : memref<10256xf32, #tpu.memory_space<vmem>>, vector<16xf32>,
          %get3A_949 = vector.shape_cast %get3A_948 : vector<16xf32> to vector<16xf32>
          %slice3A_950 = vector.extract_strided_slice %get3A_949 {offsets = [0], sizes = [1], strides = [1]} : vector<16xf32> to vector<1xf32>
          %squeeze3A_951 = vector.extract %slice3A_950[0] : f32 from vector<1xf32>
          %sub3A_952 = arith.subf %squeeze3A_951, %squeeze3A_19 : f32
          %get3A_953 = arith.index_cast %add3A_940 : i32 to index
          %get3A_954 = tpu.vector_load %arg14[%get3A_953] {strides = array<i32>} : memref<10256xf32, #tpu.memory_space<vmem>>, vector<16xf32>,
          %get3A_955 = vector.shape_cast %get3A_954 : vector<16xf32> to vector<16xf32>
          %slice3A_956 = vector.extract_strided_slice %get3A_955 {offsets = [0], sizes = [1], strides = [1]} : vector<16xf32> to vector<1xf32>
          %squeeze3A_957 = vector.extract %slice3A_956[0] : f32 from vector<1xf32>
          %sub3A_958 = arith.subf %squeeze3A_957, %squeeze3A_24 : f32
          %le3A_959 = arith.constant 0.00999999977 : f32
          %le3A_960 = arith.cmpf ole, %squeeze3A_938, %le3A_959 : f32
          %lt3A_961 = arith.constant 256 : i32
          %lt3A_962 = arith.cmpi slt, %add3A_933, %lt3A_961 : i32
          %and3A_963 = arith.andi %le3A_960, %lt3A_962 : i1
          %jit3A_964 = arith.constant 264 : i32
          %select_n3A_965 = arith.select %and3A_963, %add3A_933, %jit3A_964 : i32
          %broadcast_in_dim3A_966 = vector.broadcast %add3A_940 : i32 to vector<16xi32>
          %swap3A_967 = arith.index_cast %select_n3A_965 : i32 to index
          %swap3A_968 = tpu.vector_load %arg18[%swap3A_967] {strides = array<i32>} : memref<288xi32, #tpu.memory_space<vmem>>, vector<16xi32>,
          %swap3A_969 = vector.shape_cast %swap3A_968 : vector<16xi32> to vector<16xi32>
          %swap3A_970 = vector.shape_cast %broadcast_in_dim3A_966 : vector<16xi32> to vector<16xi32>
          tpu.vector_store %arg18[%swap3A_967], %swap3A_970 {strides = array<i32>} : memref<288xi32, #tpu.memory_space<vmem>>, vector<16xi32>,
          %broadcast_in_dim3A_971 = vector.broadcast %sub3A_946 : f32 to vector<16xf32>
          %swap3A_972 = arith.index_cast %select_n3A_965 : i32 to index
          %swap3A_973 = tpu.vector_load %arg19[%swap3A_972] {strides = array<i32>} : memref<288xf32, #tpu.memory_space<vmem>>, vector<16xf32>,
          %swap3A_974 = vector.shape_cast %swap3A_973 : vector<16xf32> to vector<16xf32>
          %swap3A_975 = vector.shape_cast %broadcast_in_dim3A_971 : vector<16xf32> to vector<16xf32>
          tpu.vector_store %arg19[%swap3A_972], %swap3A_975 {strides = array<i32>} : memref<288xf32, #tpu.memory_space<vmem>>, vector<16xf32>,
          %broadcast_in_dim3A_976 = vector.broadcast %sub3A_952 : f32 to vector<16xf32>
          %swap3A_977 = arith.index_cast %select_n3A_965 : i32 to index
          %swap3A_978 = tpu.vector_load %arg20[%swap3A_977] {strides = array<i32>} : memref<288xf32, #tpu.memory_space<vmem>>, vector<16xf32>,
          %swap3A_979 = vector.shape_cast %swap3A_978 : vector<16xf32> to vector<16xf32>
          %swap3A_980 = vector.shape_cast %broadcast_in_dim3A_976 : vector<16xf32> to vector<16xf32>
          tpu.vector_store %arg20[%swap3A_977], %swap3A_980 {strides = array<i32>} : memref<288xf32, #tpu.memory_space<vmem>>, vector<16xf32>,
          %broadcast_in_dim3A_981 = vector.broadcast %sub3A_958 : f32 to vector<16xf32>
          %swap3A_982 = arith.index_cast %select_n3A_965 : i32 to index
          %swap3A_983 = tpu.vector_load %arg21[%swap3A_982] {strides = array<i32>} : memref<288xf32, #tpu.memory_space<vmem>>, vector<16xf32>,
          %swap3A_984 = vector.shape_cast %swap3A_983 : vector<16xf32> to vector<16xf32>
          %swap3A_985 = vector.shape_cast %broadcast_in_dim3A_981 : vector<16xf32> to vector<16xf32>
          tpu.vector_store %arg21[%swap3A_982], %swap3A_985 {strides = array<i32>} : memref<288xf32, #tpu.memory_space<vmem>>, vector<16xf32>,
          %convert_element_type3A_986 = arith.extui %and3A_963 : i1 to i32
          %add3A_987 = arith.addi %add3A_933, %convert_element_type3A_986 : i32
          %get3A_988 = arith.constant 15 : index
          %get3A_989 = tpu.vector_load %arg22[%get3A_988] {strides = array<i32>} : memref<96xf32, #tpu.memory_space<vmem>>, vector<16xf32>,
          %get3A_990 = vector.shape_cast %get3A_989 : vector<16xf32> to vector<16xf32>
          %slice3A_991 = vector.extract_strided_slice %get3A_990 {offsets = [0], sizes = [1], strides = [1]} : vector<16xf32> to vector<1xf32>
          %squeeze3A_992 = vector.extract %slice3A_991[0] : f32 from vector<1xf32>
          %add3A_993 = arith.constant 15 : i32
          %add3A_994 = arith.addi %mul3A_158, %add3A_993 : i32
          %get3A_995 = arith.index_cast %add3A_994 : i32 to index
          %get3A_996 = tpu.vector_load %arg12[%get3A_995] {strides = array<i32>} : memref<10256xf32, #tpu.memory_space<vmem>>, vector<16xf32>,
          %get3A_997 = vector.shape_cast %get3A_996 : vector<16xf32> to vector<16xf32>
          %slice3A_998 = vector.extract_strided_slice %get3A_997 {offsets = [0], sizes = [1], strides = [1]} : vector<16xf32> to vector<1xf32>
          %squeeze3A_999 = vector.extract %slice3A_998[0] : f32 from vector<1xf32>
          %sub3A_1000 = arith.subf %squeeze3A_999, %squeeze3A : f32
          %get3A_1001 = arith.index_cast %add3A_994 : i32 to index
          %get3A_1002 = tpu.vector_load %arg13[%get3A_1001] {strides = array<i32>} : memref<10256xf32, #tpu.memory_space<vmem>>, vector<16xf32>,
          %get3A_1003 = vector.shape_cast %get3A_1002 : vector<16xf32> to vector<16xf32>
          %slice3A_1004 = vector.extract_strided_slice %get3A_1003 {offsets = [0], sizes = [1], strides = [1]} : vector<16xf32> to vector<1xf32>
          %squeeze3A_1005 = vector.extract %slice3A_1004[0] : f32 from vector<1xf32>
          %sub3A_1006 = arith.subf %squeeze3A_1005, %squeeze3A_19 : f32
          %get3A_1007 = arith.index_cast %add3A_994 : i32 to index
          %get3A_1008 = tpu.vector_load %arg14[%get3A_1007] {strides = array<i32>} : memref<10256xf32, #tpu.memory_space<vmem>>, vector<16xf32>,
          %get3A_1009 = vector.shape_cast %get3A_1008 : vector<16xf32> to vector<16xf32>
          %slice3A_1010 = vector.extract_strided_slice %get3A_1009 {offsets = [0], sizes = [1], strides = [1]} : vector<16xf32> to vector<1xf32>
          %squeeze3A_1011 = vector.extract %slice3A_1010[0] : f32 from vector<1xf32>
          %sub3A_1012 = arith.subf %squeeze3A_1011, %squeeze3A_24 : f32
          %le3A_1013 = arith.constant 0.00999999977 : f32
          %le3A_1014 = arith.cmpf ole, %squeeze3A_992, %le3A_1013 : f32
          %lt3A_1015 = arith.constant 256 : i32
          %lt3A_1016 = arith.cmpi slt, %add3A_987, %lt3A_1015 : i32
          %and3A_1017 = arith.andi %le3A_1014, %lt3A_1016 : i1
          %jit3A_1018 = arith.constant 264 : i32
          %select_n3A_1019 = arith.select %and3A_1017, %add3A_987, %jit3A_1018 : i32
          %broadcast_in_dim3A_1020 = vector.broadcast %add3A_994 : i32 to vector<16xi32>
          %swap3A_1021 = arith.index_cast %select_n3A_1019 : i32 to index
          %swap3A_1022 = tpu.vector_load %arg18[%swap3A_1021] {strides = array<i32>} : memref<288xi32, #tpu.memory_space<vmem>>, vector<16xi32>,
          %swap3A_1023 = vector.shape_cast %swap3A_1022 : vector<16xi32> to vector<16xi32>
          %swap3A_1024 = vector.shape_cast %broadcast_in_dim3A_1020 : vector<16xi32> to vector<16xi32>
          tpu.vector_store %arg18[%swap3A_1021], %swap3A_1024 {strides = array<i32>} : memref<288xi32, #tpu.memory_space<vmem>>, vector<16xi32>,
          %broadcast_in_dim3A_1025 = vector.broadcast %sub3A_1000 : f32 to vector<16xf32>
          %swap3A_1026 = arith.index_cast %select_n3A_1019 : i32 to index
          %swap3A_1027 = tpu.vector_load %arg19[%swap3A_1026] {strides = array<i32>} : memref<288xf32, #tpu.memory_space<vmem>>, vector<16xf32>,
          %swap3A_1028 = vector.shape_cast %swap3A_1027 : vector<16xf32> to vector<16xf32>
          %swap3A_1029 = vector.shape_cast %broadcast_in_dim3A_1025 : vector<16xf32> to vector<16xf32>
          tpu.vector_store %arg19[%swap3A_1026], %swap3A_1029 {strides = array<i32>} : memref<288xf32, #tpu.memory_space<vmem>>, vector<16xf32>,
          %broadcast_in_dim3A_1030 = vector.broadcast %sub3A_1006 : f32 to vector<16xf32>
          %swap3A_1031 = arith.index_cast %select_n3A_1019 : i32 to index
          %swap3A_1032 = tpu.vector_load %arg20[%swap3A_1031] {strides = array<i32>} : memref<288xf32, #tpu.memory_space<vmem>>, vector<16xf32>,
          %swap3A_1033 = vector.shape_cast %swap3A_1032 : vector<16xf32> to vector<16xf32>
          %swap3A_1034 = vector.shape_cast %broadcast_in_dim3A_1030 : vector<16xf32> to vector<16xf32>
          tpu.vector_store %arg20[%swap3A_1031], %swap3A_1034 {strides = array<i32>} : memref<288xf32, #tpu.memory_space<vmem>>, vector<16xf32>,
          %broadcast_in_dim3A_1035 = vector.broadcast %sub3A_1012 : f32 to vector<16xf32>
          %swap3A_1036 = arith.index_cast %select_n3A_1019 : i32 to index
          %swap3A_1037 = tpu.vector_load %arg21[%swap3A_1036] {strides = array<i32>} : memref<288xf32, #tpu.memory_space<vmem>>, vector<16xf32>,
          %swap3A_1038 = vector.shape_cast %swap3A_1037 : vector<16xf32> to vector<16xf32>
          %swap3A_1039 = vector.shape_cast %broadcast_in_dim3A_1035 : vector<16xf32> to vector<16xf32>
          tpu.vector_store %arg21[%swap3A_1036], %swap3A_1039 {strides = array<i32>} : memref<288xf32, #tpu.memory_space<vmem>>, vector<16xf32>,
          %convert_element_type3A_1040 = arith.extui %and3A_1017 : i1 to i32
          %add3A_1041 = arith.addi %add3A_987, %convert_element_type3A_1040 : i32
          scf.yield %add3A_1041 : i32
        } else {
          scf.yield %scan3A_145 : i32
        }
        scf.yield %cond3A_156 : i32
      }
      %scan3A_34 = arith.constant 640 : i32
      %le3A = arith.constant 64 : i32
      %le3A_35 = arith.cmpi sle, %scan3A_33, %le3A : i32
      %convert_element_type3A = arith.extui %le3A_35 : i1 to i32
      %cond3A = arith.constant 0 : i32
      %cond3A_36 = arith.cmpi ne, %convert_element_type3A, %cond3A : i32
      scf.if %cond3A_36 {
        %get3A_144 = arith.constant 0 : index
        %get3A_145 = tpu.vector_load %arg18[%get3A_144] {strides = array<i32>} : memref<288xi32, #tpu.memory_space<vmem>>, vector<16xi32>,
        %get3A_146 = vector.shape_cast %get3A_145 : vector<16xi32> to vector<16xi32>
        %slice3A_147 = vector.extract_strided_slice %get3A_146 {offsets = [0], sizes = [1], strides = [1]} : vector<16xi32> to vector<1xi32>
        %squeeze3A_148 = vector.extract %slice3A_147[0] : i32 from vector<1xi32>
        %get3A_149 = arith.constant 0 : index
        %get3A_150 = tpu.vector_load %arg19[%get3A_149] {strides = array<i32>} : memref<288xf32, #tpu.memory_space<vmem>>, vector<16xf32>,
        %get3A_151 = vector.shape_cast %get3A_150 : vector<16xf32> to vector<16xf32>
        %slice3A_152 = vector.extract_strided_slice %get3A_151 {offsets = [0], sizes = [1], strides = [1]} : vector<16xf32> to vector<1xf32>
        %squeeze3A_153 = vector.extract %slice3A_152[0] : f32 from vector<1xf32>
        %get3A_154 = arith.constant 0 : index
        %get3A_155 = tpu.vector_load %arg20[%get3A_154] {strides = array<i32>} : memref<288xf32, #tpu.memory_space<vmem>>, vector<16xf32>,
        %get3A_156 = vector.shape_cast %get3A_155 : vector<16xf32> to vector<16xf32>
        %slice3A_157 = vector.extract_strided_slice %get3A_156 {offsets = [0], sizes = [1], strides = [1]} : vector<16xf32> to vector<1xf32>
        %squeeze3A_158 = vector.extract %slice3A_157[0] : f32 from vector<1xf32>
        %get3A_159 = arith.constant 0 : index
        %get3A_160 = tpu.vector_load %arg21[%get3A_159] {strides = array<i32>} : memref<288xf32, #tpu.memory_space<vmem>>, vector<16xf32>,
        %get3A_161 = vector.shape_cast %get3A_160 : vector<16xf32> to vector<16xf32>
        %slice3A_162 = vector.extract_strided_slice %get3A_161 {offsets = [0], sizes = [1], strides = [1]} : vector<16xf32> to vector<1xf32>
        %squeeze3A_163 = vector.extract %slice3A_162[0] : f32 from vector<1xf32>
        %while3A = arith.constant 64 : i32
        %while3A_164 = arith.constant 0 : i32
        %while3A_165 = arith.subi %while3A, %scan3A_33 : i32
        %while3A_166 = arith.addi %scan3A_33, %while3A_165 : i32
        %while3A_167 = arith.constant 1 : i32
        %while3A_168 = arith.divsi %while3A_165, %while3A_167 : i32
        %while3A_169 = arith.muli %while3A_168, %while3A_167 : i32
        %while3A_170 = arith.addi %scan3A_33, %while3A_169 : i32
        %while3A_171 = arith.constant 1 : i32
        %while3A_172 = scf.for %while3A_175 = %scan3A_33 to %while3A_170 step %while3A_171 iter_args(%while3A_176 = %while3A_164) -> (i32)  : i32 {
          %broadcast_in_dim3A_177 = vector.broadcast %squeeze3A_148 : i32 to vector<16xi32>
          %swap3A_178 = arith.index_cast %while3A_175 : i32 to index
          %swap3A_179 = tpu.vector_load %arg18[%swap3A_178] {strides = array<i32>} : memref<288xi32, #tpu.memory_space<vmem>>, vector<16xi32>,
          %swap3A_180 = vector.shape_cast %swap3A_179 : vector<16xi32> to vector<16xi32>
          %swap3A_181 = vector.shape_cast %broadcast_in_dim3A_177 : vector<16xi32> to vector<16xi32>
          tpu.vector_store %arg18[%swap3A_178], %swap3A_181 {strides = array<i32>} : memref<288xi32, #tpu.memory_space<vmem>>, vector<16xi32>,
          %broadcast_in_dim3A_182 = vector.broadcast %squeeze3A_153 : f32 to vector<16xf32>
          %swap3A_183 = arith.index_cast %while3A_175 : i32 to index
          %swap3A_184 = tpu.vector_load %arg19[%swap3A_183] {strides = array<i32>} : memref<288xf32, #tpu.memory_space<vmem>>, vector<16xf32>,
          %swap3A_185 = vector.shape_cast %swap3A_184 : vector<16xf32> to vector<16xf32>
          %swap3A_186 = vector.shape_cast %broadcast_in_dim3A_182 : vector<16xf32> to vector<16xf32>
          tpu.vector_store %arg19[%swap3A_183], %swap3A_186 {strides = array<i32>} : memref<288xf32, #tpu.memory_space<vmem>>, vector<16xf32>,
          %broadcast_in_dim3A_187 = vector.broadcast %squeeze3A_158 : f32 to vector<16xf32>
          %swap3A_188 = arith.index_cast %while3A_175 : i32 to index
          %swap3A_189 = tpu.vector_load %arg20[%swap3A_188] {strides = array<i32>} : memref<288xf32, #tpu.memory_space<vmem>>, vector<16xf32>,
          %swap3A_190 = vector.shape_cast %swap3A_189 : vector<16xf32> to vector<16xf32>
          %swap3A_191 = vector.shape_cast %broadcast_in_dim3A_187 : vector<16xf32> to vector<16xf32>
          tpu.vector_store %arg20[%swap3A_188], %swap3A_191 {strides = array<i32>} : memref<288xf32, #tpu.memory_space<vmem>>, vector<16xf32>,
          %broadcast_in_dim3A_192 = vector.broadcast %squeeze3A_163 : f32 to vector<16xf32>
          %swap3A_193 = arith.index_cast %while3A_175 : i32 to index
          %swap3A_194 = tpu.vector_load %arg21[%swap3A_193] {strides = array<i32>} : memref<288xf32, #tpu.memory_space<vmem>>, vector<16xf32>,
          %swap3A_195 = vector.shape_cast %swap3A_194 : vector<16xf32> to vector<16xf32>
          %swap3A_196 = vector.shape_cast %broadcast_in_dim3A_192 : vector<16xf32> to vector<16xf32>
          tpu.vector_store %arg21[%swap3A_193], %swap3A_196 {strides = array<i32>} : memref<288xf32, #tpu.memory_space<vmem>>, vector<16xf32>,
          %while3A_197 = arith.constant 0 : i32
          scf.yield %while3A_197 : i32
        }
        %while3A_173 = arith.constant 1 : i32
        %while3A_174 = scf.for %while3A_175 = %while3A_170 to %while3A_166 step %while3A_173 iter_args(%while3A_176 = %while3A_172) -> (i32)  : i32 {
          %broadcast_in_dim3A_177 = vector.broadcast %squeeze3A_148 : i32 to vector<16xi32>
          %swap3A_178 = arith.index_cast %while3A_175 : i32 to index
          %swap3A_179 = tpu.vector_load %arg18[%swap3A_178] {strides = array<i32>} : memref<288xi32, #tpu.memory_space<vmem>>, vector<16xi32>,
          %swap3A_180 = vector.shape_cast %swap3A_179 : vector<16xi32> to vector<16xi32>
          %swap3A_181 = vector.shape_cast %broadcast_in_dim3A_177 : vector<16xi32> to vector<16xi32>
          tpu.vector_store %arg18[%swap3A_178], %swap3A_181 {strides = array<i32>} : memref<288xi32, #tpu.memory_space<vmem>>, vector<16xi32>,
          %broadcast_in_dim3A_182 = vector.broadcast %squeeze3A_153 : f32 to vector<16xf32>
          %swap3A_183 = arith.index_cast %while3A_175 : i32 to index
          %swap3A_184 = tpu.vector_load %arg19[%swap3A_183] {strides = array<i32>} : memref<288xf32, #tpu.memory_space<vmem>>, vector<16xf32>,
          %swap3A_185 = vector.shape_cast %swap3A_184 : vector<16xf32> to vector<16xf32>
          %swap3A_186 = vector.shape_cast %broadcast_in_dim3A_182 : vector<16xf32> to vector<16xf32>
          tpu.vector_store %arg19[%swap3A_183], %swap3A_186 {strides = array<i32>} : memref<288xf32, #tpu.memory_space<vmem>>, vector<16xf32>,
          %broadcast_in_dim3A_187 = vector.broadcast %squeeze3A_158 : f32 to vector<16xf32>
          %swap3A_188 = arith.index_cast %while3A_175 : i32 to index
          %swap3A_189 = tpu.vector_load %arg20[%swap3A_188] {strides = array<i32>} : memref<288xf32, #tpu.memory_space<vmem>>, vector<16xf32>,
          %swap3A_190 = vector.shape_cast %swap3A_189 : vector<16xf32> to vector<16xf32>
          %swap3A_191 = vector.shape_cast %broadcast_in_dim3A_187 : vector<16xf32> to vector<16xf32>
          tpu.vector_store %arg20[%swap3A_188], %swap3A_191 {strides = array<i32>} : memref<288xf32, #tpu.memory_space<vmem>>, vector<16xf32>,
          %broadcast_in_dim3A_192 = vector.broadcast %squeeze3A_163 : f32 to vector<16xf32>
          %swap3A_193 = arith.index_cast %while3A_175 : i32 to index
          %swap3A_194 = tpu.vector_load %arg21[%swap3A_193] {strides = array<i32>} : memref<288xf32, #tpu.memory_space<vmem>>, vector<16xf32>,
          %swap3A_195 = vector.shape_cast %swap3A_194 : vector<16xf32> to vector<16xf32>
          %swap3A_196 = vector.shape_cast %broadcast_in_dim3A_192 : vector<16xf32> to vector<16xf32>
          tpu.vector_store %arg21[%swap3A_193], %swap3A_196 {strides = array<i32>} : memref<288xf32, #tpu.memory_space<vmem>>, vector<16xf32>,
          %while3A_197 = arith.constant 0 : i32
          scf.yield %while3A_197 : i32
        }
      } else {
      }
      %gt3A = arith.constant 64 : i32
      %gt3A_37 = arith.cmpi sgt, %scan3A_33, %gt3A : i32
      %convert_element_type3A_38 = arith.extui %gt3A_37 : i1 to i32
      %cond3A_39 = arith.constant 0 : i32
      %cond3A_40 = arith.cmpi ne, %convert_element_type3A_38, %cond3A_39 : i32
      scf.if %cond3A_40 {
        %sub3A = arith.constant 64 : i32
        %sub3A_144 = arith.subi %scan3A_33, %sub3A : i32
        %while3A = arith.constant 0 : i32
        %while3A_145 = arith.subi %sub3A_144, %while3A : i32
        %while3A_146 = arith.addi %while3A, %while3A_145 : i32
        %while3A_147 = arith.constant 1 : i32
        %while3A_148 = arith.divsi %while3A_145, %while3A_147 : i32
        %while3A_149 = arith.muli %while3A_148, %while3A_147 : i32
        %while3A_150 = arith.addi %while3A, %while3A_149 : i32
        %while3A_151 = arith.constant 1 : i32
        %while3A_152 = scf.for %while3A_155 = %while3A to %while3A_150 step %while3A_151 iter_args(%while3A_156 = %scan3A_33) -> (i32)  : i32 {
          %while3A_157 = arith.constant 0 : i32
          %while3A_158 = arith.constant 0xFF800000 : f32
          %while3A_159 = arith.constant -1 : i32
          %while3A_160 = arith.subi %while3A_156, %while3A_157 : i32
          %while3A_161 = arith.addi %while3A_157, %while3A_160 : i32
          %while3A_162 = arith.constant 1 : i32
          %while3A_163 = arith.divsi %while3A_160, %while3A_162 : i32
          %while3A_164 = arith.muli %while3A_163, %while3A_162 : i32
          %while3A_165 = arith.addi %while3A_157, %while3A_164 : i32
          %while3A_166 = arith.constant 1 : i32
          %while3A_167:2 = scf.for %while3A_231 = %while3A_157 to %while3A_165 step %while3A_166 iter_args(%while3A_232 = %while3A_158, %while3A_233 = %while3A_159) -> (f32, i32)  : i32 {
            %get3A_234 = arith.index_cast %while3A_231 : i32 to index
            %get3A_235 = tpu.vector_load %arg19[%get3A_234] {strides = array<i32>} : memref<288xf32, #tpu.memory_space<vmem>>, vector<16xf32>,
            %get3A_236 = vector.shape_cast %get3A_235 : vector<16xf32> to vector<16xf32>
            %slice3A_237 = vector.extract_strided_slice %get3A_236 {offsets = [0], sizes = [1], strides = [1]} : vector<16xf32> to vector<1xf32>
            %squeeze3A_238 = vector.extract %slice3A_237[0] : f32 from vector<1xf32>
            %get3A_239 = arith.index_cast %while3A_231 : i32 to index
            %get3A_240 = tpu.vector_load %arg20[%get3A_239] {strides = array<i32>} : memref<288xf32, #tpu.memory_space<vmem>>, vector<16xf32>,
            %get3A_241 = vector.shape_cast %get3A_240 : vector<16xf32> to vector<16xf32>
            %slice3A_242 = vector.extract_strided_slice %get3A_241 {offsets = [0], sizes = [1], strides = [1]} : vector<16xf32> to vector<1xf32>
            %squeeze3A_243 = vector.extract %slice3A_242[0] : f32 from vector<1xf32>
            %get3A_244 = arith.index_cast %while3A_231 : i32 to index
            %get3A_245 = tpu.vector_load %arg21[%get3A_244] {strides = array<i32>} : memref<288xf32, #tpu.memory_space<vmem>>, vector<16xf32>,
            %get3A_246 = vector.shape_cast %get3A_245 : vector<16xf32> to vector<16xf32>
            %slice3A_247 = vector.extract_strided_slice %get3A_246 {offsets = [0], sizes = [1], strides = [1]} : vector<16xf32> to vector<1xf32>
            %squeeze3A_248 = vector.extract %slice3A_247[0] : f32 from vector<1xf32>
            %mul3A_249 = arith.mulf %squeeze3A_238, %squeeze3A_238 : f32
            %mul3A_250 = arith.mulf %squeeze3A_243, %squeeze3A_243 : f32
            %add3A_251 = arith.addf %mul3A_249, %mul3A_250 : f32
            %mul3A_252 = arith.mulf %squeeze3A_248, %squeeze3A_248 : f32
            %add3A_253 = arith.addf %add3A_251, %mul3A_252 : f32
            %gt3A_254 = arith.cmpf ogt, %add3A_253, %while3A_232 : f32
            %eq3A_255 = arith.cmpf oeq, %add3A_253, %while3A_232 : f32
            %gt3A_256 = arith.cmpi sgt, %while3A_231, %while3A_233 : i32
            %and3A = arith.andi %eq3A_255, %gt3A_256 : i1
            %or3A = arith.ori %gt3A_254, %and3A : i1
            %select_n3A_257 = arith.select %or3A, %add3A_253, %while3A_232 : f32
            %select_n3A_258 = arith.select %or3A, %while3A_231, %while3A_233 : i32
            scf.yield %select_n3A_257, %select_n3A_258 : f32, i32
          }
          %while3A_168 = arith.constant 1 : i32
          %while3A_169:2 = scf.for %while3A_231 = %while3A_165 to %while3A_161 step %while3A_168 iter_args(%while3A_232 = %while3A_167#0, %while3A_233 = %while3A_167#1) -> (f32, i32)  : i32 {
            %get3A_234 = arith.index_cast %while3A_231 : i32 to index
            %get3A_235 = tpu.vector_load %arg19[%get3A_234] {strides = array<i32>} : memref<288xf32, #tpu.memory_space<vmem>>, vector<16xf32>,
            %get3A_236 = vector.shape_cast %get3A_235 : vector<16xf32> to vector<16xf32>
            %slice3A_237 = vector.extract_strided_slice %get3A_236 {offsets = [0], sizes = [1], strides = [1]} : vector<16xf32> to vector<1xf32>
            %squeeze3A_238 = vector.extract %slice3A_237[0] : f32 from vector<1xf32>
            %get3A_239 = arith.index_cast %while3A_231 : i32 to index
            %get3A_240 = tpu.vector_load %arg20[%get3A_239] {strides = array<i32>} : memref<288xf32, #tpu.memory_space<vmem>>, vector<16xf32>,
            %get3A_241 = vector.shape_cast %get3A_240 : vector<16xf32> to vector<16xf32>
            %slice3A_242 = vector.extract_strided_slice %get3A_241 {offsets = [0], sizes = [1], strides = [1]} : vector<16xf32> to vector<1xf32>
            %squeeze3A_243 = vector.extract %slice3A_242[0] : f32 from vector<1xf32>
            %get3A_244 = arith.index_cast %while3A_231 : i32 to index
            %get3A_245 = tpu.vector_load %arg21[%get3A_244] {strides = array<i32>} : memref<288xf32, #tpu.memory_space<vmem>>, vector<16xf32>,
            %get3A_246 = vector.shape_cast %get3A_245 : vector<16xf32> to vector<16xf32>
            %slice3A_247 = vector.extract_strided_slice %get3A_246 {offsets = [0], sizes = [1], strides = [1]} : vector<16xf32> to vector<1xf32>
            %squeeze3A_248 = vector.extract %slice3A_247[0] : f32 from vector<1xf32>
            %mul3A_249 = arith.mulf %squeeze3A_238, %squeeze3A_238 : f32
            %mul3A_250 = arith.mulf %squeeze3A_243, %squeeze3A_243 : f32
            %add3A_251 = arith.addf %mul3A_249, %mul3A_250 : f32
            %mul3A_252 = arith.mulf %squeeze3A_248, %squeeze3A_248 : f32
            %add3A_253 = arith.addf %add3A_251, %mul3A_252 : f32
            %gt3A_254 = arith.cmpf ogt, %add3A_253, %while3A_232 : f32
            %eq3A_255 = arith.cmpf oeq, %add3A_253, %while3A_232 : f32
            %gt3A_256 = arith.cmpi sgt, %while3A_231, %while3A_233 : i32
            %and3A = arith.andi %eq3A_255, %gt3A_256 : i1
            %or3A = arith.ori %gt3A_254, %and3A : i1
            %select_n3A_257 = arith.select %or3A, %add3A_253, %while3A_232 : f32
            %select_n3A_258 = arith.select %or3A, %while3A_231, %while3A_233 : i32
            scf.yield %select_n3A_257, %select_n3A_258 : f32, i32
          }
          %sub3A_170 = arith.constant 1 : i32
          %sub3A_171 = arith.subi %while3A_156, %sub3A_170 : i32
          %get3A_172 = arith.index_cast %sub3A_171 : i32 to index
          %get3A_173 = tpu.vector_load %arg18[%get3A_172] {strides = array<i32>} : memref<288xi32, #tpu.memory_space<vmem>>, vector<16xi32>,
          %get3A_174 = vector.shape_cast %get3A_173 : vector<16xi32> to vector<16xi32>
          %slice3A_175 = vector.extract_strided_slice %get3A_174 {offsets = [0], sizes = [1], strides = [1]} : vector<16xi32> to vector<1xi32>
          %squeeze3A_176 = vector.extract %slice3A_175[0] : i32 from vector<1xi32>
          %get3A_177 = arith.index_cast %sub3A_171 : i32 to index
          %get3A_178 = tpu.vector_load %arg19[%get3A_177] {strides = array<i32>} : memref<288xf32, #tpu.memory_space<vmem>>, vector<16xf32>,
          %get3A_179 = vector.shape_cast %get3A_178 : vector<16xf32> to vector<16xf32>
          %slice3A_180 = vector.extract_strided_slice %get3A_179 {offsets = [0], sizes = [1], strides = [1]} : vector<16xf32> to vector<1xf32>
          %squeeze3A_181 = vector.extract %slice3A_180[0] : f32 from vector<1xf32>
          %get3A_182 = arith.index_cast %sub3A_171 : i32 to index
          %get3A_183 = tpu.vector_load %arg20[%get3A_182] {strides = array<i32>} : memref<288xf32, #tpu.memory_space<vmem>>, vector<16xf32>,
          %get3A_184 = vector.shape_cast %get3A_183 : vector<16xf32> to vector<16xf32>
          %slice3A_185 = vector.extract_strided_slice %get3A_184 {offsets = [0], sizes = [1], strides = [1]} : vector<16xf32> to vector<1xf32>
          %squeeze3A_186 = vector.extract %slice3A_185[0] : f32 from vector<1xf32>
          %get3A_187 = arith.index_cast %sub3A_171 : i32 to index
          %get3A_188 = tpu.vector_load %arg21[%get3A_187] {strides = array<i32>} : memref<288xf32, #tpu.memory_space<vmem>>, vector<16xf32>,
          %get3A_189 = vector.shape_cast %get3A_188 : vector<16xf32> to vector<16xf32>
          %slice3A_190 = vector.extract_strided_slice %get3A_189 {offsets = [0], sizes = [1], strides = [1]} : vector<16xf32> to vector<1xf32>
          %squeeze3A_191 = vector.extract %slice3A_190[0] : f32 from vector<1xf32>
          %iota3A = tpu.iota {dimensions = array<i32: 0>} : vector<16xi32>
          %eq3A = arith.constant 0 : i32
          %eq3A_192 = vector.broadcast %eq3A : i32 to vector<16xi32>
          %eq3A_193 = arith.cmpi eq, %iota3A, %eq3A_192 : vector<16xi32>
          %get3A_194 = arith.index_cast %while3A_169#1 : i32 to index
          %get3A_195 = tpu.vector_load %arg18[%get3A_194] {strides = array<i32>} : memref<288xi32, #tpu.memory_space<vmem>>, vector<16xi32>,
          %get3A_196 = vector.shape_cast %get3A_195 : vector<16xi32> to vector<16xi32>
          %broadcast_in_dim3A_197 = vector.broadcast %squeeze3A_176 : i32 to vector<16xi32>
          %select_n3A = arith.select %eq3A_193, %broadcast_in_dim3A_197, %get3A_196 : vector<16xi1>, vector<16xi32>
          %swap3A_198 = arith.index_cast %while3A_169#1 : i32 to index
          %swap3A_199 = tpu.vector_load %arg18[%swap3A_198] {strides = array<i32>} : memref<288xi32, #tpu.memory_space<vmem>>, vector<16xi32>,
          %swap3A_200 = vector.shape_cast %swap3A_199 : vector<16xi32> to vector<16xi32>
          %swap3A_201 = vector.shape_cast %select_n3A : vector<16xi32> to vector<16xi32>
          tpu.vector_store %arg18[%swap3A_198], %swap3A_201 {strides = array<i32>} : memref<288xi32, #tpu.memory_space<vmem>>, vector<16xi32>,
          %get3A_202 = arith.index_cast %while3A_169#1 : i32 to index
          %get3A_203 = tpu.vector_load %arg19[%get3A_202] {strides = array<i32>} : memref<288xf32, #tpu.memory_space<vmem>>, vector<16xf32>,
          %get3A_204 = vector.shape_cast %get3A_203 : vector<16xf32> to vector<16xf32>
          %broadcast_in_dim3A_205 = vector.broadcast %squeeze3A_181 : f32 to vector<16xf32>
          %select_n3A_206 = arith.select %eq3A_193, %broadcast_in_dim3A_205, %get3A_204 : vector<16xi1>, vector<16xf32>
          %swap3A_207 = arith.index_cast %while3A_169#1 : i32 to index
          %swap3A_208 = tpu.vector_load %arg19[%swap3A_207] {strides = array<i32>} : memref<288xf32, #tpu.memory_space<vmem>>, vector<16xf32>,
          %swap3A_209 = vector.shape_cast %swap3A_208 : vector<16xf32> to vector<16xf32>
          %swap3A_210 = vector.shape_cast %select_n3A_206 : vector<16xf32> to vector<16xf32>
          tpu.vector_store %arg19[%swap3A_207], %swap3A_210 {strides = array<i32>} : memref<288xf32, #tpu.memory_space<vmem>>, vector<16xf32>,
          %get3A_211 = arith.index_cast %while3A_169#1 : i32 to index
          %get3A_212 = tpu.vector_load %arg20[%get3A_211] {strides = array<i32>} : memref<288xf32, #tpu.memory_space<vmem>>, vector<16xf32>,
          %get3A_213 = vector.shape_cast %get3A_212 : vector<16xf32> to vector<16xf32>
          %broadcast_in_dim3A_214 = vector.broadcast %squeeze3A_186 : f32 to vector<16xf32>
          %select_n3A_215 = arith.select %eq3A_193, %broadcast_in_dim3A_214, %get3A_213 : vector<16xi1>, vector<16xf32>
          %swap3A_216 = arith.index_cast %while3A_169#1 : i32 to index
          %swap3A_217 = tpu.vector_load %arg20[%swap3A_216] {strides = array<i32>} : memref<288xf32, #tpu.memory_space<vmem>>, vector<16xf32>,
          %swap3A_218 = vector.shape_cast %swap3A_217 : vector<16xf32> to vector<16xf32>
          %swap3A_219 = vector.shape_cast %select_n3A_215 : vector<16xf32> to vector<16xf32>
          tpu.vector_store %arg20[%swap3A_216], %swap3A_219 {strides = array<i32>} : memref<288xf32, #tpu.memory_space<vmem>>, vector<16xf32>,
          %get3A_220 = arith.index_cast %while3A_169#1 : i32 to index
          %get3A_221 = tpu.vector_load %arg21[%get3A_220] {strides = array<i32>} : memref<288xf32, #tpu.memory_space<vmem>>, vector<16xf32>,
          %get3A_222 = vector.shape_cast %get3A_221 : vector<16xf32> to vector<16xf32>
          %broadcast_in_dim3A_223 = vector.broadcast %squeeze3A_191 : f32 to vector<16xf32>
          %select_n3A_224 = arith.select %eq3A_193, %broadcast_in_dim3A_223, %get3A_222 : vector<16xi1>, vector<16xf32>
          %swap3A_225 = arith.index_cast %while3A_169#1 : i32 to index
          %swap3A_226 = tpu.vector_load %arg21[%swap3A_225] {strides = array<i32>} : memref<288xf32, #tpu.memory_space<vmem>>, vector<16xf32>,
          %swap3A_227 = vector.shape_cast %swap3A_226 : vector<16xf32> to vector<16xf32>
          %swap3A_228 = vector.shape_cast %select_n3A_224 : vector<16xf32> to vector<16xf32>
          tpu.vector_store %arg21[%swap3A_225], %swap3A_228 {strides = array<i32>} : memref<288xf32, #tpu.memory_space<vmem>>, vector<16xf32>,
          %sub3A_229 = arith.constant 1 : i32
          %sub3A_230 = arith.subi %while3A_156, %sub3A_229 : i32
          scf.yield %sub3A_230 : i32
        }
        %while3A_153 = arith.constant 1 : i32
        %while3A_154 = scf.for %while3A_155 = %while3A_150 to %while3A_146 step %while3A_153 iter_args(%while3A_156 = %while3A_152) -> (i32)  : i32 {
          %while3A_157 = arith.constant 0 : i32
          %while3A_158 = arith.constant 0xFF800000 : f32
          %while3A_159 = arith.constant -1 : i32
          %while3A_160 = arith.subi %while3A_156, %while3A_157 : i32
          %while3A_161 = arith.addi %while3A_157, %while3A_160 : i32
          %while3A_162 = arith.constant 1 : i32
          %while3A_163 = arith.divsi %while3A_160, %while3A_162 : i32
          %while3A_164 = arith.muli %while3A_163, %while3A_162 : i32
          %while3A_165 = arith.addi %while3A_157, %while3A_164 : i32
          %while3A_166 = arith.constant 1 : i32
          %while3A_167:2 = scf.for %while3A_231 = %while3A_157 to %while3A_165 step %while3A_166 iter_args(%while3A_232 = %while3A_158, %while3A_233 = %while3A_159) -> (f32, i32)  : i32 {
            %get3A_234 = arith.index_cast %while3A_231 : i32 to index
            %get3A_235 = tpu.vector_load %arg19[%get3A_234] {strides = array<i32>} : memref<288xf32, #tpu.memory_space<vmem>>, vector<16xf32>,
            %get3A_236 = vector.shape_cast %get3A_235 : vector<16xf32> to vector<16xf32>
            %slice3A_237 = vector.extract_strided_slice %get3A_236 {offsets = [0], sizes = [1], strides = [1]} : vector<16xf32> to vector<1xf32>
            %squeeze3A_238 = vector.extract %slice3A_237[0] : f32 from vector<1xf32>
            %get3A_239 = arith.index_cast %while3A_231 : i32 to index
            %get3A_240 = tpu.vector_load %arg20[%get3A_239] {strides = array<i32>} : memref<288xf32, #tpu.memory_space<vmem>>, vector<16xf32>,
            %get3A_241 = vector.shape_cast %get3A_240 : vector<16xf32> to vector<16xf32>
            %slice3A_242 = vector.extract_strided_slice %get3A_241 {offsets = [0], sizes = [1], strides = [1]} : vector<16xf32> to vector<1xf32>
            %squeeze3A_243 = vector.extract %slice3A_242[0] : f32 from vector<1xf32>
            %get3A_244 = arith.index_cast %while3A_231 : i32 to index
            %get3A_245 = tpu.vector_load %arg21[%get3A_244] {strides = array<i32>} : memref<288xf32, #tpu.memory_space<vmem>>, vector<16xf32>,
            %get3A_246 = vector.shape_cast %get3A_245 : vector<16xf32> to vector<16xf32>
            %slice3A_247 = vector.extract_strided_slice %get3A_246 {offsets = [0], sizes = [1], strides = [1]} : vector<16xf32> to vector<1xf32>
            %squeeze3A_248 = vector.extract %slice3A_247[0] : f32 from vector<1xf32>
            %mul3A_249 = arith.mulf %squeeze3A_238, %squeeze3A_238 : f32
            %mul3A_250 = arith.mulf %squeeze3A_243, %squeeze3A_243 : f32
            %add3A_251 = arith.addf %mul3A_249, %mul3A_250 : f32
            %mul3A_252 = arith.mulf %squeeze3A_248, %squeeze3A_248 : f32
            %add3A_253 = arith.addf %add3A_251, %mul3A_252 : f32
            %gt3A_254 = arith.cmpf ogt, %add3A_253, %while3A_232 : f32
            %eq3A_255 = arith.cmpf oeq, %add3A_253, %while3A_232 : f32
            %gt3A_256 = arith.cmpi sgt, %while3A_231, %while3A_233 : i32
            %and3A = arith.andi %eq3A_255, %gt3A_256 : i1
            %or3A = arith.ori %gt3A_254, %and3A : i1
            %select_n3A_257 = arith.select %or3A, %add3A_253, %while3A_232 : f32
            %select_n3A_258 = arith.select %or3A, %while3A_231, %while3A_233 : i32
            scf.yield %select_n3A_257, %select_n3A_258 : f32, i32
          }
          %while3A_168 = arith.constant 1 : i32
          %while3A_169:2 = scf.for %while3A_231 = %while3A_165 to %while3A_161 step %while3A_168 iter_args(%while3A_232 = %while3A_167#0, %while3A_233 = %while3A_167#1) -> (f32, i32)  : i32 {
            %get3A_234 = arith.index_cast %while3A_231 : i32 to index
            %get3A_235 = tpu.vector_load %arg19[%get3A_234] {strides = array<i32>} : memref<288xf32, #tpu.memory_space<vmem>>, vector<16xf32>,
            %get3A_236 = vector.shape_cast %get3A_235 : vector<16xf32> to vector<16xf32>
            %slice3A_237 = vector.extract_strided_slice %get3A_236 {offsets = [0], sizes = [1], strides = [1]} : vector<16xf32> to vector<1xf32>
            %squeeze3A_238 = vector.extract %slice3A_237[0] : f32 from vector<1xf32>
            %get3A_239 = arith.index_cast %while3A_231 : i32 to index
            %get3A_240 = tpu.vector_load %arg20[%get3A_239] {strides = array<i32>} : memref<288xf32, #tpu.memory_space<vmem>>, vector<16xf32>,
            %get3A_241 = vector.shape_cast %get3A_240 : vector<16xf32> to vector<16xf32>
            %slice3A_242 = vector.extract_strided_slice %get3A_241 {offsets = [0], sizes = [1], strides = [1]} : vector<16xf32> to vector<1xf32>
            %squeeze3A_243 = vector.extract %slice3A_242[0] : f32 from vector<1xf32>
            %get3A_244 = arith.index_cast %while3A_231 : i32 to index
            %get3A_245 = tpu.vector_load %arg21[%get3A_244] {strides = array<i32>} : memref<288xf32, #tpu.memory_space<vmem>>, vector<16xf32>,
            %get3A_246 = vector.shape_cast %get3A_245 : vector<16xf32> to vector<16xf32>
            %slice3A_247 = vector.extract_strided_slice %get3A_246 {offsets = [0], sizes = [1], strides = [1]} : vector<16xf32> to vector<1xf32>
            %squeeze3A_248 = vector.extract %slice3A_247[0] : f32 from vector<1xf32>
            %mul3A_249 = arith.mulf %squeeze3A_238, %squeeze3A_238 : f32
            %mul3A_250 = arith.mulf %squeeze3A_243, %squeeze3A_243 : f32
            %add3A_251 = arith.addf %mul3A_249, %mul3A_250 : f32
            %mul3A_252 = arith.mulf %squeeze3A_248, %squeeze3A_248 : f32
            %add3A_253 = arith.addf %add3A_251, %mul3A_252 : f32
            %gt3A_254 = arith.cmpf ogt, %add3A_253, %while3A_232 : f32
            %eq3A_255 = arith.cmpf oeq, %add3A_253, %while3A_232 : f32
            %gt3A_256 = arith.cmpi sgt, %while3A_231, %while3A_233 : i32
            %and3A = arith.andi %eq3A_255, %gt3A_256 : i1
            %or3A = arith.ori %gt3A_254, %and3A : i1
            %select_n3A_257 = arith.select %or3A, %add3A_253, %while3A_232 : f32
            %select_n3A_258 = arith.select %or3A, %while3A_231, %while3A_233 : i32
            scf.yield %select_n3A_257, %select_n3A_258 : f32, i32
          }
          %sub3A_170 = arith.constant 1 : i32
          %sub3A_171 = arith.subi %while3A_156, %sub3A_170 : i32
          %get3A_172 = arith.index_cast %sub3A_171 : i32 to index
          %get3A_173 = tpu.vector_load %arg18[%get3A_172] {strides = array<i32>} : memref<288xi32, #tpu.memory_space<vmem>>, vector<16xi32>,
          %get3A_174 = vector.shape_cast %get3A_173 : vector<16xi32> to vector<16xi32>
          %slice3A_175 = vector.extract_strided_slice %get3A_174 {offsets = [0], sizes = [1], strides = [1]} : vector<16xi32> to vector<1xi32>
          %squeeze3A_176 = vector.extract %slice3A_175[0] : i32 from vector<1xi32>
          %get3A_177 = arith.index_cast %sub3A_171 : i32 to index
          %get3A_178 = tpu.vector_load %arg19[%get3A_177] {strides = array<i32>} : memref<288xf32, #tpu.memory_space<vmem>>, vector<16xf32>,
          %get3A_179 = vector.shape_cast %get3A_178 : vector<16xf32> to vector<16xf32>
          %slice3A_180 = vector.extract_strided_slice %get3A_179 {offsets = [0], sizes = [1], strides = [1]} : vector<16xf32> to vector<1xf32>
          %squeeze3A_181 = vector.extract %slice3A_180[0] : f32 from vector<1xf32>
          %get3A_182 = arith.index_cast %sub3A_171 : i32 to index
          %get3A_183 = tpu.vector_load %arg20[%get3A_182] {strides = array<i32>} : memref<288xf32, #tpu.memory_space<vmem>>, vector<16xf32>,
          %get3A_184 = vector.shape_cast %get3A_183 : vector<16xf32> to vector<16xf32>
          %slice3A_185 = vector.extract_strided_slice %get3A_184 {offsets = [0], sizes = [1], strides = [1]} : vector<16xf32> to vector<1xf32>
          %squeeze3A_186 = vector.extract %slice3A_185[0] : f32 from vector<1xf32>
          %get3A_187 = arith.index_cast %sub3A_171 : i32 to index
          %get3A_188 = tpu.vector_load %arg21[%get3A_187] {strides = array<i32>} : memref<288xf32, #tpu.memory_space<vmem>>, vector<16xf32>,
          %get3A_189 = vector.shape_cast %get3A_188 : vector<16xf32> to vector<16xf32>
          %slice3A_190 = vector.extract_strided_slice %get3A_189 {offsets = [0], sizes = [1], strides = [1]} : vector<16xf32> to vector<1xf32>
          %squeeze3A_191 = vector.extract %slice3A_190[0] : f32 from vector<1xf32>
          %iota3A = tpu.iota {dimensions = array<i32: 0>} : vector<16xi32>
          %eq3A = arith.constant 0 : i32
          %eq3A_192 = vector.broadcast %eq3A : i32 to vector<16xi32>
          %eq3A_193 = arith.cmpi eq, %iota3A, %eq3A_192 : vector<16xi32>
          %get3A_194 = arith.index_cast %while3A_169#1 : i32 to index
          %get3A_195 = tpu.vector_load %arg18[%get3A_194] {strides = array<i32>} : memref<288xi32, #tpu.memory_space<vmem>>, vector<16xi32>,
          %get3A_196 = vector.shape_cast %get3A_195 : vector<16xi32> to vector<16xi32>
          %broadcast_in_dim3A_197 = vector.broadcast %squeeze3A_176 : i32 to vector<16xi32>
          %select_n3A = arith.select %eq3A_193, %broadcast_in_dim3A_197, %get3A_196 : vector<16xi1>, vector<16xi32>
          %swap3A_198 = arith.index_cast %while3A_169#1 : i32 to index
          %swap3A_199 = tpu.vector_load %arg18[%swap3A_198] {strides = array<i32>} : memref<288xi32, #tpu.memory_space<vmem>>, vector<16xi32>,
          %swap3A_200 = vector.shape_cast %swap3A_199 : vector<16xi32> to vector<16xi32>
          %swap3A_201 = vector.shape_cast %select_n3A : vector<16xi32> to vector<16xi32>
          tpu.vector_store %arg18[%swap3A_198], %swap3A_201 {strides = array<i32>} : memref<288xi32, #tpu.memory_space<vmem>>, vector<16xi32>,
          %get3A_202 = arith.index_cast %while3A_169#1 : i32 to index
          %get3A_203 = tpu.vector_load %arg19[%get3A_202] {strides = array<i32>} : memref<288xf32, #tpu.memory_space<vmem>>, vector<16xf32>,
          %get3A_204 = vector.shape_cast %get3A_203 : vector<16xf32> to vector<16xf32>
          %broadcast_in_dim3A_205 = vector.broadcast %squeeze3A_181 : f32 to vector<16xf32>
          %select_n3A_206 = arith.select %eq3A_193, %broadcast_in_dim3A_205, %get3A_204 : vector<16xi1>, vector<16xf32>
          %swap3A_207 = arith.index_cast %while3A_169#1 : i32 to index
          %swap3A_208 = tpu.vector_load %arg19[%swap3A_207] {strides = array<i32>} : memref<288xf32, #tpu.memory_space<vmem>>, vector<16xf32>,
          %swap3A_209 = vector.shape_cast %swap3A_208 : vector<16xf32> to vector<16xf32>
          %swap3A_210 = vector.shape_cast %select_n3A_206 : vector<16xf32> to vector<16xf32>
          tpu.vector_store %arg19[%swap3A_207], %swap3A_210 {strides = array<i32>} : memref<288xf32, #tpu.memory_space<vmem>>, vector<16xf32>,
          %get3A_211 = arith.index_cast %while3A_169#1 : i32 to index
          %get3A_212 = tpu.vector_load %arg20[%get3A_211] {strides = array<i32>} : memref<288xf32, #tpu.memory_space<vmem>>, vector<16xf32>,
          %get3A_213 = vector.shape_cast %get3A_212 : vector<16xf32> to vector<16xf32>
          %broadcast_in_dim3A_214 = vector.broadcast %squeeze3A_186 : f32 to vector<16xf32>
          %select_n3A_215 = arith.select %eq3A_193, %broadcast_in_dim3A_214, %get3A_213 : vector<16xi1>, vector<16xf32>
          %swap3A_216 = arith.index_cast %while3A_169#1 : i32 to index
          %swap3A_217 = tpu.vector_load %arg20[%swap3A_216] {strides = array<i32>} : memref<288xf32, #tpu.memory_space<vmem>>, vector<16xf32>,
          %swap3A_218 = vector.shape_cast %swap3A_217 : vector<16xf32> to vector<16xf32>
          %swap3A_219 = vector.shape_cast %select_n3A_215 : vector<16xf32> to vector<16xf32>
          tpu.vector_store %arg20[%swap3A_216], %swap3A_219 {strides = array<i32>} : memref<288xf32, #tpu.memory_space<vmem>>, vector<16xf32>,
          %get3A_220 = arith.index_cast %while3A_169#1 : i32 to index
          %get3A_221 = tpu.vector_load %arg21[%get3A_220] {strides = array<i32>} : memref<288xf32, #tpu.memory_space<vmem>>, vector<16xf32>,
          %get3A_222 = vector.shape_cast %get3A_221 : vector<16xf32> to vector<16xf32>
          %broadcast_in_dim3A_223 = vector.broadcast %squeeze3A_191 : f32 to vector<16xf32>
          %select_n3A_224 = arith.select %eq3A_193, %broadcast_in_dim3A_223, %get3A_222 : vector<16xi1>, vector<16xf32>
          %swap3A_225 = arith.index_cast %while3A_169#1 : i32 to index
          %swap3A_226 = tpu.vector_load %arg21[%swap3A_225] {strides = array<i32>} : memref<288xf32, #tpu.memory_space<vmem>>, vector<16xf32>,
          %swap3A_227 = vector.shape_cast %swap3A_226 : vector<16xf32> to vector<16xf32>
          %swap3A_228 = vector.shape_cast %select_n3A_224 : vector<16xf32> to vector<16xf32>
          tpu.vector_store %arg21[%swap3A_225], %swap3A_228 {strides = array<i32>} : memref<288xf32, #tpu.memory_space<vmem>>, vector<16xf32>,
          %sub3A_229 = arith.constant 1 : i32
          %sub3A_230 = arith.subi %while3A_156, %sub3A_229 : i32
          scf.yield %sub3A_230 : i32
        }
      } else {
      }
      %get3A_41 = arith.constant 0 : index
      %get3A_42 = tpu.vector_load %arg18[%get3A_41] {strides = array<i32>} : memref<288xi32, #tpu.memory_space<vmem>>, vector<16xi32>,
      %get3A_43 = vector.shape_cast %get3A_42 : vector<16xi32> to vector<16xi32>
      %swap3A = arith.constant 0 : index
      %swap3A_44 = tpu.vector_load %arg24[%swap3A] {strides = array<i32>} : memref<64xi32, #tpu.memory_space<vmem>>, vector<16xi32>,
      %swap3A_45 = vector.shape_cast %swap3A_44 : vector<16xi32> to vector<16xi32>
      %swap3A_46 = vector.shape_cast %get3A_43 : vector<16xi32> to vector<16xi32>
      tpu.vector_store %arg24[%swap3A], %swap3A_46 {strides = array<i32>} : memref<64xi32, #tpu.memory_space<vmem>>, vector<16xi32>,
      %get3A_47 = arith.constant 16 : index
      %get3A_48 = tpu.vector_load %arg18[%get3A_47] {strides = array<i32>} : memref<288xi32, #tpu.memory_space<vmem>>, vector<16xi32>,
      %get3A_49 = vector.shape_cast %get3A_48 : vector<16xi32> to vector<16xi32>
      %swap3A_50 = arith.constant 16 : index
      %swap3A_51 = tpu.vector_load %arg24[%swap3A_50] {strides = array<i32>} : memref<64xi32, #tpu.memory_space<vmem>>, vector<16xi32>,
      %swap3A_52 = vector.shape_cast %swap3A_51 : vector<16xi32> to vector<16xi32>
      %swap3A_53 = vector.shape_cast %get3A_49 : vector<16xi32> to vector<16xi32>
      tpu.vector_store %arg24[%swap3A_50], %swap3A_53 {strides = array<i32>} : memref<64xi32, #tpu.memory_space<vmem>>, vector<16xi32>,
      %get3A_54 = arith.constant 32 : index
      %get3A_55 = tpu.vector_load %arg18[%get3A_54] {strides = array<i32>} : memref<288xi32, #tpu.memory_space<vmem>>, vector<16xi32>,
      %get3A_56 = vector.shape_cast %get3A_55 : vector<16xi32> to vector<16xi32>
      %swap3A_57 = arith.constant 32 : index
      %swap3A_58 = tpu.vector_load %arg24[%swap3A_57] {strides = array<i32>} : memref<64xi32, #tpu.memory_space<vmem>>, vector<16xi32>,
      %swap3A_59 = vector.shape_cast %swap3A_58 : vector<16xi32> to vector<16xi32>
      %swap3A_60 = vector.shape_cast %get3A_56 : vector<16xi32> to vector<16xi32>
      tpu.vector_store %arg24[%swap3A_57], %swap3A_60 {strides = array<i32>} : memref<64xi32, #tpu.memory_space<vmem>>, vector<16xi32>,
      %get3A_61 = arith.constant 48 : index
      %get3A_62 = tpu.vector_load %arg18[%get3A_61] {strides = array<i32>} : memref<288xi32, #tpu.memory_space<vmem>>, vector<16xi32>,
      %get3A_63 = vector.shape_cast %get3A_62 : vector<16xi32> to vector<16xi32>
      %swap3A_64 = arith.constant 48 : index
      %swap3A_65 = tpu.vector_load %arg24[%swap3A_64] {strides = array<i32>} : memref<64xi32, #tpu.memory_space<vmem>>, vector<16xi32>,
      %swap3A_66 = vector.shape_cast %swap3A_65 : vector<16xi32> to vector<16xi32>
      %swap3A_67 = vector.shape_cast %get3A_63 : vector<16xi32> to vector<16xi32>
      tpu.vector_store %arg24[%swap3A_64], %swap3A_67 {strides = array<i32>} : memref<64xi32, #tpu.memory_space<vmem>>, vector<16xi32>,
      %dma_start3A = arith.constant 0 : i32
      %dma_start3A_68 = arith.constant 0 : i32
      %dma_start3A_69 = tpu.memref_slice %arg8[%dma_start3A, %dma_start3A_68] : memref<10240x128xf32, #tpu.memory_space<hbm>> -> memref<10240x128xf32, #tpu.memory_space<hbm>>
      tpu.enqueue_indirect_dma source(%dma_start3A_69 : memref<10240x128xf32, #tpu.memory_space<hbm>>) target(%arg25 : memref<64x128xf32, #tpu.memory_space<vmem>>) offsets(%arg24 : memref<64xi32, #tpu.memory_space<vmem>>) semaphore(%arg28 : memref<!tpu.dma_semaphore, #tpu.memory_space<semaphore_mem>>)
      %dma_wait3A = arith.constant 0 : i32
      %dma_wait3A_70 = arith.constant 0 : i32
      %dma_wait3A_71 = tpu.memref_slice %arg8[%dma_wait3A, %dma_wait3A_70] : memref<10240x128xf32, #tpu.memory_space<hbm>> -> memref<10240x128xf32, #tpu.memory_space<hbm>>
      tpu.wait_indirect_dma semaphore(%arg28 : memref<!tpu.dma_semaphore, #tpu.memory_space<semaphore_mem>>) src(%dma_wait3A_71 : memref<10240x128xf32, #tpu.memory_space<hbm>>) dst(%arg25 : memref<64x128xf32, #tpu.memory_space<vmem>>)
      %broadcast_in_dim3A = arith.constant 0.000000e+00 : f32
      %broadcast_in_dim3A_72 = vector.broadcast %broadcast_in_dim3A : f32 to vector<16xf32>
      %broadcast_in_dim3A_73 = arith.constant 0.000000e+00 : f32
      %broadcast_in_dim3A_74 = vector.broadcast %broadcast_in_dim3A_73 : f32 to vector<16xf32>
      %broadcast_in_dim3A_75 = arith.constant 0.000000e+00 : f32
      %broadcast_in_dim3A_76 = vector.broadcast %broadcast_in_dim3A_75 : f32 to vector<16xf32>
      %broadcast_in_dim3A_77 = arith.constant 0.000000e+00 : f32
      %broadcast_in_dim3A_78 = vector.broadcast %broadcast_in_dim3A_77 : f32 to vector<16xf32>
      %broadcast_in_dim3A_79 = arith.constant 0.000000e+00 : f32
      %broadcast_in_dim3A_80 = vector.broadcast %broadcast_in_dim3A_79 : f32 to vector<16xf32>
      %broadcast_in_dim3A_81 = arith.constant 0.000000e+00 : f32
      %broadcast_in_dim3A_82 = vector.broadcast %broadcast_in_dim3A_81 : f32 to vector<16xf32>
      %broadcast_in_dim3A_83 = arith.constant 0.000000e+00 : f32
      %broadcast_in_dim3A_84 = vector.broadcast %broadcast_in_dim3A_83 : f32 to vector<16xf32>
      %broadcast_in_dim3A_85 = arith.constant 0.000000e+00 : f32
      %broadcast_in_dim3A_86 = vector.broadcast %broadcast_in_dim3A_85 : f32 to vector<16xf32>
      %scan3A_87 = arith.constant 0 : i32
      %scan3A_88 = arith.constant 64 : i32
      %scan3A_89 = arith.addi %scan3A_87, %scan3A_88 : i32
      %scan3A_90 = arith.constant 1 : i32
      %scan3A_91:8 = scf.for %scan3A_144 = %scan3A_87 to %scan3A_89 step %scan3A_90 iter_args(%scan3A_145 = %broadcast_in_dim3A_72, %scan3A_146 = %broadcast_in_dim3A_74, %scan3A_147 = %broadcast_in_dim3A_76, %scan3A_148 = %broadcast_in_dim3A_78, %scan3A_149 = %broadcast_in_dim3A_80, %scan3A_150 = %broadcast_in_dim3A_82, %scan3A_151 = %broadcast_in_dim3A_84, %scan3A_152 = %broadcast_in_dim3A_86) -> (vector<16xf32>, vector<16xf32>, vector<16xf32>, vector<16xf32>, vector<16xf32>, vector<16xf32>, vector<16xf32>, vector<16xf32>)  : i32 {
        %get3A_153 = arith.index_cast %scan3A_144 : i32 to index
        %get3A_154 = tpu.vector_load %arg19[%get3A_153] {strides = array<i32>} : memref<288xf32, #tpu.memory_space<vmem>>, vector<16xf32>,
        %get3A_155 = vector.shape_cast %get3A_154 : vector<16xf32> to vector<16xf32>
        %slice3A_156 = vector.extract_strided_slice %get3A_155 {offsets = [0], sizes = [1], strides = [1]} : vector<16xf32> to vector<1xf32>
        %squeeze3A_157 = vector.extract %slice3A_156[0] : f32 from vector<1xf32>
        %get3A_158 = arith.index_cast %scan3A_144 : i32 to index
        %get3A_159 = tpu.vector_load %arg20[%get3A_158] {strides = array<i32>} : memref<288xf32, #tpu.memory_space<vmem>>, vector<16xf32>,
        %get3A_160 = vector.shape_cast %get3A_159 : vector<16xf32> to vector<16xf32>
        %slice3A_161 = vector.extract_strided_slice %get3A_160 {offsets = [0], sizes = [1], strides = [1]} : vector<16xf32> to vector<1xf32>
        %squeeze3A_162 = vector.extract %slice3A_161[0] : f32 from vector<1xf32>
        %get3A_163 = arith.index_cast %scan3A_144 : i32 to index
        %get3A_164 = tpu.vector_load %arg21[%get3A_163] {strides = array<i32>} : memref<288xf32, #tpu.memory_space<vmem>>, vector<16xf32>,
        %get3A_165 = vector.shape_cast %get3A_164 : vector<16xf32> to vector<16xf32>
        %slice3A_166 = vector.extract_strided_slice %get3A_165 {offsets = [0], sizes = [1], strides = [1]} : vector<16xf32> to vector<1xf32>
        %squeeze3A_167 = vector.extract %slice3A_166[0] : f32 from vector<1xf32>
        %get3A_168 = arith.index_cast %scan3A_144 : i32 to index
        %get3A_169 = arith.constant 0 : index
        %get3A_170 = tpu.vector_load %arg25[%get3A_168, %get3A_169] {strides = array<i32>} : memref<64x128xf32, #tpu.memory_space<vmem>>, vector<1x16xf32>,
        %get3A_171 = vector.shape_cast %get3A_170 : vector<1x16xf32> to vector<16xf32>
        %get3A_172 = arith.constant 0 : i32
        %get3A_173 = arith.index_cast %get3A_172 : i32 to index
        %get3A_174 = arith.constant 0 : index
        %get3A_175 = tpu.vector_load %arg26[%get3A_173, %get3A_174] {strides = array<i32>} : memref<3x128xf32, #tpu.memory_space<vmem>>, vector<1x16xf32>,
        %get3A_176 = vector.shape_cast %get3A_175 : vector<1x16xf32> to vector<16xf32>
        %mul3A_177 = vector.broadcast %squeeze3A_157 : f32 to vector<16xf32>
        %mul3A_178 = arith.mulf %mul3A_177, %get3A_176 : vector<16xf32>
        %add3A_179 = arith.addf %get3A_171, %mul3A_178 : vector<16xf32>
        %get3A_180 = arith.constant 1 : i32
        %get3A_181 = arith.index_cast %get3A_180 : i32 to index
        %get3A_182 = arith.constant 0 : index
        %get3A_183 = tpu.vector_load %arg26[%get3A_181, %get3A_182] {strides = array<i32>} : memref<3x128xf32, #tpu.memory_space<vmem>>, vector<1x16xf32>,
        %get3A_184 = vector.shape_cast %get3A_183 : vector<1x16xf32> to vector<16xf32>
        %mul3A_185 = vector.broadcast %squeeze3A_162 : f32 to vector<16xf32>
        %mul3A_186 = arith.mulf %mul3A_185, %get3A_184 : vector<16xf32>
        %add3A_187 = arith.addf %add3A_179, %mul3A_186 : vector<16xf32>
        %get3A_188 = arith.constant 2 : i32
        %get3A_189 = arith.index_cast %get3A_188 : i32 to index
        %get3A_190 = arith.constant 0 : index
        %get3A_191 = tpu.vector_load %arg26[%get3A_189, %get3A_190] {strides = array<i32>} : memref<3x128xf32, #tpu.memory_space<vmem>>, vector<1x16xf32>,
        %get3A_192 = vector.shape_cast %get3A_191 : vector<1x16xf32> to vector<16xf32>
        %mul3A_193 = vector.broadcast %squeeze3A_167 : f32 to vector<16xf32>
        %mul3A_194 = arith.mulf %mul3A_193, %get3A_192 : vector<16xf32>
        %add3A_195 = arith.addf %add3A_187, %mul3A_194 : vector<16xf32>
        %max3A = arith.constant 0.000000e+00 : f32
        %max3A_196 = vector.broadcast %max3A : f32 to vector<16xf32>
        %max3A_197 = arith.maximumf %add3A_195, %max3A_196 : vector<16xf32>
        %max3A_198 = arith.maximumf %scan3A_145, %max3A_197 : vector<16xf32>
        %get3A_199 = arith.index_cast %scan3A_144 : i32 to index
        %get3A_200 = arith.constant 16 : index
        %get3A_201 = tpu.vector_load %arg25[%get3A_199, %get3A_200] {strides = array<i32>} : memref<64x128xf32, #tpu.memory_space<vmem>>, vector<1x16xf32>,
        %get3A_202 = vector.shape_cast %get3A_201 : vector<1x16xf32> to vector<16xf32>
        %get3A_203 = arith.constant 0 : i32
        %get3A_204 = arith.index_cast %get3A_203 : i32 to index
        %get3A_205 = arith.constant 16 : index
        %get3A_206 = tpu.vector_load %arg26[%get3A_204, %get3A_205] {strides = array<i32>} : memref<3x128xf32, #tpu.memory_space<vmem>>, vector<1x16xf32>,
        %get3A_207 = vector.shape_cast %get3A_206 : vector<1x16xf32> to vector<16xf32>
        %mul3A_208 = vector.broadcast %squeeze3A_157 : f32 to vector<16xf32>
        %mul3A_209 = arith.mulf %mul3A_208, %get3A_207 : vector<16xf32>
        %add3A_210 = arith.addf %get3A_202, %mul3A_209 : vector<16xf32>
        %get3A_211 = arith.constant 1 : i32
        %get3A_212 = arith.index_cast %get3A_211 : i32 to index
        %get3A_213 = arith.constant 16 : index
        %get3A_214 = tpu.vector_load %arg26[%get3A_212, %get3A_213] {strides = array<i32>} : memref<3x128xf32, #tpu.memory_space<vmem>>, vector<1x16xf32>,
        %get3A_215 = vector.shape_cast %get3A_214 : vector<1x16xf32> to vector<16xf32>
        %mul3A_216 = vector.broadcast %squeeze3A_162 : f32 to vector<16xf32>
        %mul3A_217 = arith.mulf %mul3A_216, %get3A_215 : vector<16xf32>
        %add3A_218 = arith.addf %add3A_210, %mul3A_217 : vector<16xf32>
        %get3A_219 = arith.constant 2 : i32
        %get3A_220 = arith.index_cast %get3A_219 : i32 to index
        %get3A_221 = arith.constant 16 : index
        %get3A_222 = tpu.vector_load %arg26[%get3A_220, %get3A_221] {strides = array<i32>} : memref<3x128xf32, #tpu.memory_space<vmem>>, vector<1x16xf32>,
        %get3A_223 = vector.shape_cast %get3A_222 : vector<1x16xf32> to vector<16xf32>
        %mul3A_224 = vector.broadcast %squeeze3A_167 : f32 to vector<16xf32>
        %mul3A_225 = arith.mulf %mul3A_224, %get3A_223 : vector<16xf32>
        %add3A_226 = arith.addf %add3A_218, %mul3A_225 : vector<16xf32>
        %max3A_227 = arith.constant 0.000000e+00 : f32
        %max3A_228 = vector.broadcast %max3A_227 : f32 to vector<16xf32>
        %max3A_229 = arith.maximumf %add3A_226, %max3A_228 : vector<16xf32>
        %max3A_230 = arith.maximumf %scan3A_146, %max3A_229 : vector<16xf32>
        %get3A_231 = arith.index_cast %scan3A_144 : i32 to index
        %get3A_232 = arith.constant 32 : index
        %get3A_233 = tpu.vector_load %arg25[%get3A_231, %get3A_232] {strides = array<i32>} : memref<64x128xf32, #tpu.memory_space<vmem>>, vector<1x16xf32>,
        %get3A_234 = vector.shape_cast %get3A_233 : vector<1x16xf32> to vector<16xf32>
        %get3A_235 = arith.constant 0 : i32
        %get3A_236 = arith.index_cast %get3A_235 : i32 to index
        %get3A_237 = arith.constant 32 : index
        %get3A_238 = tpu.vector_load %arg26[%get3A_236, %get3A_237] {strides = array<i32>} : memref<3x128xf32, #tpu.memory_space<vmem>>, vector<1x16xf32>,
        %get3A_239 = vector.shape_cast %get3A_238 : vector<1x16xf32> to vector<16xf32>
        %mul3A_240 = vector.broadcast %squeeze3A_157 : f32 to vector<16xf32>
        %mul3A_241 = arith.mulf %mul3A_240, %get3A_239 : vector<16xf32>
        %add3A_242 = arith.addf %get3A_234, %mul3A_241 : vector<16xf32>
        %get3A_243 = arith.constant 1 : i32
        %get3A_244 = arith.index_cast %get3A_243 : i32 to index
        %get3A_245 = arith.constant 32 : index
        %get3A_246 = tpu.vector_load %arg26[%get3A_244, %get3A_245] {strides = array<i32>} : memref<3x128xf32, #tpu.memory_space<vmem>>, vector<1x16xf32>,
        %get3A_247 = vector.shape_cast %get3A_246 : vector<1x16xf32> to vector<16xf32>
        %mul3A_248 = vector.broadcast %squeeze3A_162 : f32 to vector<16xf32>
        %mul3A_249 = arith.mulf %mul3A_248, %get3A_247 : vector<16xf32>
        %add3A_250 = arith.addf %add3A_242, %mul3A_249 : vector<16xf32>
        %get3A_251 = arith.constant 2 : i32
        %get3A_252 = arith.index_cast %get3A_251 : i32 to index
        %get3A_253 = arith.constant 32 : index
        %get3A_254 = tpu.vector_load %arg26[%get3A_252, %get3A_253] {strides = array<i32>} : memref<3x128xf32, #tpu.memory_space<vmem>>, vector<1x16xf32>,
        %get3A_255 = vector.shape_cast %get3A_254 : vector<1x16xf32> to vector<16xf32>
        %mul3A_256 = vector.broadcast %squeeze3A_167 : f32 to vector<16xf32>
        %mul3A_257 = arith.mulf %mul3A_256, %get3A_255 : vector<16xf32>
        %add3A_258 = arith.addf %add3A_250, %mul3A_257 : vector<16xf32>
        %max3A_259 = arith.constant 0.000000e+00 : f32
        %max3A_260 = vector.broadcast %max3A_259 : f32 to vector<16xf32>
        %max3A_261 = arith.maximumf %add3A_258, %max3A_260 : vector<16xf32>
        %max3A_262 = arith.maximumf %scan3A_147, %max3A_261 : vector<16xf32>
        %get3A_263 = arith.index_cast %scan3A_144 : i32 to index
        %get3A_264 = arith.constant 48 : index
        %get3A_265 = tpu.vector_load %arg25[%get3A_263, %get3A_264] {strides = array<i32>} : memref<64x128xf32, #tpu.memory_space<vmem>>, vector<1x16xf32>,
        %get3A_266 = vector.shape_cast %get3A_265 : vector<1x16xf32> to vector<16xf32>
        %get3A_267 = arith.constant 0 : i32
        %get3A_268 = arith.index_cast %get3A_267 : i32 to index
        %get3A_269 = arith.constant 48 : index
        %get3A_270 = tpu.vector_load %arg26[%get3A_268, %get3A_269] {strides = array<i32>} : memref<3x128xf32, #tpu.memory_space<vmem>>, vector<1x16xf32>,
        %get3A_271 = vector.shape_cast %get3A_270 : vector<1x16xf32> to vector<16xf32>
        %mul3A_272 = vector.broadcast %squeeze3A_157 : f32 to vector<16xf32>
        %mul3A_273 = arith.mulf %mul3A_272, %get3A_271 : vector<16xf32>
        %add3A_274 = arith.addf %get3A_266, %mul3A_273 : vector<16xf32>
        %get3A_275 = arith.constant 1 : i32
        %get3A_276 = arith.index_cast %get3A_275 : i32 to index
        %get3A_277 = arith.constant 48 : index
        %get3A_278 = tpu.vector_load %arg26[%get3A_276, %get3A_277] {strides = array<i32>} : memref<3x128xf32, #tpu.memory_space<vmem>>, vector<1x16xf32>,
        %get3A_279 = vector.shape_cast %get3A_278 : vector<1x16xf32> to vector<16xf32>
        %mul3A_280 = vector.broadcast %squeeze3A_162 : f32 to vector<16xf32>
        %mul3A_281 = arith.mulf %mul3A_280, %get3A_279 : vector<16xf32>
        %add3A_282 = arith.addf %add3A_274, %mul3A_281 : vector<16xf32>
        %get3A_283 = arith.constant 2 : i32
        %get3A_284 = arith.index_cast %get3A_283 : i32 to index
        %get3A_285 = arith.constant 48 : index
        %get3A_286 = tpu.vector_load %arg26[%get3A_284, %get3A_285] {strides = array<i32>} : memref<3x128xf32, #tpu.memory_space<vmem>>, vector<1x16xf32>,
        %get3A_287 = vector.shape_cast %get3A_286 : vector<1x16xf32> to vector<16xf32>
        %mul3A_288 = vector.broadcast %squeeze3A_167 : f32 to vector<16xf32>
        %mul3A_289 = arith.mulf %mul3A_288, %get3A_287 : vector<16xf32>
        %add3A_290 = arith.addf %add3A_282, %mul3A_289 : vector<16xf32>
        %max3A_291 = arith.constant 0.000000e+00 : f32
        %max3A_292 = vector.broadcast %max3A_291 : f32 to vector<16xf32>
        %max3A_293 = arith.maximumf %add3A_290, %max3A_292 : vector<16xf32>
        %max3A_294 = arith.maximumf %scan3A_148, %max3A_293 : vector<16xf32>
        %get3A_295 = arith.index_cast %scan3A_144 : i32 to index
        %get3A_296 = arith.constant 64 : index
        %get3A_297 = tpu.vector_load %arg25[%get3A_295, %get3A_296] {strides = array<i32>} : memref<64x128xf32, #tpu.memory_space<vmem>>, vector<1x16xf32>,
        %get3A_298 = vector.shape_cast %get3A_297 : vector<1x16xf32> to vector<16xf32>
        %get3A_299 = arith.constant 0 : i32
        %get3A_300 = arith.index_cast %get3A_299 : i32 to index
        %get3A_301 = arith.constant 64 : index
        %get3A_302 = tpu.vector_load %arg26[%get3A_300, %get3A_301] {strides = array<i32>} : memref<3x128xf32, #tpu.memory_space<vmem>>, vector<1x16xf32>,
        %get3A_303 = vector.shape_cast %get3A_302 : vector<1x16xf32> to vector<16xf32>
        %mul3A_304 = vector.broadcast %squeeze3A_157 : f32 to vector<16xf32>
        %mul3A_305 = arith.mulf %mul3A_304, %get3A_303 : vector<16xf32>
        %add3A_306 = arith.addf %get3A_298, %mul3A_305 : vector<16xf32>
        %get3A_307 = arith.constant 1 : i32
        %get3A_308 = arith.index_cast %get3A_307 : i32 to index
        %get3A_309 = arith.constant 64 : index
        %get3A_310 = tpu.vector_load %arg26[%get3A_308, %get3A_309] {strides = array<i32>} : memref<3x128xf32, #tpu.memory_space<vmem>>, vector<1x16xf32>,
        %get3A_311 = vector.shape_cast %get3A_310 : vector<1x16xf32> to vector<16xf32>
        %mul3A_312 = vector.broadcast %squeeze3A_162 : f32 to vector<16xf32>
        %mul3A_313 = arith.mulf %mul3A_312, %get3A_311 : vector<16xf32>
        %add3A_314 = arith.addf %add3A_306, %mul3A_313 : vector<16xf32>
        %get3A_315 = arith.constant 2 : i32
        %get3A_316 = arith.index_cast %get3A_315 : i32 to index
        %get3A_317 = arith.constant 64 : index
        %get3A_318 = tpu.vector_load %arg26[%get3A_316, %get3A_317] {strides = array<i32>} : memref<3x128xf32, #tpu.memory_space<vmem>>, vector<1x16xf32>,
        %get3A_319 = vector.shape_cast %get3A_318 : vector<1x16xf32> to vector<16xf32>
        %mul3A_320 = vector.broadcast %squeeze3A_167 : f32 to vector<16xf32>
        %mul3A_321 = arith.mulf %mul3A_320, %get3A_319 : vector<16xf32>
        %add3A_322 = arith.addf %add3A_314, %mul3A_321 : vector<16xf32>
        %max3A_323 = arith.constant 0.000000e+00 : f32
        %max3A_324 = vector.broadcast %max3A_323 : f32 to vector<16xf32>
        %max3A_325 = arith.maximumf %add3A_322, %max3A_324 : vector<16xf32>
        %max3A_326 = arith.maximumf %scan3A_149, %max3A_325 : vector<16xf32>
        %get3A_327 = arith.index_cast %scan3A_144 : i32 to index
        %get3A_328 = arith.constant 80 : index
        %get3A_329 = tpu.vector_load %arg25[%get3A_327, %get3A_328] {strides = array<i32>} : memref<64x128xf32, #tpu.memory_space<vmem>>, vector<1x16xf32>,
        %get3A_330 = vector.shape_cast %get3A_329 : vector<1x16xf32> to vector<16xf32>
        %get3A_331 = arith.constant 0 : i32
        %get3A_332 = arith.index_cast %get3A_331 : i32 to index
        %get3A_333 = arith.constant 80 : index
        %get3A_334 = tpu.vector_load %arg26[%get3A_332, %get3A_333] {strides = array<i32>} : memref<3x128xf32, #tpu.memory_space<vmem>>, vector<1x16xf32>,
        %get3A_335 = vector.shape_cast %get3A_334 : vector<1x16xf32> to vector<16xf32>
        %mul3A_336 = vector.broadcast %squeeze3A_157 : f32 to vector<16xf32>
        %mul3A_337 = arith.mulf %mul3A_336, %get3A_335 : vector<16xf32>
        %add3A_338 = arith.addf %get3A_330, %mul3A_337 : vector<16xf32>
        %get3A_339 = arith.constant 1 : i32
        %get3A_340 = arith.index_cast %get3A_339 : i32 to index
        %get3A_341 = arith.constant 80 : index
        %get3A_342 = tpu.vector_load %arg26[%get3A_340, %get3A_341] {strides = array<i32>} : memref<3x128xf32, #tpu.memory_space<vmem>>, vector<1x16xf32>,
        %get3A_343 = vector.shape_cast %get3A_342 : vector<1x16xf32> to vector<16xf32>
        %mul3A_344 = vector.broadcast %squeeze3A_162 : f32 to vector<16xf32>
        %mul3A_345 = arith.mulf %mul3A_344, %get3A_343 : vector<16xf32>
        %add3A_346 = arith.addf %add3A_338, %mul3A_345 : vector<16xf32>
        %get3A_347 = arith.constant 2 : i32
        %get3A_348 = arith.index_cast %get3A_347 : i32 to index
        %get3A_349 = arith.constant 80 : index
        %get3A_350 = tpu.vector_load %arg26[%get3A_348, %get3A_349] {strides = array<i32>} : memref<3x128xf32, #tpu.memory_space<vmem>>, vector<1x16xf32>,
        %get3A_351 = vector.shape_cast %get3A_350 : vector<1x16xf32> to vector<16xf32>
        %mul3A_352 = vector.broadcast %squeeze3A_167 : f32 to vector<16xf32>
        %mul3A_353 = arith.mulf %mul3A_352, %get3A_351 : vector<16xf32>
        %add3A_354 = arith.addf %add3A_346, %mul3A_353 : vector<16xf32>
        %max3A_355 = arith.constant 0.000000e+00 : f32
        %max3A_356 = vector.broadcast %max3A_355 : f32 to vector<16xf32>
        %max3A_357 = arith.maximumf %add3A_354, %max3A_356 : vector<16xf32>
        %max3A_358 = arith.maximumf %scan3A_150, %max3A_357 : vector<16xf32>
        %get3A_359 = arith.index_cast %scan3A_144 : i32 to index
        %get3A_360 = arith.constant 96 : index
        %get3A_361 = tpu.vector_load %arg25[%get3A_359, %get3A_360] {strides = array<i32>} : memref<64x128xf32, #tpu.memory_space<vmem>>, vector<1x16xf32>,
        %get3A_362 = vector.shape_cast %get3A_361 : vector<1x16xf32> to vector<16xf32>
        %get3A_363 = arith.constant 0 : i32
        %get3A_364 = arith.index_cast %get3A_363 : i32 to index
        %get3A_365 = arith.constant 96 : index
        %get3A_366 = tpu.vector_load %arg26[%get3A_364, %get3A_365] {strides = array<i32>} : memref<3x128xf32, #tpu.memory_space<vmem>>, vector<1x16xf32>,
        %get3A_367 = vector.shape_cast %get3A_366 : vector<1x16xf32> to vector<16xf32>
        %mul3A_368 = vector.broadcast %squeeze3A_157 : f32 to vector<16xf32>
        %mul3A_369 = arith.mulf %mul3A_368, %get3A_367 : vector<16xf32>
        %add3A_370 = arith.addf %get3A_362, %mul3A_369 : vector<16xf32>
        %get3A_371 = arith.constant 1 : i32
        %get3A_372 = arith.index_cast %get3A_371 : i32 to index
        %get3A_373 = arith.constant 96 : index
        %get3A_374 = tpu.vector_load %arg26[%get3A_372, %get3A_373] {strides = array<i32>} : memref<3x128xf32, #tpu.memory_space<vmem>>, vector<1x16xf32>,
        %get3A_375 = vector.shape_cast %get3A_374 : vector<1x16xf32> to vector<16xf32>
        %mul3A_376 = vector.broadcast %squeeze3A_162 : f32 to vector<16xf32>
        %mul3A_377 = arith.mulf %mul3A_376, %get3A_375 : vector<16xf32>
        %add3A_378 = arith.addf %add3A_370, %mul3A_377 : vector<16xf32>
        %get3A_379 = arith.constant 2 : i32
        %get3A_380 = arith.index_cast %get3A_379 : i32 to index
        %get3A_381 = arith.constant 96 : index
        %get3A_382 = tpu.vector_load %arg26[%get3A_380, %get3A_381] {strides = array<i32>} : memref<3x128xf32, #tpu.memory_space<vmem>>, vector<1x16xf32>,
        %get3A_383 = vector.shape_cast %get3A_382 : vector<1x16xf32> to vector<16xf32>
        %mul3A_384 = vector.broadcast %squeeze3A_167 : f32 to vector<16xf32>
        %mul3A_385 = arith.mulf %mul3A_384, %get3A_383 : vector<16xf32>
        %add3A_386 = arith.addf %add3A_378, %mul3A_385 : vector<16xf32>
        %max3A_387 = arith.constant 0.000000e+00 : f32
        %max3A_388 = vector.broadcast %max3A_387 : f32 to vector<16xf32>
        %max3A_389 = arith.maximumf %add3A_386, %max3A_388 : vector<16xf32>
        %max3A_390 = arith.maximumf %scan3A_151, %max3A_389 : vector<16xf32>
        %get3A_391 = arith.index_cast %scan3A_144 : i32 to index
        %get3A_392 = arith.constant 112 : index
        %get3A_393 = tpu.vector_load %arg25[%get3A_391, %get3A_392] {strides = array<i32>} : memref<64x128xf32, #tpu.memory_space<vmem>>, vector<1x16xf32>,
        %get3A_394 = vector.shape_cast %get3A_393 : vector<1x16xf32> to vector<16xf32>
        %get3A_395 = arith.constant 0 : i32
        %get3A_396 = arith.index_cast %get3A_395 : i32 to index
        %get3A_397 = arith.constant 112 : index
        %get3A_398 = tpu.vector_load %arg26[%get3A_396, %get3A_397] {strides = array<i32>} : memref<3x128xf32, #tpu.memory_space<vmem>>, vector<1x16xf32>,
        %get3A_399 = vector.shape_cast %get3A_398 : vector<1x16xf32> to vector<16xf32>
        %mul3A_400 = vector.broadcast %squeeze3A_157 : f32 to vector<16xf32>
        %mul3A_401 = arith.mulf %mul3A_400, %get3A_399 : vector<16xf32>
        %add3A_402 = arith.addf %get3A_394, %mul3A_401 : vector<16xf32>
        %get3A_403 = arith.constant 1 : i32
        %get3A_404 = arith.index_cast %get3A_403 : i32 to index
        %get3A_405 = arith.constant 112 : index
        %get3A_406 = tpu.vector_load %arg26[%get3A_404, %get3A_405] {strides = array<i32>} : memref<3x128xf32, #tpu.memory_space<vmem>>, vector<1x16xf32>,
        %get3A_407 = vector.shape_cast %get3A_406 : vector<1x16xf32> to vector<16xf32>
        %mul3A_408 = vector.broadcast %squeeze3A_162 : f32 to vector<16xf32>
        %mul3A_409 = arith.mulf %mul3A_408, %get3A_407 : vector<16xf32>
        %add3A_410 = arith.addf %add3A_402, %mul3A_409 : vector<16xf32>
        %get3A_411 = arith.constant 2 : i32
        %get3A_412 = arith.index_cast %get3A_411 : i32 to index
        %get3A_413 = arith.constant 112 : index
        %get3A_414 = tpu.vector_load %arg26[%get3A_412, %get3A_413] {strides = array<i32>} : memref<3x128xf32, #tpu.memory_space<vmem>>, vector<1x16xf32>,
        %get3A_415 = vector.shape_cast %get3A_414 : vector<1x16xf32> to vector<16xf32>
        %mul3A_416 = vector.broadcast %squeeze3A_167 : f32 to vector<16xf32>
        %mul3A_417 = arith.mulf %mul3A_416, %get3A_415 : vector<16xf32>
        %add3A_418 = arith.addf %add3A_410, %mul3A_417 : vector<16xf32>
        %max3A_419 = arith.constant 0.000000e+00 : f32
        %max3A_420 = vector.broadcast %max3A_419 : f32 to vector<16xf32>
        %max3A_421 = arith.maximumf %add3A_418, %max3A_420 : vector<16xf32>
        %max3A_422 = arith.maximumf %scan3A_152, %max3A_421 : vector<16xf32>
        scf.yield %max3A_198, %max3A_230, %max3A_262, %max3A_294, %max3A_326, %max3A_358, %max3A_390, %max3A_422 : vector<16xf32>, vector<16xf32>, vector<16xf32>, vector<16xf32>, vector<16xf32>, vector<16xf32>, vector<16xf32>, vector<16xf32>
      }
      %scan3A_92 = arith.constant 64 : i32
      %mul3A_93 = arith.constant 128 : i32
      %mul3A_94 = arith.muli %scan3A_11, %mul3A_93 : i32
      %add3A_95 = arith.constant 0 : i32
      %add3A_96 = arith.addi %mul3A_94, %add3A_95 : i32
      %swap3A_97 = arith.index_cast %add3A_96 : i32 to index
      %swap3A_98 = tpu.vector_load %arg27[%swap3A_97] {strides = array<i32>} : memref<20480xf32, #tpu.memory_space<vmem>>, vector<16xf32>,
      %swap3A_99 = vector.shape_cast %swap3A_98 : vector<16xf32> to vector<16xf32>
      %swap3A_100 = vector.shape_cast %scan3A_91#0 : vector<16xf32> to vector<16xf32>
      tpu.vector_store %arg27[%swap3A_97], %swap3A_100 {strides = array<i32>} : memref<20480xf32, #tpu.memory_space<vmem>>, vector<16xf32>,
      %add3A_101 = arith.constant 16 : i32
      %add3A_102 = arith.addi %mul3A_94, %add3A_101 : i32
      %swap3A_103 = arith.index_cast %add3A_102 : i32 to index
      %swap3A_104 = tpu.vector_load %arg27[%swap3A_103] {strides = array<i32>} : memref<20480xf32, #tpu.memory_space<vmem>>, vector<16xf32>,
      %swap3A_105 = vector.shape_cast %swap3A_104 : vector<16xf32> to vector<16xf32>
      %swap3A_106 = vector.shape_cast %scan3A_91#1 : vector<16xf32> to vector<16xf32>
      tpu.vector_store %arg27[%swap3A_103], %swap3A_106 {strides = array<i32>} : memref<20480xf32, #tpu.memory_space<vmem>>, vector<16xf32>,
      %add3A_107 = arith.constant 32 : i32
      %add3A_108 = arith.addi %mul3A_94, %add3A_107 : i32
      %swap3A_109 = arith.index_cast %add3A_108 : i32 to index
      %swap3A_110 = tpu.vector_load %arg27[%swap3A_109] {strides = array<i32>} : memref<20480xf32, #tpu.memory_space<vmem>>, vector<16xf32>,
      %swap3A_111 = vector.shape_cast %swap3A_110 : vector<16xf32> to vector<16xf32>
      %swap3A_112 = vector.shape_cast %scan3A_91#2 : vector<16xf32> to vector<16xf32>
      tpu.vector_store %arg27[%swap3A_109], %swap3A_112 {strides = array<i32>} : memref<20480xf32, #tpu.memory_space<vmem>>, vector<16xf32>,
      %add3A_113 = arith.constant 48 : i32
      %add3A_114 = arith.addi %mul3A_94, %add3A_113 : i32
      %swap3A_115 = arith.index_cast %add3A_114 : i32 to index
      %swap3A_116 = tpu.vector_load %arg27[%swap3A_115] {strides = array<i32>} : memref<20480xf32, #tpu.memory_space<vmem>>, vector<16xf32>,
      %swap3A_117 = vector.shape_cast %swap3A_116 : vector<16xf32> to vector<16xf32>
      %swap3A_118 = vector.shape_cast %scan3A_91#3 : vector<16xf32> to vector<16xf32>
      tpu.vector_store %arg27[%swap3A_115], %swap3A_118 {strides = array<i32>} : memref<20480xf32, #tpu.memory_space<vmem>>, vector<16xf32>,
      %add3A_119 = arith.constant 64 : i32
      %add3A_120 = arith.addi %mul3A_94, %add3A_119 : i32
      %swap3A_121 = arith.index_cast %add3A_120 : i32 to index
      %swap3A_122 = tpu.vector_load %arg27[%swap3A_121] {strides = array<i32>} : memref<20480xf32, #tpu.memory_space<vmem>>, vector<16xf32>,
      %swap3A_123 = vector.shape_cast %swap3A_122 : vector<16xf32> to vector<16xf32>
      %swap3A_124 = vector.shape_cast %scan3A_91#4 : vector<16xf32> to vector<16xf32>
      tpu.vector_store %arg27[%swap3A_121], %swap3A_124 {strides = array<i32>} : memref<20480xf32, #tpu.memory_space<vmem>>, vector<16xf32>,
      %add3A_125 = arith.constant 80 : i32
      %add3A_126 = arith.addi %mul3A_94, %add3A_125 : i32
      %swap3A_127 = arith.index_cast %add3A_126 : i32 to index
      %swap3A_128 = tpu.vector_load %arg27[%swap3A_127] {strides = array<i32>} : memref<20480xf32, #tpu.memory_space<vmem>>, vector<16xf32>,
      %swap3A_129 = vector.shape_cast %swap3A_128 : vector<16xf32> to vector<16xf32>
      %swap3A_130 = vector.shape_cast %scan3A_91#5 : vector<16xf32> to vector<16xf32>
      tpu.vector_store %arg27[%swap3A_127], %swap3A_130 {strides = array<i32>} : memref<20480xf32, #tpu.memory_space<vmem>>, vector<16xf32>,
      %add3A_131 = arith.constant 96 : i32
      %add3A_132 = arith.addi %mul3A_94, %add3A_131 : i32
      %swap3A_133 = arith.index_cast %add3A_132 : i32 to index
      %swap3A_134 = tpu.vector_load %arg27[%swap3A_133] {strides = array<i32>} : memref<20480xf32, #tpu.memory_space<vmem>>, vector<16xf32>,
      %swap3A_135 = vector.shape_cast %swap3A_134 : vector<16xf32> to vector<16xf32>
      %swap3A_136 = vector.shape_cast %scan3A_91#6 : vector<16xf32> to vector<16xf32>
      tpu.vector_store %arg27[%swap3A_133], %swap3A_136 {strides = array<i32>} : memref<20480xf32, #tpu.memory_space<vmem>>, vector<16xf32>,
      %add3A_137 = arith.constant 112 : i32
      %add3A_138 = arith.addi %mul3A_94, %add3A_137 : i32
      %swap3A_139 = arith.index_cast %add3A_138 : i32 to index
      %swap3A_140 = tpu.vector_load %arg27[%swap3A_139] {strides = array<i32>} : memref<20480xf32, #tpu.memory_space<vmem>>, vector<16xf32>,
      %swap3A_141 = vector.shape_cast %swap3A_140 : vector<16xf32> to vector<16xf32>
      %swap3A_142 = vector.shape_cast %scan3A_91#7 : vector<16xf32> to vector<16xf32>
      tpu.vector_store %arg27[%swap3A_139], %swap3A_142 {strides = array<i32>} : memref<20480xf32, #tpu.memory_space<vmem>>, vector<16xf32>,
      %scan3A_143 = arith.constant 0 : i32
      scf.yield %scan3A_143 : i32
    }
    %scan3A_8 = arith.constant 160 : i32
    %mul3A_9 = arith.constant 128 : i32
    %mul3A_10 = arith.muli %mul3A_2, %mul3A_9 : i32
    "tpu.region"() ({
      %run_scoped3A = tpu.sem_alloc : memref<!tpu.dma_semaphore, #tpu.memory_space<semaphore_mem>>
      %dma_start3A = tpu.memref_slice %arg11[%mul3A_10] : memref<655360xf32, #tpu.memory_space<hbm>> -> memref<20480xf32, #tpu.memory_space<hbm>>
      %dma_start3A_11 = tpu.memref_slice %arg11[%mul3A_10] : memref<655360xf32, #tpu.memory_space<hbm>> -> memref<20480xf32, #tpu.memory_space<hbm>>
      tpu.enqueue_dma source(%arg27 : memref<20480xf32, #tpu.memory_space<vmem>>) target(%dma_start3A_11 : memref<20480xf32, #tpu.memory_space<hbm>>) target_semaphore(%run_scoped3A : memref<!tpu.dma_semaphore, #tpu.memory_space<semaphore_mem>>)
      %dma_wait3A = tpu.memref_slice %arg11[%mul3A_10] : memref<655360xf32, #tpu.memory_space<hbm>> -> memref<20480xf32, #tpu.memory_space<hbm>>
      %dma_wait3A_12 = tpu.memref_slice %arg11[%mul3A_10] : memref<655360xf32, #tpu.memory_space<hbm>> -> memref<20480xf32, #tpu.memory_space<hbm>>
      tpu.wait_dma2 semaphore(%run_scoped3A : memref<!tpu.dma_semaphore, #tpu.memory_space<semaphore_mem>>) src(%arg27 : memref<20480xf32, #tpu.memory_space<vmem>>) dst(%dma_wait3A_12 : memref<20480xf32, #tpu.memory_space<hbm>>)
      tpu.yield
    }) : () -> ()
    return
  }
}

module attributes {stable_mosaic.version = 14 : i64} {
  func.func @_fps_body(%arg0: memref<8x1280xf32, #tpu.memory_space<vmem>>, %arg1: memref<8x1280xf32, #tpu.memory_space<vmem>>, %arg2: memref<8x1280xf32, #tpu.memory_space<vmem>>, %arg3: memref<5120xi32, #tpu.memory_space<smem>>, %arg4: memref<5120xf32, #tpu.memory_space<smem>>, %arg5: memref<5120xf32, #tpu.memory_space<smem>>, %arg6: memref<5120xf32, #tpu.memory_space<smem>>) attributes {dimension_semantics = [], scalar_prefetch = 0 : i64, scratch_operands = 0 : i64, tpu.core_type = #tpu.core_type<tc>} {
    %get3A = arith.constant 0 : index
    %get3A_0 = arith.constant 0 : index
    %get3A_1 = vector.load %arg0[%get3A, %get3A_0] : memref<8x1280xf32, #tpu.memory_space<vmem>>, vector<8x1280xf32>
    %get3A_2 = arith.constant 0 : index
    %get3A_3 = arith.constant 0 : index
    %get3A_4 = vector.load %arg1[%get3A_2, %get3A_3] : memref<8x1280xf32, #tpu.memory_space<vmem>>, vector<8x1280xf32>
    %get3A_5 = arith.constant 0 : index
    %get3A_6 = arith.constant 0 : index
    %get3A_7 = vector.load %arg2[%get3A_5, %get3A_6] : memref<8x1280xf32, #tpu.memory_space<vmem>>, vector<8x1280xf32>
    %iota3A = tpu.iota {dimensions = array<i32: 0>} : vector<8x1280xi32>
    %mul3A = arith.constant 1280 : i32
    %mul3A_8 = vector.broadcast %mul3A : i32 to vector<8x1280xi32>
    %mul3A_9 = arith.muli %iota3A, %mul3A_8 : vector<8x1280xi32>
    %iota3A_10 = tpu.iota {dimensions = array<i32: 1>} : vector<8x1280xi32>
    %add3A = arith.addi %mul3A_9, %iota3A_10 : vector<8x1280xi32>
    %eq3A = arith.constant 0 : i32
    %eq3A_11 = vector.broadcast %eq3A : i32 to vector<8x1280xi32>
    %eq3A_12 = arith.cmpi eq, %add3A, %eq3A_11 : vector<8x1280xi32>
    %jit3A = arith.constant 0.000000e+00 : f32
    %broadcast_in_dim3A = vector.broadcast %jit3A : f32 to vector<8x1280xf32>
    %select_n3A = arith.select %eq3A_12, %get3A_1, %broadcast_in_dim3A : vector<8x1280xi1>, vector<8x1280xf32>
    %reduce_sum3A = vector.shape_cast %select_n3A : vector<8x1280xf32> to vector<1x8x1280xf32>
    %reduce_sum3A_13 = arith.constant dense<0.000000e+00> : vector<1xf32>
    %reduce_sum3A_14 = vector.multi_reduction <add>, %reduce_sum3A, %reduce_sum3A_13 [1, 2] : vector<1x8x1280xf32> to vector<1xf32>
    %reduce_sum3A_15 = vector.shape_cast %reduce_sum3A_14 : vector<1xf32> to vector<1x1x1xf32>
    %reduce_sum3A_16 = vector.extract %reduce_sum3A_15[0, 0, 0] : f32 from vector<1x1x1xf32>
    %jit3A_17 = arith.constant 0.000000e+00 : f32
    %broadcast_in_dim3A_18 = vector.broadcast %jit3A_17 : f32 to vector<8x1280xf32>
    %select_n3A_19 = arith.select %eq3A_12, %get3A_4, %broadcast_in_dim3A_18 : vector<8x1280xi1>, vector<8x1280xf32>
    %reduce_sum3A_20 = vector.shape_cast %select_n3A_19 : vector<8x1280xf32> to vector<1x8x1280xf32>
    %reduce_sum3A_21 = arith.constant dense<0.000000e+00> : vector<1xf32>
    %reduce_sum3A_22 = vector.multi_reduction <add>, %reduce_sum3A_20, %reduce_sum3A_21 [1, 2] : vector<1x8x1280xf32> to vector<1xf32>
    %reduce_sum3A_23 = vector.shape_cast %reduce_sum3A_22 : vector<1xf32> to vector<1x1x1xf32>
    %reduce_sum3A_24 = vector.extract %reduce_sum3A_23[0, 0, 0] : f32 from vector<1x1x1xf32>
    %jit3A_25 = arith.constant 0.000000e+00 : f32
    %broadcast_in_dim3A_26 = vector.broadcast %jit3A_25 : f32 to vector<8x1280xf32>
    %select_n3A_27 = arith.select %eq3A_12, %get3A_7, %broadcast_in_dim3A_26 : vector<8x1280xi1>, vector<8x1280xf32>
    %reduce_sum3A_28 = vector.shape_cast %select_n3A_27 : vector<8x1280xf32> to vector<1x8x1280xf32>
    %reduce_sum3A_29 = arith.constant dense<0.000000e+00> : vector<1xf32>
    %reduce_sum3A_30 = vector.multi_reduction <add>, %reduce_sum3A_28, %reduce_sum3A_29 [1, 2] : vector<1x8x1280xf32> to vector<1xf32>
    %reduce_sum3A_31 = vector.shape_cast %reduce_sum3A_30 : vector<1xf32> to vector<1x1x1xf32>
    %reduce_sum3A_32 = vector.extract %reduce_sum3A_31[0, 0, 0] : f32 from vector<1x1x1xf32>
    %swap3A = arith.constant 0 : i32
    %swap3A_33 = arith.constant 0 : index
    %swap3A_34 = memref.load %arg3[%swap3A_33] : memref<5120xi32, #tpu.memory_space<smem>>
    memref.store %swap3A, %arg3[%swap3A_33] : memref<5120xi32, #tpu.memory_space<smem>>
    %swap3A_35 = arith.constant 0 : index
    %swap3A_36 = memref.load %arg4[%swap3A_35] : memref<5120xf32, #tpu.memory_space<smem>>
    memref.store %reduce_sum3A_16, %arg4[%swap3A_35] : memref<5120xf32, #tpu.memory_space<smem>>
    %swap3A_37 = arith.constant 0 : index
    %swap3A_38 = memref.load %arg5[%swap3A_37] : memref<5120xf32, #tpu.memory_space<smem>>
    memref.store %reduce_sum3A_24, %arg5[%swap3A_37] : memref<5120xf32, #tpu.memory_space<smem>>
    %swap3A_39 = arith.constant 0 : index
    %swap3A_40 = memref.load %arg6[%swap3A_39] : memref<5120xf32, #tpu.memory_space<smem>>
    memref.store %reduce_sum3A_32, %arg6[%swap3A_39] : memref<5120xf32, #tpu.memory_space<smem>>
    %sub3A = vector.broadcast %reduce_sum3A_16 : f32 to vector<8x1280xf32>
    %sub3A_41 = arith.subf %get3A_1, %sub3A : vector<8x1280xf32>
    %integer_pow3A = arith.mulf %sub3A_41, %sub3A_41 : vector<8x1280xf32>
    %sub3A_42 = vector.broadcast %reduce_sum3A_24 : f32 to vector<8x1280xf32>
    %sub3A_43 = arith.subf %get3A_4, %sub3A_42 : vector<8x1280xf32>
    %integer_pow3A_44 = arith.mulf %sub3A_43, %sub3A_43 : vector<8x1280xf32>
    %add3A_45 = arith.addf %integer_pow3A, %integer_pow3A_44 : vector<8x1280xf32>
    %sub3A_46 = vector.broadcast %reduce_sum3A_32 : f32 to vector<8x1280xf32>
    %sub3A_47 = arith.subf %get3A_7, %sub3A_46 : vector<8x1280xf32>
    %integer_pow3A_48 = arith.mulf %sub3A_47, %sub3A_47 : vector<8x1280xf32>
    %add3A_49 = arith.addf %add3A_45, %integer_pow3A_48 : vector<8x1280xf32>
    %lt3A = arith.constant 10000 : i32
    %lt3A_50 = vector.broadcast %lt3A : i32 to vector<8x1280xi32>
    %lt3A_51 = arith.cmpi slt, %add3A, %lt3A_50 : vector<8x1280xi32>
    %jit3A_52 = arith.constant 0xFF800000 : f32
    %broadcast_in_dim3A_53 = vector.broadcast %jit3A_52 : f32 to vector<8x1280xf32>
    %select_n3A_54 = arith.select %lt3A_51, %add3A_49, %broadcast_in_dim3A_53 : vector<8x1280xi1>, vector<8x1280xf32>
    %scan3A = arith.constant 1 : i32
    %scan3A_55 = arith.constant 4999 : i32
    %scan3A_56 = arith.addi %scan3A, %scan3A_55 : i32
    %scan3A_57 = arith.constant 1 : i32
    %scan3A_58 = scf.for %scan3A_65 = %scan3A to %scan3A_56 step %scan3A_57 iter_args(%scan3A_66 = %select_n3A_54) -> (vector<8x1280xf32>)  : i32 {
      %reduce_max3A = vector.shape_cast %scan3A_66 : vector<8x1280xf32> to vector<1x8x1280xf32>
      %reduce_max3A_67 = arith.constant dense<0xFF800000> : vector<1xf32>
      %reduce_max3A_68 = vector.multi_reduction <maximumf>, %reduce_max3A, %reduce_max3A_67 [1, 2] : vector<1x8x1280xf32> to vector<1xf32>
      %reduce_max3A_69 = vector.shape_cast %reduce_max3A_68 : vector<1xf32> to vector<1x1x1xf32>
      %reduce_max3A_70 = vector.extract %reduce_max3A_69[0, 0, 0] : f32 from vector<1x1x1xf32>
      %eq3A_71 = vector.broadcast %reduce_max3A_70 : f32 to vector<8x1280xf32>
      %eq3A_72 = arith.cmpf oeq, %scan3A_66, %eq3A_71 : vector<8x1280xf32>
      %jit3A_73 = arith.constant 1073741824 : i32
      %broadcast_in_dim3A_74 = vector.broadcast %jit3A_73 : i32 to vector<8x1280xi32>
      %select_n3A_75 = arith.select %eq3A_72, %add3A, %broadcast_in_dim3A_74 : vector<8x1280xi1>, vector<8x1280xi32>
      %reduce_min3A = vector.shape_cast %select_n3A_75 : vector<8x1280xi32> to vector<1x8x1280xi32>
      %reduce_min3A_76 = arith.constant dense<2147483647> : vector<1xi32>
      %reduce_min3A_77 = vector.multi_reduction <minsi>, %reduce_min3A, %reduce_min3A_76 [1, 2] : vector<1x8x1280xi32> to vector<1xi32>
      %reduce_min3A_78 = vector.shape_cast %reduce_min3A_77 : vector<1xi32> to vector<1x1x1xi32>
      %reduce_min3A_79 = vector.extract %reduce_min3A_78[0, 0, 0] : i32 from vector<1x1x1xi32>
      %eq3A_80 = vector.broadcast %reduce_min3A_79 : i32 to vector<8x1280xi32>
      %eq3A_81 = arith.cmpi eq, %add3A, %eq3A_80 : vector<8x1280xi32>
      %jit3A_82 = arith.constant 0.000000e+00 : f32
      %broadcast_in_dim3A_83 = vector.broadcast %jit3A_82 : f32 to vector<8x1280xf32>
      %select_n3A_84 = arith.select %eq3A_81, %get3A_1, %broadcast_in_dim3A_83 : vector<8x1280xi1>, vector<8x1280xf32>
      %reduce_sum3A_85 = vector.shape_cast %select_n3A_84 : vector<8x1280xf32> to vector<1x8x1280xf32>
      %reduce_sum3A_86 = arith.constant dense<0.000000e+00> : vector<1xf32>
      %reduce_sum3A_87 = vector.multi_reduction <add>, %reduce_sum3A_85, %reduce_sum3A_86 [1, 2] : vector<1x8x1280xf32> to vector<1xf32>
      %reduce_sum3A_88 = vector.shape_cast %reduce_sum3A_87 : vector<1xf32> to vector<1x1x1xf32>
      %reduce_sum3A_89 = vector.extract %reduce_sum3A_88[0, 0, 0] : f32 from vector<1x1x1xf32>
      %jit3A_90 = arith.constant 0.000000e+00 : f32
      %broadcast_in_dim3A_91 = vector.broadcast %jit3A_90 : f32 to vector<8x1280xf32>
      %select_n3A_92 = arith.select %eq3A_81, %get3A_4, %broadcast_in_dim3A_91 : vector<8x1280xi1>, vector<8x1280xf32>
      %reduce_sum3A_93 = vector.shape_cast %select_n3A_92 : vector<8x1280xf32> to vector<1x8x1280xf32>
      %reduce_sum3A_94 = arith.constant dense<0.000000e+00> : vector<1xf32>
      %reduce_sum3A_95 = vector.multi_reduction <add>, %reduce_sum3A_93, %reduce_sum3A_94 [1, 2] : vector<1x8x1280xf32> to vector<1xf32>
      %reduce_sum3A_96 = vector.shape_cast %reduce_sum3A_95 : vector<1xf32> to vector<1x1x1xf32>
      %reduce_sum3A_97 = vector.extract %reduce_sum3A_96[0, 0, 0] : f32 from vector<1x1x1xf32>
      %jit3A_98 = arith.constant 0.000000e+00 : f32
      %broadcast_in_dim3A_99 = vector.broadcast %jit3A_98 : f32 to vector<8x1280xf32>
      %select_n3A_100 = arith.select %eq3A_81, %get3A_7, %broadcast_in_dim3A_99 : vector<8x1280xi1>, vector<8x1280xf32>
      %reduce_sum3A_101 = vector.shape_cast %select_n3A_100 : vector<8x1280xf32> to vector<1x8x1280xf32>
      %reduce_sum3A_102 = arith.constant dense<0.000000e+00> : vector<1xf32>
      %reduce_sum3A_103 = vector.multi_reduction <add>, %reduce_sum3A_101, %reduce_sum3A_102 [1, 2] : vector<1x8x1280xf32> to vector<1xf32>
      %reduce_sum3A_104 = vector.shape_cast %reduce_sum3A_103 : vector<1xf32> to vector<1x1x1xf32>
      %reduce_sum3A_105 = vector.extract %reduce_sum3A_104[0, 0, 0] : f32 from vector<1x1x1xf32>
      %swap3A_106 = arith.index_cast %scan3A_65 : i32 to index
      %swap3A_107 = memref.load %arg3[%swap3A_106] : memref<5120xi32, #tpu.memory_space<smem>>
      memref.store %reduce_min3A_79, %arg3[%swap3A_106] : memref<5120xi32, #tpu.memory_space<smem>>
      %swap3A_108 = arith.index_cast %scan3A_65 : i32 to index
      %swap3A_109 = memref.load %arg4[%swap3A_108] : memref<5120xf32, #tpu.memory_space<smem>>
      memref.store %reduce_sum3A_89, %arg4[%swap3A_108] : memref<5120xf32, #tpu.memory_space<smem>>
      %swap3A_110 = arith.index_cast %scan3A_65 : i32 to index
      %swap3A_111 = memref.load %arg5[%swap3A_110] : memref<5120xf32, #tpu.memory_space<smem>>
      memref.store %reduce_sum3A_97, %arg5[%swap3A_110] : memref<5120xf32, #tpu.memory_space<smem>>
      %swap3A_112 = arith.index_cast %scan3A_65 : i32 to index
      %swap3A_113 = memref.load %arg6[%swap3A_112] : memref<5120xf32, #tpu.memory_space<smem>>
      memref.store %reduce_sum3A_105, %arg6[%swap3A_112] : memref<5120xf32, #tpu.memory_space<smem>>
      %sub3A_114 = vector.broadcast %reduce_sum3A_89 : f32 to vector<8x1280xf32>
      %sub3A_115 = arith.subf %get3A_1, %sub3A_114 : vector<8x1280xf32>
      %integer_pow3A_116 = arith.mulf %sub3A_115, %sub3A_115 : vector<8x1280xf32>
      %sub3A_117 = vector.broadcast %reduce_sum3A_97 : f32 to vector<8x1280xf32>
      %sub3A_118 = arith.subf %get3A_4, %sub3A_117 : vector<8x1280xf32>
      %integer_pow3A_119 = arith.mulf %sub3A_118, %sub3A_118 : vector<8x1280xf32>
      %add3A_120 = arith.addf %integer_pow3A_116, %integer_pow3A_119 : vector<8x1280xf32>
      %sub3A_121 = vector.broadcast %reduce_sum3A_105 : f32 to vector<8x1280xf32>
      %sub3A_122 = arith.subf %get3A_7, %sub3A_121 : vector<8x1280xf32>
      %integer_pow3A_123 = arith.mulf %sub3A_122, %sub3A_122 : vector<8x1280xf32>
      %add3A_124 = arith.addf %add3A_120, %integer_pow3A_123 : vector<8x1280xf32>
      %min3A = arith.minimumf %scan3A_66, %add3A_124 : vector<8x1280xf32>
      scf.yield %min3A : vector<8x1280xf32>
    }
    %scan3A_59 = arith.constant 4999 : i32
    %scan3A_60 = arith.constant 5000 : i32
    %scan3A_61 = arith.constant 120 : i32
    %scan3A_62 = arith.addi %scan3A_60, %scan3A_61 : i32
    %scan3A_63 = arith.constant 1 : i32
    scf.for %scan3A_65 = %scan3A_60 to %scan3A_62 step %scan3A_63  : i32 {
      %swap3A_66 = arith.constant 0 : i32
      %swap3A_67 = arith.index_cast %scan3A_65 : i32 to index
      %swap3A_68 = memref.load %arg3[%swap3A_67] : memref<5120xi32, #tpu.memory_space<smem>>
      memref.store %swap3A_66, %arg3[%swap3A_67] : memref<5120xi32, #tpu.memory_space<smem>>
      %swap3A_69 = arith.index_cast %scan3A_65 : i32 to index
      %swap3A_70 = memref.load %arg4[%swap3A_69] : memref<5120xf32, #tpu.memory_space<smem>>
      memref.store %reduce_sum3A_16, %arg4[%swap3A_69] : memref<5120xf32, #tpu.memory_space<smem>>
      %swap3A_71 = arith.index_cast %scan3A_65 : i32 to index
      %swap3A_72 = memref.load %arg5[%swap3A_71] : memref<5120xf32, #tpu.memory_space<smem>>
      memref.store %reduce_sum3A_24, %arg5[%swap3A_71] : memref<5120xf32, #tpu.memory_space<smem>>
      %swap3A_73 = arith.index_cast %scan3A_65 : i32 to index
      %swap3A_74 = memref.load %arg6[%swap3A_73] : memref<5120xf32, #tpu.memory_space<smem>>
      memref.store %reduce_sum3A_32, %arg6[%swap3A_73] : memref<5120xf32, #tpu.memory_space<smem>>
    }
    %scan3A_64 = arith.constant 120 : i32
    return
  }
}

module attributes {stable_mosaic.version = 14 : i64} {
  func.func @_cmin_body(%arg0: i32, %arg1: memref<256xf32, #tpu.memory_space<vmem>>, %arg2: memref<256xf32, #tpu.memory_space<vmem>>, %arg3: memref<256xf32, #tpu.memory_space<vmem>>, %arg4: memref<16x640xf32, #tpu.memory_space<vmem>>, %arg5: memref<16x640xf32, #tpu.memory_space<vmem>>, %arg6: memref<16x640xf32, #tpu.memory_space<vmem>>, %arg7: memref<256x640xf32, #tpu.memory_space<vmem>>) attributes {dimension_semantics = [#tpu.dimension_semantics<arbitrary>], iteration_bounds = array<i64: 20>, scalar_prefetch = 0 : i64, scratch_operands = 0 : i64, tpu.core_type = #tpu.core_type<tc>, window_params = [{transform_indices = @transform_0, window_bounds = array<i64: 256>}, {transform_indices = @transform_1, window_bounds = array<i64: 256>}, {transform_indices = @transform_2, window_bounds = array<i64: 256>}, {pipeline_mode = #tpu.pipeline_mode<synchronous>, transform_indices = @transform_3, window_bounds = array<i64: 16, 640>}, {pipeline_mode = #tpu.pipeline_mode<synchronous>, transform_indices = @transform_4, window_bounds = array<i64: 16, 640>}, {pipeline_mode = #tpu.pipeline_mode<synchronous>, transform_indices = @transform_5, window_bounds = array<i64: 16, 640>}, {transform_indices = @transform_6, window_bounds = array<i64: 256, 640>}]} {
    %get3A = arith.constant 0 : index
    %get3A_0 = vector.load %arg1[%get3A] : memref<256xf32, #tpu.memory_space<vmem>>, vector<256xf32>
    %reshape3A = vector.shape_cast %get3A_0 : vector<256xf32> to vector<256x1xf32>
    %get3A_1 = arith.constant 0 : index
    %get3A_2 = vector.load %arg2[%get3A_1] : memref<256xf32, #tpu.memory_space<vmem>>, vector<256xf32>
    %reshape3A_3 = vector.shape_cast %get3A_2 : vector<256xf32> to vector<256x1xf32>
    %get3A_4 = arith.constant 0 : index
    %get3A_5 = vector.load %arg3[%get3A_4] : memref<256xf32, #tpu.memory_space<vmem>>, vector<256xf32>
    %reshape3A_6 = vector.shape_cast %get3A_5 : vector<256xf32> to vector<256x1xf32>
    %broadcast_in_dim3A = arith.constant 0x7F800000 : f32
    %broadcast_in_dim3A_7 = vector.broadcast %broadcast_in_dim3A : f32 to vector<256x640xf32>
    %get3A_8 = arith.constant 0 : index
    %get3A_9 = arith.constant 0 : index
    %get3A_10 = vector.load %arg4[%get3A_8, %get3A_9] : memref<16x640xf32, #tpu.memory_space<vmem>>, vector<1x640xf32>
    %get3A_11 = vector.shape_cast %get3A_10 : vector<1x640xf32> to vector<640xf32>
    %reshape3A_12 = vector.shape_cast %get3A_11 : vector<640xf32> to vector<1x640xf32>
    %sub3A = vector.broadcast %reshape3A : vector<256x1xf32> to vector<256x640xf32>
    %sub3A_13 = vector.broadcast %reshape3A_12 : vector<1x640xf32> to vector<256x640xf32>
    %sub3A_14 = arith.subf %sub3A, %sub3A_13 : vector<256x640xf32>
    %get3A_15 = arith.constant 0 : index
    %get3A_16 = arith.constant 0 : index
    %get3A_17 = vector.load %arg5[%get3A_15, %get3A_16] : memref<16x640xf32, #tpu.memory_space<vmem>>, vector<1x640xf32>
    %get3A_18 = vector.shape_cast %get3A_17 : vector<1x640xf32> to vector<640xf32>
    %reshape3A_19 = vector.shape_cast %get3A_18 : vector<640xf32> to vector<1x640xf32>
    %sub3A_20 = vector.broadcast %reshape3A_3 : vector<256x1xf32> to vector<256x640xf32>
    %sub3A_21 = vector.broadcast %reshape3A_19 : vector<1x640xf32> to vector<256x640xf32>
    %sub3A_22 = arith.subf %sub3A_20, %sub3A_21 : vector<256x640xf32>
    %get3A_23 = arith.constant 0 : index
    %get3A_24 = arith.constant 0 : index
    %get3A_25 = vector.load %arg6[%get3A_23, %get3A_24] : memref<16x640xf32, #tpu.memory_space<vmem>>, vector<1x640xf32>
    %get3A_26 = vector.shape_cast %get3A_25 : vector<1x640xf32> to vector<640xf32>
    %reshape3A_27 = vector.shape_cast %get3A_26 : vector<640xf32> to vector<1x640xf32>
    %sub3A_28 = vector.broadcast %reshape3A_6 : vector<256x1xf32> to vector<256x640xf32>
    %sub3A_29 = vector.broadcast %reshape3A_27 : vector<1x640xf32> to vector<256x640xf32>
    %sub3A_30 = arith.subf %sub3A_28, %sub3A_29 : vector<256x640xf32>
    %mul3A = arith.mulf %sub3A_14, %sub3A_14 : vector<256x640xf32>
    %mul3A_31 = arith.mulf %sub3A_22, %sub3A_22 : vector<256x640xf32>
    %add3A = arith.addf %mul3A, %mul3A_31 : vector<256x640xf32>
    %mul3A_32 = arith.mulf %sub3A_30, %sub3A_30 : vector<256x640xf32>
    %add3A_33 = arith.addf %add3A, %mul3A_32 : vector<256x640xf32>
    %min3A = arith.minimumf %broadcast_in_dim3A_7, %add3A_33 : vector<256x640xf32>
    %get3A_34 = arith.constant 1 : index
    %get3A_35 = arith.constant 0 : index
    %get3A_36 = vector.load %arg4[%get3A_34, %get3A_35] : memref<16x640xf32, #tpu.memory_space<vmem>>, vector<1x640xf32>
    %get3A_37 = vector.shape_cast %get3A_36 : vector<1x640xf32> to vector<640xf32>
    %reshape3A_38 = vector.shape_cast %get3A_37 : vector<640xf32> to vector<1x640xf32>
    %sub3A_39 = vector.broadcast %reshape3A : vector<256x1xf32> to vector<256x640xf32>
    %sub3A_40 = vector.broadcast %reshape3A_38 : vector<1x640xf32> to vector<256x640xf32>
    %sub3A_41 = arith.subf %sub3A_39, %sub3A_40 : vector<256x640xf32>
    %get3A_42 = arith.constant 1 : index
    %get3A_43 = arith.constant 0 : index
    %get3A_44 = vector.load %arg5[%get3A_42, %get3A_43] : memref<16x640xf32, #tpu.memory_space<vmem>>, vector<1x640xf32>
    %get3A_45 = vector.shape_cast %get3A_44 : vector<1x640xf32> to vector<640xf32>
    %reshape3A_46 = vector.shape_cast %get3A_45 : vector<640xf32> to vector<1x640xf32>
    %sub3A_47 = vector.broadcast %reshape3A_3 : vector<256x1xf32> to vector<256x640xf32>
    %sub3A_48 = vector.broadcast %reshape3A_46 : vector<1x640xf32> to vector<256x640xf32>
    %sub3A_49 = arith.subf %sub3A_47, %sub3A_48 : vector<256x640xf32>
    %get3A_50 = arith.constant 1 : index
    %get3A_51 = arith.constant 0 : index
    %get3A_52 = vector.load %arg6[%get3A_50, %get3A_51] : memref<16x640xf32, #tpu.memory_space<vmem>>, vector<1x640xf32>
    %get3A_53 = vector.shape_cast %get3A_52 : vector<1x640xf32> to vector<640xf32>
    %reshape3A_54 = vector.shape_cast %get3A_53 : vector<640xf32> to vector<1x640xf32>
    %sub3A_55 = vector.broadcast %reshape3A_6 : vector<256x1xf32> to vector<256x640xf32>
    %sub3A_56 = vector.broadcast %reshape3A_54 : vector<1x640xf32> to vector<256x640xf32>
    %sub3A_57 = arith.subf %sub3A_55, %sub3A_56 : vector<256x640xf32>
    %mul3A_58 = arith.mulf %sub3A_41, %sub3A_41 : vector<256x640xf32>
    %mul3A_59 = arith.mulf %sub3A_49, %sub3A_49 : vector<256x640xf32>
    %add3A_60 = arith.addf %mul3A_58, %mul3A_59 : vector<256x640xf32>
    %mul3A_61 = arith.mulf %sub3A_57, %sub3A_57 : vector<256x640xf32>
    %add3A_62 = arith.addf %add3A_60, %mul3A_61 : vector<256x640xf32>
    %min3A_63 = arith.minimumf %min3A, %add3A_62 : vector<256x640xf32>
    %get3A_64 = arith.constant 2 : index
    %get3A_65 = arith.constant 0 : index
    %get3A_66 = vector.load %arg4[%get3A_64, %get3A_65] : memref<16x640xf32, #tpu.memory_space<vmem>>, vector<1x640xf32>
    %get3A_67 = vector.shape_cast %get3A_66 : vector<1x640xf32> to vector<640xf32>
    %reshape3A_68 = vector.shape_cast %get3A_67 : vector<640xf32> to vector<1x640xf32>
    %sub3A_69 = vector.broadcast %reshape3A : vector<256x1xf32> to vector<256x640xf32>
    %sub3A_70 = vector.broadcast %reshape3A_68 : vector<1x640xf32> to vector<256x640xf32>
    %sub3A_71 = arith.subf %sub3A_69, %sub3A_70 : vector<256x640xf32>
    %get3A_72 = arith.constant 2 : index
    %get3A_73 = arith.constant 0 : index
    %get3A_74 = vector.load %arg5[%get3A_72, %get3A_73] : memref<16x640xf32, #tpu.memory_space<vmem>>, vector<1x640xf32>
    %get3A_75 = vector.shape_cast %get3A_74 : vector<1x640xf32> to vector<640xf32>
    %reshape3A_76 = vector.shape_cast %get3A_75 : vector<640xf32> to vector<1x640xf32>
    %sub3A_77 = vector.broadcast %reshape3A_3 : vector<256x1xf32> to vector<256x640xf32>
    %sub3A_78 = vector.broadcast %reshape3A_76 : vector<1x640xf32> to vector<256x640xf32>
    %sub3A_79 = arith.subf %sub3A_77, %sub3A_78 : vector<256x640xf32>
    %get3A_80 = arith.constant 2 : index
    %get3A_81 = arith.constant 0 : index
    %get3A_82 = vector.load %arg6[%get3A_80, %get3A_81] : memref<16x640xf32, #tpu.memory_space<vmem>>, vector<1x640xf32>
    %get3A_83 = vector.shape_cast %get3A_82 : vector<1x640xf32> to vector<640xf32>
    %reshape3A_84 = vector.shape_cast %get3A_83 : vector<640xf32> to vector<1x640xf32>
    %sub3A_85 = vector.broadcast %reshape3A_6 : vector<256x1xf32> to vector<256x640xf32>
    %sub3A_86 = vector.broadcast %reshape3A_84 : vector<1x640xf32> to vector<256x640xf32>
    %sub3A_87 = arith.subf %sub3A_85, %sub3A_86 : vector<256x640xf32>
    %mul3A_88 = arith.mulf %sub3A_71, %sub3A_71 : vector<256x640xf32>
    %mul3A_89 = arith.mulf %sub3A_79, %sub3A_79 : vector<256x640xf32>
    %add3A_90 = arith.addf %mul3A_88, %mul3A_89 : vector<256x640xf32>
    %mul3A_91 = arith.mulf %sub3A_87, %sub3A_87 : vector<256x640xf32>
    %add3A_92 = arith.addf %add3A_90, %mul3A_91 : vector<256x640xf32>
    %min3A_93 = arith.minimumf %min3A_63, %add3A_92 : vector<256x640xf32>
    %get3A_94 = arith.constant 3 : index
    %get3A_95 = arith.constant 0 : index
    %get3A_96 = vector.load %arg4[%get3A_94, %get3A_95] : memref<16x640xf32, #tpu.memory_space<vmem>>, vector<1x640xf32>
    %get3A_97 = vector.shape_cast %get3A_96 : vector<1x640xf32> to vector<640xf32>
    %reshape3A_98 = vector.shape_cast %get3A_97 : vector<640xf32> to vector<1x640xf32>
    %sub3A_99 = vector.broadcast %reshape3A : vector<256x1xf32> to vector<256x640xf32>
    %sub3A_100 = vector.broadcast %reshape3A_98 : vector<1x640xf32> to vector<256x640xf32>
    %sub3A_101 = arith.subf %sub3A_99, %sub3A_100 : vector<256x640xf32>
    %get3A_102 = arith.constant 3 : index
    %get3A_103 = arith.constant 0 : index
    %get3A_104 = vector.load %arg5[%get3A_102, %get3A_103] : memref<16x640xf32, #tpu.memory_space<vmem>>, vector<1x640xf32>
    %get3A_105 = vector.shape_cast %get3A_104 : vector<1x640xf32> to vector<640xf32>
    %reshape3A_106 = vector.shape_cast %get3A_105 : vector<640xf32> to vector<1x640xf32>
    %sub3A_107 = vector.broadcast %reshape3A_3 : vector<256x1xf32> to vector<256x640xf32>
    %sub3A_108 = vector.broadcast %reshape3A_106 : vector<1x640xf32> to vector<256x640xf32>
    %sub3A_109 = arith.subf %sub3A_107, %sub3A_108 : vector<256x640xf32>
    %get3A_110 = arith.constant 3 : index
    %get3A_111 = arith.constant 0 : index
    %get3A_112 = vector.load %arg6[%get3A_110, %get3A_111] : memref<16x640xf32, #tpu.memory_space<vmem>>, vector<1x640xf32>
    %get3A_113 = vector.shape_cast %get3A_112 : vector<1x640xf32> to vector<640xf32>
    %reshape3A_114 = vector.shape_cast %get3A_113 : vector<640xf32> to vector<1x640xf32>
    %sub3A_115 = vector.broadcast %reshape3A_6 : vector<256x1xf32> to vector<256x640xf32>
    %sub3A_116 = vector.broadcast %reshape3A_114 : vector<1x640xf32> to vector<256x640xf32>
    %sub3A_117 = arith.subf %sub3A_115, %sub3A_116 : vector<256x640xf32>
    %mul3A_118 = arith.mulf %sub3A_101, %sub3A_101 : vector<256x640xf32>
    %mul3A_119 = arith.mulf %sub3A_109, %sub3A_109 : vector<256x640xf32>
    %add3A_120 = arith.addf %mul3A_118, %mul3A_119 : vector<256x640xf32>
    %mul3A_121 = arith.mulf %sub3A_117, %sub3A_117 : vector<256x640xf32>
    %add3A_122 = arith.addf %add3A_120, %mul3A_121 : vector<256x640xf32>
    %min3A_123 = arith.minimumf %min3A_93, %add3A_122 : vector<256x640xf32>
    %get3A_124 = arith.constant 4 : index
    %get3A_125 = arith.constant 0 : index
    %get3A_126 = vector.load %arg4[%get3A_124, %get3A_125] : memref<16x640xf32, #tpu.memory_space<vmem>>, vector<1x640xf32>
    %get3A_127 = vector.shape_cast %get3A_126 : vector<1x640xf32> to vector<640xf32>
    %reshape3A_128 = vector.shape_cast %get3A_127 : vector<640xf32> to vector<1x640xf32>
    %sub3A_129 = vector.broadcast %reshape3A : vector<256x1xf32> to vector<256x640xf32>
    %sub3A_130 = vector.broadcast %reshape3A_128 : vector<1x640xf32> to vector<256x640xf32>
    %sub3A_131 = arith.subf %sub3A_129, %sub3A_130 : vector<256x640xf32>
    %get3A_132 = arith.constant 4 : index
    %get3A_133 = arith.constant 0 : index
    %get3A_134 = vector.load %arg5[%get3A_132, %get3A_133] : memref<16x640xf32, #tpu.memory_space<vmem>>, vector<1x640xf32>
    %get3A_135 = vector.shape_cast %get3A_134 : vector<1x640xf32> to vector<640xf32>
    %reshape3A_136 = vector.shape_cast %get3A_135 : vector<640xf32> to vector<1x640xf32>
    %sub3A_137 = vector.broadcast %reshape3A_3 : vector<256x1xf32> to vector<256x640xf32>
    %sub3A_138 = vector.broadcast %reshape3A_136 : vector<1x640xf32> to vector<256x640xf32>
    %sub3A_139 = arith.subf %sub3A_137, %sub3A_138 : vector<256x640xf32>
    %get3A_140 = arith.constant 4 : index
    %get3A_141 = arith.constant 0 : index
    %get3A_142 = vector.load %arg6[%get3A_140, %get3A_141] : memref<16x640xf32, #tpu.memory_space<vmem>>, vector<1x640xf32>
    %get3A_143 = vector.shape_cast %get3A_142 : vector<1x640xf32> to vector<640xf32>
    %reshape3A_144 = vector.shape_cast %get3A_143 : vector<640xf32> to vector<1x640xf32>
    %sub3A_145 = vector.broadcast %reshape3A_6 : vector<256x1xf32> to vector<256x640xf32>
    %sub3A_146 = vector.broadcast %reshape3A_144 : vector<1x640xf32> to vector<256x640xf32>
    %sub3A_147 = arith.subf %sub3A_145, %sub3A_146 : vector<256x640xf32>
    %mul3A_148 = arith.mulf %sub3A_131, %sub3A_131 : vector<256x640xf32>
    %mul3A_149 = arith.mulf %sub3A_139, %sub3A_139 : vector<256x640xf32>
    %add3A_150 = arith.addf %mul3A_148, %mul3A_149 : vector<256x640xf32>
    %mul3A_151 = arith.mulf %sub3A_147, %sub3A_147 : vector<256x640xf32>
    %add3A_152 = arith.addf %add3A_150, %mul3A_151 : vector<256x640xf32>
    %min3A_153 = arith.minimumf %min3A_123, %add3A_152 : vector<256x640xf32>
    %get3A_154 = arith.constant 5 : index
    %get3A_155 = arith.constant 0 : index
    %get3A_156 = vector.load %arg4[%get3A_154, %get3A_155] : memref<16x640xf32, #tpu.memory_space<vmem>>, vector<1x640xf32>
    %get3A_157 = vector.shape_cast %get3A_156 : vector<1x640xf32> to vector<640xf32>
    %reshape3A_158 = vector.shape_cast %get3A_157 : vector<640xf32> to vector<1x640xf32>
    %sub3A_159 = vector.broadcast %reshape3A : vector<256x1xf32> to vector<256x640xf32>
    %sub3A_160 = vector.broadcast %reshape3A_158 : vector<1x640xf32> to vector<256x640xf32>
    %sub3A_161 = arith.subf %sub3A_159, %sub3A_160 : vector<256x640xf32>
    %get3A_162 = arith.constant 5 : index
    %get3A_163 = arith.constant 0 : index
    %get3A_164 = vector.load %arg5[%get3A_162, %get3A_163] : memref<16x640xf32, #tpu.memory_space<vmem>>, vector<1x640xf32>
    %get3A_165 = vector.shape_cast %get3A_164 : vector<1x640xf32> to vector<640xf32>
    %reshape3A_166 = vector.shape_cast %get3A_165 : vector<640xf32> to vector<1x640xf32>
    %sub3A_167 = vector.broadcast %reshape3A_3 : vector<256x1xf32> to vector<256x640xf32>
    %sub3A_168 = vector.broadcast %reshape3A_166 : vector<1x640xf32> to vector<256x640xf32>
    %sub3A_169 = arith.subf %sub3A_167, %sub3A_168 : vector<256x640xf32>
    %get3A_170 = arith.constant 5 : index
    %get3A_171 = arith.constant 0 : index
    %get3A_172 = vector.load %arg6[%get3A_170, %get3A_171] : memref<16x640xf32, #tpu.memory_space<vmem>>, vector<1x640xf32>
    %get3A_173 = vector.shape_cast %get3A_172 : vector<1x640xf32> to vector<640xf32>
    %reshape3A_174 = vector.shape_cast %get3A_173 : vector<640xf32> to vector<1x640xf32>
    %sub3A_175 = vector.broadcast %reshape3A_6 : vector<256x1xf32> to vector<256x640xf32>
    %sub3A_176 = vector.broadcast %reshape3A_174 : vector<1x640xf32> to vector<256x640xf32>
    %sub3A_177 = arith.subf %sub3A_175, %sub3A_176 : vector<256x640xf32>
    %mul3A_178 = arith.mulf %sub3A_161, %sub3A_161 : vector<256x640xf32>
    %mul3A_179 = arith.mulf %sub3A_169, %sub3A_169 : vector<256x640xf32>
    %add3A_180 = arith.addf %mul3A_178, %mul3A_179 : vector<256x640xf32>
    %mul3A_181 = arith.mulf %sub3A_177, %sub3A_177 : vector<256x640xf32>
    %add3A_182 = arith.addf %add3A_180, %mul3A_181 : vector<256x640xf32>
    %min3A_183 = arith.minimumf %min3A_153, %add3A_182 : vector<256x640xf32>
    %get3A_184 = arith.constant 6 : index
    %get3A_185 = arith.constant 0 : index
    %get3A_186 = vector.load %arg4[%get3A_184, %get3A_185] : memref<16x640xf32, #tpu.memory_space<vmem>>, vector<1x640xf32>
    %get3A_187 = vector.shape_cast %get3A_186 : vector<1x640xf32> to vector<640xf32>
    %reshape3A_188 = vector.shape_cast %get3A_187 : vector<640xf32> to vector<1x640xf32>
    %sub3A_189 = vector.broadcast %reshape3A : vector<256x1xf32> to vector<256x640xf32>
    %sub3A_190 = vector.broadcast %reshape3A_188 : vector<1x640xf32> to vector<256x640xf32>
    %sub3A_191 = arith.subf %sub3A_189, %sub3A_190 : vector<256x640xf32>
    %get3A_192 = arith.constant 6 : index
    %get3A_193 = arith.constant 0 : index
    %get3A_194 = vector.load %arg5[%get3A_192, %get3A_193] : memref<16x640xf32, #tpu.memory_space<vmem>>, vector<1x640xf32>
    %get3A_195 = vector.shape_cast %get3A_194 : vector<1x640xf32> to vector<640xf32>
    %reshape3A_196 = vector.shape_cast %get3A_195 : vector<640xf32> to vector<1x640xf32>
    %sub3A_197 = vector.broadcast %reshape3A_3 : vector<256x1xf32> to vector<256x640xf32>
    %sub3A_198 = vector.broadcast %reshape3A_196 : vector<1x640xf32> to vector<256x640xf32>
    %sub3A_199 = arith.subf %sub3A_197, %sub3A_198 : vector<256x640xf32>
    %get3A_200 = arith.constant 6 : index
    %get3A_201 = arith.constant 0 : index
    %get3A_202 = vector.load %arg6[%get3A_200, %get3A_201] : memref<16x640xf32, #tpu.memory_space<vmem>>, vector<1x640xf32>
    %get3A_203 = vector.shape_cast %get3A_202 : vector<1x640xf32> to vector<640xf32>
    %reshape3A_204 = vector.shape_cast %get3A_203 : vector<640xf32> to vector<1x640xf32>
    %sub3A_205 = vector.broadcast %reshape3A_6 : vector<256x1xf32> to vector<256x640xf32>
    %sub3A_206 = vector.broadcast %reshape3A_204 : vector<1x640xf32> to vector<256x640xf32>
    %sub3A_207 = arith.subf %sub3A_205, %sub3A_206 : vector<256x640xf32>
    %mul3A_208 = arith.mulf %sub3A_191, %sub3A_191 : vector<256x640xf32>
    %mul3A_209 = arith.mulf %sub3A_199, %sub3A_199 : vector<256x640xf32>
    %add3A_210 = arith.addf %mul3A_208, %mul3A_209 : vector<256x640xf32>
    %mul3A_211 = arith.mulf %sub3A_207, %sub3A_207 : vector<256x640xf32>
    %add3A_212 = arith.addf %add3A_210, %mul3A_211 : vector<256x640xf32>
    %min3A_213 = arith.minimumf %min3A_183, %add3A_212 : vector<256x640xf32>
    %get3A_214 = arith.constant 7 : index
    %get3A_215 = arith.constant 0 : index
    %get3A_216 = vector.load %arg4[%get3A_214, %get3A_215] : memref<16x640xf32, #tpu.memory_space<vmem>>, vector<1x640xf32>
    %get3A_217 = vector.shape_cast %get3A_216 : vector<1x640xf32> to vector<640xf32>
    %reshape3A_218 = vector.shape_cast %get3A_217 : vector<640xf32> to vector<1x640xf32>
    %sub3A_219 = vector.broadcast %reshape3A : vector<256x1xf32> to vector<256x640xf32>
    %sub3A_220 = vector.broadcast %reshape3A_218 : vector<1x640xf32> to vector<256x640xf32>
    %sub3A_221 = arith.subf %sub3A_219, %sub3A_220 : vector<256x640xf32>
    %get3A_222 = arith.constant 7 : index
    %get3A_223 = arith.constant 0 : index
    %get3A_224 = vector.load %arg5[%get3A_222, %get3A_223] : memref<16x640xf32, #tpu.memory_space<vmem>>, vector<1x640xf32>
    %get3A_225 = vector.shape_cast %get3A_224 : vector<1x640xf32> to vector<640xf32>
    %reshape3A_226 = vector.shape_cast %get3A_225 : vector<640xf32> to vector<1x640xf32>
    %sub3A_227 = vector.broadcast %reshape3A_3 : vector<256x1xf32> to vector<256x640xf32>
    %sub3A_228 = vector.broadcast %reshape3A_226 : vector<1x640xf32> to vector<256x640xf32>
    %sub3A_229 = arith.subf %sub3A_227, %sub3A_228 : vector<256x640xf32>
    %get3A_230 = arith.constant 7 : index
    %get3A_231 = arith.constant 0 : index
    %get3A_232 = vector.load %arg6[%get3A_230, %get3A_231] : memref<16x640xf32, #tpu.memory_space<vmem>>, vector<1x640xf32>
    %get3A_233 = vector.shape_cast %get3A_232 : vector<1x640xf32> to vector<640xf32>
    %reshape3A_234 = vector.shape_cast %get3A_233 : vector<640xf32> to vector<1x640xf32>
    %sub3A_235 = vector.broadcast %reshape3A_6 : vector<256x1xf32> to vector<256x640xf32>
    %sub3A_236 = vector.broadcast %reshape3A_234 : vector<1x640xf32> to vector<256x640xf32>
    %sub3A_237 = arith.subf %sub3A_235, %sub3A_236 : vector<256x640xf32>
    %mul3A_238 = arith.mulf %sub3A_221, %sub3A_221 : vector<256x640xf32>
    %mul3A_239 = arith.mulf %sub3A_229, %sub3A_229 : vector<256x640xf32>
    %add3A_240 = arith.addf %mul3A_238, %mul3A_239 : vector<256x640xf32>
    %mul3A_241 = arith.mulf %sub3A_237, %sub3A_237 : vector<256x640xf32>
    %add3A_242 = arith.addf %add3A_240, %mul3A_241 : vector<256x640xf32>
    %min3A_243 = arith.minimumf %min3A_213, %add3A_242 : vector<256x640xf32>
    %get3A_244 = arith.constant 8 : index
    %get3A_245 = arith.constant 0 : index
    %get3A_246 = vector.load %arg4[%get3A_244, %get3A_245] : memref<16x640xf32, #tpu.memory_space<vmem>>, vector<1x640xf32>
    %get3A_247 = vector.shape_cast %get3A_246 : vector<1x640xf32> to vector<640xf32>
    %reshape3A_248 = vector.shape_cast %get3A_247 : vector<640xf32> to vector<1x640xf32>
    %sub3A_249 = vector.broadcast %reshape3A : vector<256x1xf32> to vector<256x640xf32>
    %sub3A_250 = vector.broadcast %reshape3A_248 : vector<1x640xf32> to vector<256x640xf32>
    %sub3A_251 = arith.subf %sub3A_249, %sub3A_250 : vector<256x640xf32>
    %get3A_252 = arith.constant 8 : index
    %get3A_253 = arith.constant 0 : index
    %get3A_254 = vector.load %arg5[%get3A_252, %get3A_253] : memref<16x640xf32, #tpu.memory_space<vmem>>, vector<1x640xf32>
    %get3A_255 = vector.shape_cast %get3A_254 : vector<1x640xf32> to vector<640xf32>
    %reshape3A_256 = vector.shape_cast %get3A_255 : vector<640xf32> to vector<1x640xf32>
    %sub3A_257 = vector.broadcast %reshape3A_3 : vector<256x1xf32> to vector<256x640xf32>
    %sub3A_258 = vector.broadcast %reshape3A_256 : vector<1x640xf32> to vector<256x640xf32>
    %sub3A_259 = arith.subf %sub3A_257, %sub3A_258 : vector<256x640xf32>
    %get3A_260 = arith.constant 8 : index
    %get3A_261 = arith.constant 0 : index
    %get3A_262 = vector.load %arg6[%get3A_260, %get3A_261] : memref<16x640xf32, #tpu.memory_space<vmem>>, vector<1x640xf32>
    %get3A_263 = vector.shape_cast %get3A_262 : vector<1x640xf32> to vector<640xf32>
    %reshape3A_264 = vector.shape_cast %get3A_263 : vector<640xf32> to vector<1x640xf32>
    %sub3A_265 = vector.broadcast %reshape3A_6 : vector<256x1xf32> to vector<256x640xf32>
    %sub3A_266 = vector.broadcast %reshape3A_264 : vector<1x640xf32> to vector<256x640xf32>
    %sub3A_267 = arith.subf %sub3A_265, %sub3A_266 : vector<256x640xf32>
    %mul3A_268 = arith.mulf %sub3A_251, %sub3A_251 : vector<256x640xf32>
    %mul3A_269 = arith.mulf %sub3A_259, %sub3A_259 : vector<256x640xf32>
    %add3A_270 = arith.addf %mul3A_268, %mul3A_269 : vector<256x640xf32>
    %mul3A_271 = arith.mulf %sub3A_267, %sub3A_267 : vector<256x640xf32>
    %add3A_272 = arith.addf %add3A_270, %mul3A_271 : vector<256x640xf32>
    %min3A_273 = arith.minimumf %min3A_243, %add3A_272 : vector<256x640xf32>
    %get3A_274 = arith.constant 9 : index
    %get3A_275 = arith.constant 0 : index
    %get3A_276 = vector.load %arg4[%get3A_274, %get3A_275] : memref<16x640xf32, #tpu.memory_space<vmem>>, vector<1x640xf32>
    %get3A_277 = vector.shape_cast %get3A_276 : vector<1x640xf32> to vector<640xf32>
    %reshape3A_278 = vector.shape_cast %get3A_277 : vector<640xf32> to vector<1x640xf32>
    %sub3A_279 = vector.broadcast %reshape3A : vector<256x1xf32> to vector<256x640xf32>
    %sub3A_280 = vector.broadcast %reshape3A_278 : vector<1x640xf32> to vector<256x640xf32>
    %sub3A_281 = arith.subf %sub3A_279, %sub3A_280 : vector<256x640xf32>
    %get3A_282 = arith.constant 9 : index
    %get3A_283 = arith.constant 0 : index
    %get3A_284 = vector.load %arg5[%get3A_282, %get3A_283] : memref<16x640xf32, #tpu.memory_space<vmem>>, vector<1x640xf32>
    %get3A_285 = vector.shape_cast %get3A_284 : vector<1x640xf32> to vector<640xf32>
    %reshape3A_286 = vector.shape_cast %get3A_285 : vector<640xf32> to vector<1x640xf32>
    %sub3A_287 = vector.broadcast %reshape3A_3 : vector<256x1xf32> to vector<256x640xf32>
    %sub3A_288 = vector.broadcast %reshape3A_286 : vector<1x640xf32> to vector<256x640xf32>
    %sub3A_289 = arith.subf %sub3A_287, %sub3A_288 : vector<256x640xf32>
    %get3A_290 = arith.constant 9 : index
    %get3A_291 = arith.constant 0 : index
    %get3A_292 = vector.load %arg6[%get3A_290, %get3A_291] : memref<16x640xf32, #tpu.memory_space<vmem>>, vector<1x640xf32>
    %get3A_293 = vector.shape_cast %get3A_292 : vector<1x640xf32> to vector<640xf32>
    %reshape3A_294 = vector.shape_cast %get3A_293 : vector<640xf32> to vector<1x640xf32>
    %sub3A_295 = vector.broadcast %reshape3A_6 : vector<256x1xf32> to vector<256x640xf32>
    %sub3A_296 = vector.broadcast %reshape3A_294 : vector<1x640xf32> to vector<256x640xf32>
    %sub3A_297 = arith.subf %sub3A_295, %sub3A_296 : vector<256x640xf32>
    %mul3A_298 = arith.mulf %sub3A_281, %sub3A_281 : vector<256x640xf32>
    %mul3A_299 = arith.mulf %sub3A_289, %sub3A_289 : vector<256x640xf32>
    %add3A_300 = arith.addf %mul3A_298, %mul3A_299 : vector<256x640xf32>
    %mul3A_301 = arith.mulf %sub3A_297, %sub3A_297 : vector<256x640xf32>
    %add3A_302 = arith.addf %add3A_300, %mul3A_301 : vector<256x640xf32>
    %min3A_303 = arith.minimumf %min3A_273, %add3A_302 : vector<256x640xf32>
    %get3A_304 = arith.constant 10 : index
    %get3A_305 = arith.constant 0 : index
    %get3A_306 = vector.load %arg4[%get3A_304, %get3A_305] : memref<16x640xf32, #tpu.memory_space<vmem>>, vector<1x640xf32>
    %get3A_307 = vector.shape_cast %get3A_306 : vector<1x640xf32> to vector<640xf32>
    %reshape3A_308 = vector.shape_cast %get3A_307 : vector<640xf32> to vector<1x640xf32>
    %sub3A_309 = vector.broadcast %reshape3A : vector<256x1xf32> to vector<256x640xf32>
    %sub3A_310 = vector.broadcast %reshape3A_308 : vector<1x640xf32> to vector<256x640xf32>
    %sub3A_311 = arith.subf %sub3A_309, %sub3A_310 : vector<256x640xf32>
    %get3A_312 = arith.constant 10 : index
    %get3A_313 = arith.constant 0 : index
    %get3A_314 = vector.load %arg5[%get3A_312, %get3A_313] : memref<16x640xf32, #tpu.memory_space<vmem>>, vector<1x640xf32>
    %get3A_315 = vector.shape_cast %get3A_314 : vector<1x640xf32> to vector<640xf32>
    %reshape3A_316 = vector.shape_cast %get3A_315 : vector<640xf32> to vector<1x640xf32>
    %sub3A_317 = vector.broadcast %reshape3A_3 : vector<256x1xf32> to vector<256x640xf32>
    %sub3A_318 = vector.broadcast %reshape3A_316 : vector<1x640xf32> to vector<256x640xf32>
    %sub3A_319 = arith.subf %sub3A_317, %sub3A_318 : vector<256x640xf32>
    %get3A_320 = arith.constant 10 : index
    %get3A_321 = arith.constant 0 : index
    %get3A_322 = vector.load %arg6[%get3A_320, %get3A_321] : memref<16x640xf32, #tpu.memory_space<vmem>>, vector<1x640xf32>
    %get3A_323 = vector.shape_cast %get3A_322 : vector<1x640xf32> to vector<640xf32>
    %reshape3A_324 = vector.shape_cast %get3A_323 : vector<640xf32> to vector<1x640xf32>
    %sub3A_325 = vector.broadcast %reshape3A_6 : vector<256x1xf32> to vector<256x640xf32>
    %sub3A_326 = vector.broadcast %reshape3A_324 : vector<1x640xf32> to vector<256x640xf32>
    %sub3A_327 = arith.subf %sub3A_325, %sub3A_326 : vector<256x640xf32>
    %mul3A_328 = arith.mulf %sub3A_311, %sub3A_311 : vector<256x640xf32>
    %mul3A_329 = arith.mulf %sub3A_319, %sub3A_319 : vector<256x640xf32>
    %add3A_330 = arith.addf %mul3A_328, %mul3A_329 : vector<256x640xf32>
    %mul3A_331 = arith.mulf %sub3A_327, %sub3A_327 : vector<256x640xf32>
    %add3A_332 = arith.addf %add3A_330, %mul3A_331 : vector<256x640xf32>
    %min3A_333 = arith.minimumf %min3A_303, %add3A_332 : vector<256x640xf32>
    %get3A_334 = arith.constant 11 : index
    %get3A_335 = arith.constant 0 : index
    %get3A_336 = vector.load %arg4[%get3A_334, %get3A_335] : memref<16x640xf32, #tpu.memory_space<vmem>>, vector<1x640xf32>
    %get3A_337 = vector.shape_cast %get3A_336 : vector<1x640xf32> to vector<640xf32>
    %reshape3A_338 = vector.shape_cast %get3A_337 : vector<640xf32> to vector<1x640xf32>
    %sub3A_339 = vector.broadcast %reshape3A : vector<256x1xf32> to vector<256x640xf32>
    %sub3A_340 = vector.broadcast %reshape3A_338 : vector<1x640xf32> to vector<256x640xf32>
    %sub3A_341 = arith.subf %sub3A_339, %sub3A_340 : vector<256x640xf32>
    %get3A_342 = arith.constant 11 : index
    %get3A_343 = arith.constant 0 : index
    %get3A_344 = vector.load %arg5[%get3A_342, %get3A_343] : memref<16x640xf32, #tpu.memory_space<vmem>>, vector<1x640xf32>
    %get3A_345 = vector.shape_cast %get3A_344 : vector<1x640xf32> to vector<640xf32>
    %reshape3A_346 = vector.shape_cast %get3A_345 : vector<640xf32> to vector<1x640xf32>
    %sub3A_347 = vector.broadcast %reshape3A_3 : vector<256x1xf32> to vector<256x640xf32>
    %sub3A_348 = vector.broadcast %reshape3A_346 : vector<1x640xf32> to vector<256x640xf32>
    %sub3A_349 = arith.subf %sub3A_347, %sub3A_348 : vector<256x640xf32>
    %get3A_350 = arith.constant 11 : index
    %get3A_351 = arith.constant 0 : index
    %get3A_352 = vector.load %arg6[%get3A_350, %get3A_351] : memref<16x640xf32, #tpu.memory_space<vmem>>, vector<1x640xf32>
    %get3A_353 = vector.shape_cast %get3A_352 : vector<1x640xf32> to vector<640xf32>
    %reshape3A_354 = vector.shape_cast %get3A_353 : vector<640xf32> to vector<1x640xf32>
    %sub3A_355 = vector.broadcast %reshape3A_6 : vector<256x1xf32> to vector<256x640xf32>
    %sub3A_356 = vector.broadcast %reshape3A_354 : vector<1x640xf32> to vector<256x640xf32>
    %sub3A_357 = arith.subf %sub3A_355, %sub3A_356 : vector<256x640xf32>
    %mul3A_358 = arith.mulf %sub3A_341, %sub3A_341 : vector<256x640xf32>
    %mul3A_359 = arith.mulf %sub3A_349, %sub3A_349 : vector<256x640xf32>
    %add3A_360 = arith.addf %mul3A_358, %mul3A_359 : vector<256x640xf32>
    %mul3A_361 = arith.mulf %sub3A_357, %sub3A_357 : vector<256x640xf32>
    %add3A_362 = arith.addf %add3A_360, %mul3A_361 : vector<256x640xf32>
    %min3A_363 = arith.minimumf %min3A_333, %add3A_362 : vector<256x640xf32>
    %get3A_364 = arith.constant 12 : index
    %get3A_365 = arith.constant 0 : index
    %get3A_366 = vector.load %arg4[%get3A_364, %get3A_365] : memref<16x640xf32, #tpu.memory_space<vmem>>, vector<1x640xf32>
    %get3A_367 = vector.shape_cast %get3A_366 : vector<1x640xf32> to vector<640xf32>
    %reshape3A_368 = vector.shape_cast %get3A_367 : vector<640xf32> to vector<1x640xf32>
    %sub3A_369 = vector.broadcast %reshape3A : vector<256x1xf32> to vector<256x640xf32>
    %sub3A_370 = vector.broadcast %reshape3A_368 : vector<1x640xf32> to vector<256x640xf32>
    %sub3A_371 = arith.subf %sub3A_369, %sub3A_370 : vector<256x640xf32>
    %get3A_372 = arith.constant 12 : index
    %get3A_373 = arith.constant 0 : index
    %get3A_374 = vector.load %arg5[%get3A_372, %get3A_373] : memref<16x640xf32, #tpu.memory_space<vmem>>, vector<1x640xf32>
    %get3A_375 = vector.shape_cast %get3A_374 : vector<1x640xf32> to vector<640xf32>
    %reshape3A_376 = vector.shape_cast %get3A_375 : vector<640xf32> to vector<1x640xf32>
    %sub3A_377 = vector.broadcast %reshape3A_3 : vector<256x1xf32> to vector<256x640xf32>
    %sub3A_378 = vector.broadcast %reshape3A_376 : vector<1x640xf32> to vector<256x640xf32>
    %sub3A_379 = arith.subf %sub3A_377, %sub3A_378 : vector<256x640xf32>
    %get3A_380 = arith.constant 12 : index
    %get3A_381 = arith.constant 0 : index
    %get3A_382 = vector.load %arg6[%get3A_380, %get3A_381] : memref<16x640xf32, #tpu.memory_space<vmem>>, vector<1x640xf32>
    %get3A_383 = vector.shape_cast %get3A_382 : vector<1x640xf32> to vector<640xf32>
    %reshape3A_384 = vector.shape_cast %get3A_383 : vector<640xf32> to vector<1x640xf32>
    %sub3A_385 = vector.broadcast %reshape3A_6 : vector<256x1xf32> to vector<256x640xf32>
    %sub3A_386 = vector.broadcast %reshape3A_384 : vector<1x640xf32> to vector<256x640xf32>
    %sub3A_387 = arith.subf %sub3A_385, %sub3A_386 : vector<256x640xf32>
    %mul3A_388 = arith.mulf %sub3A_371, %sub3A_371 : vector<256x640xf32>
    %mul3A_389 = arith.mulf %sub3A_379, %sub3A_379 : vector<256x640xf32>
    %add3A_390 = arith.addf %mul3A_388, %mul3A_389 : vector<256x640xf32>
    %mul3A_391 = arith.mulf %sub3A_387, %sub3A_387 : vector<256x640xf32>
    %add3A_392 = arith.addf %add3A_390, %mul3A_391 : vector<256x640xf32>
    %min3A_393 = arith.minimumf %min3A_363, %add3A_392 : vector<256x640xf32>
    %get3A_394 = arith.constant 13 : index
    %get3A_395 = arith.constant 0 : index
    %get3A_396 = vector.load %arg4[%get3A_394, %get3A_395] : memref<16x640xf32, #tpu.memory_space<vmem>>, vector<1x640xf32>
    %get3A_397 = vector.shape_cast %get3A_396 : vector<1x640xf32> to vector<640xf32>
    %reshape3A_398 = vector.shape_cast %get3A_397 : vector<640xf32> to vector<1x640xf32>
    %sub3A_399 = vector.broadcast %reshape3A : vector<256x1xf32> to vector<256x640xf32>
    %sub3A_400 = vector.broadcast %reshape3A_398 : vector<1x640xf32> to vector<256x640xf32>
    %sub3A_401 = arith.subf %sub3A_399, %sub3A_400 : vector<256x640xf32>
    %get3A_402 = arith.constant 13 : index
    %get3A_403 = arith.constant 0 : index
    %get3A_404 = vector.load %arg5[%get3A_402, %get3A_403] : memref<16x640xf32, #tpu.memory_space<vmem>>, vector<1x640xf32>
    %get3A_405 = vector.shape_cast %get3A_404 : vector<1x640xf32> to vector<640xf32>
    %reshape3A_406 = vector.shape_cast %get3A_405 : vector<640xf32> to vector<1x640xf32>
    %sub3A_407 = vector.broadcast %reshape3A_3 : vector<256x1xf32> to vector<256x640xf32>
    %sub3A_408 = vector.broadcast %reshape3A_406 : vector<1x640xf32> to vector<256x640xf32>
    %sub3A_409 = arith.subf %sub3A_407, %sub3A_408 : vector<256x640xf32>
    %get3A_410 = arith.constant 13 : index
    %get3A_411 = arith.constant 0 : index
    %get3A_412 = vector.load %arg6[%get3A_410, %get3A_411] : memref<16x640xf32, #tpu.memory_space<vmem>>, vector<1x640xf32>
    %get3A_413 = vector.shape_cast %get3A_412 : vector<1x640xf32> to vector<640xf32>
    %reshape3A_414 = vector.shape_cast %get3A_413 : vector<640xf32> to vector<1x640xf32>
    %sub3A_415 = vector.broadcast %reshape3A_6 : vector<256x1xf32> to vector<256x640xf32>
    %sub3A_416 = vector.broadcast %reshape3A_414 : vector<1x640xf32> to vector<256x640xf32>
    %sub3A_417 = arith.subf %sub3A_415, %sub3A_416 : vector<256x640xf32>
    %mul3A_418 = arith.mulf %sub3A_401, %sub3A_401 : vector<256x640xf32>
    %mul3A_419 = arith.mulf %sub3A_409, %sub3A_409 : vector<256x640xf32>
    %add3A_420 = arith.addf %mul3A_418, %mul3A_419 : vector<256x640xf32>
    %mul3A_421 = arith.mulf %sub3A_417, %sub3A_417 : vector<256x640xf32>
    %add3A_422 = arith.addf %add3A_420, %mul3A_421 : vector<256x640xf32>
    %min3A_423 = arith.minimumf %min3A_393, %add3A_422 : vector<256x640xf32>
    %get3A_424 = arith.constant 14 : index
    %get3A_425 = arith.constant 0 : index
    %get3A_426 = vector.load %arg4[%get3A_424, %get3A_425] : memref<16x640xf32, #tpu.memory_space<vmem>>, vector<1x640xf32>
    %get3A_427 = vector.shape_cast %get3A_426 : vector<1x640xf32> to vector<640xf32>
    %reshape3A_428 = vector.shape_cast %get3A_427 : vector<640xf32> to vector<1x640xf32>
    %sub3A_429 = vector.broadcast %reshape3A : vector<256x1xf32> to vector<256x640xf32>
    %sub3A_430 = vector.broadcast %reshape3A_428 : vector<1x640xf32> to vector<256x640xf32>
    %sub3A_431 = arith.subf %sub3A_429, %sub3A_430 : vector<256x640xf32>
    %get3A_432 = arith.constant 14 : index
    %get3A_433 = arith.constant 0 : index
    %get3A_434 = vector.load %arg5[%get3A_432, %get3A_433] : memref<16x640xf32, #tpu.memory_space<vmem>>, vector<1x640xf32>
    %get3A_435 = vector.shape_cast %get3A_434 : vector<1x640xf32> to vector<640xf32>
    %reshape3A_436 = vector.shape_cast %get3A_435 : vector<640xf32> to vector<1x640xf32>
    %sub3A_437 = vector.broadcast %reshape3A_3 : vector<256x1xf32> to vector<256x640xf32>
    %sub3A_438 = vector.broadcast %reshape3A_436 : vector<1x640xf32> to vector<256x640xf32>
    %sub3A_439 = arith.subf %sub3A_437, %sub3A_438 : vector<256x640xf32>
    %get3A_440 = arith.constant 14 : index
    %get3A_441 = arith.constant 0 : index
    %get3A_442 = vector.load %arg6[%get3A_440, %get3A_441] : memref<16x640xf32, #tpu.memory_space<vmem>>, vector<1x640xf32>
    %get3A_443 = vector.shape_cast %get3A_442 : vector<1x640xf32> to vector<640xf32>
    %reshape3A_444 = vector.shape_cast %get3A_443 : vector<640xf32> to vector<1x640xf32>
    %sub3A_445 = vector.broadcast %reshape3A_6 : vector<256x1xf32> to vector<256x640xf32>
    %sub3A_446 = vector.broadcast %reshape3A_444 : vector<1x640xf32> to vector<256x640xf32>
    %sub3A_447 = arith.subf %sub3A_445, %sub3A_446 : vector<256x640xf32>
    %mul3A_448 = arith.mulf %sub3A_431, %sub3A_431 : vector<256x640xf32>
    %mul3A_449 = arith.mulf %sub3A_439, %sub3A_439 : vector<256x640xf32>
    %add3A_450 = arith.addf %mul3A_448, %mul3A_449 : vector<256x640xf32>
    %mul3A_451 = arith.mulf %sub3A_447, %sub3A_447 : vector<256x640xf32>
    %add3A_452 = arith.addf %add3A_450, %mul3A_451 : vector<256x640xf32>
    %min3A_453 = arith.minimumf %min3A_423, %add3A_452 : vector<256x640xf32>
    %get3A_454 = arith.constant 15 : index
    %get3A_455 = arith.constant 0 : index
    %get3A_456 = vector.load %arg4[%get3A_454, %get3A_455] : memref<16x640xf32, #tpu.memory_space<vmem>>, vector<1x640xf32>
    %get3A_457 = vector.shape_cast %get3A_456 : vector<1x640xf32> to vector<640xf32>
    %reshape3A_458 = vector.shape_cast %get3A_457 : vector<640xf32> to vector<1x640xf32>
    %sub3A_459 = vector.broadcast %reshape3A : vector<256x1xf32> to vector<256x640xf32>
    %sub3A_460 = vector.broadcast %reshape3A_458 : vector<1x640xf32> to vector<256x640xf32>
    %sub3A_461 = arith.subf %sub3A_459, %sub3A_460 : vector<256x640xf32>
    %get3A_462 = arith.constant 15 : index
    %get3A_463 = arith.constant 0 : index
    %get3A_464 = vector.load %arg5[%get3A_462, %get3A_463] : memref<16x640xf32, #tpu.memory_space<vmem>>, vector<1x640xf32>
    %get3A_465 = vector.shape_cast %get3A_464 : vector<1x640xf32> to vector<640xf32>
    %reshape3A_466 = vector.shape_cast %get3A_465 : vector<640xf32> to vector<1x640xf32>
    %sub3A_467 = vector.broadcast %reshape3A_3 : vector<256x1xf32> to vector<256x640xf32>
    %sub3A_468 = vector.broadcast %reshape3A_466 : vector<1x640xf32> to vector<256x640xf32>
    %sub3A_469 = arith.subf %sub3A_467, %sub3A_468 : vector<256x640xf32>
    %get3A_470 = arith.constant 15 : index
    %get3A_471 = arith.constant 0 : index
    %get3A_472 = vector.load %arg6[%get3A_470, %get3A_471] : memref<16x640xf32, #tpu.memory_space<vmem>>, vector<1x640xf32>
    %get3A_473 = vector.shape_cast %get3A_472 : vector<1x640xf32> to vector<640xf32>
    %reshape3A_474 = vector.shape_cast %get3A_473 : vector<640xf32> to vector<1x640xf32>
    %sub3A_475 = vector.broadcast %reshape3A_6 : vector<256x1xf32> to vector<256x640xf32>
    %sub3A_476 = vector.broadcast %reshape3A_474 : vector<1x640xf32> to vector<256x640xf32>
    %sub3A_477 = arith.subf %sub3A_475, %sub3A_476 : vector<256x640xf32>
    %mul3A_478 = arith.mulf %sub3A_461, %sub3A_461 : vector<256x640xf32>
    %mul3A_479 = arith.mulf %sub3A_469, %sub3A_469 : vector<256x640xf32>
    %add3A_480 = arith.addf %mul3A_478, %mul3A_479 : vector<256x640xf32>
    %mul3A_481 = arith.mulf %sub3A_477, %sub3A_477 : vector<256x640xf32>
    %add3A_482 = arith.addf %add3A_480, %mul3A_481 : vector<256x640xf32>
    %min3A_483 = arith.minimumf %min3A_453, %add3A_482 : vector<256x640xf32>
    %swap3A = arith.constant 0 : index
    %swap3A_484 = arith.constant 0 : index
    %swap3A_485 = vector.load %arg7[%swap3A, %swap3A_484] : memref<256x640xf32, #tpu.memory_space<vmem>>, vector<256x640xf32>
    tpu.vector_store %arg7[%swap3A, %swap3A_484], %min3A_483 {strides = array<i32>} : memref<256x640xf32, #tpu.memory_space<vmem>>, vector<256x640xf32>,
    return
  }
  func.func @transform_0(%arg0: i32) -> i32 {
    %c0_i32 = arith.constant 0 : i32
    return %arg0 : i32
  }
  func.func @transform_1(%arg0: i32) -> i32 {
    %c0_i32 = arith.constant 0 : i32
    return %arg0 : i32
  }
  func.func @transform_2(%arg0: i32) -> i32 {
    %c0_i32 = arith.constant 0 : i32
    return %arg0 : i32
  }
  func.func @transform_3(%arg0: i32) -> (i32, i32) {
    %c0_i32 = arith.constant 0 : i32
    %c0_i32_0 = arith.constant 0 : i32
    %c0_i32_1 = arith.constant 0 : i32
    return %c0_i32, %c0_i32_0 : i32, i32
  }
  func.func @transform_4(%arg0: i32) -> (i32, i32) {
    %c0_i32 = arith.constant 0 : i32
    %c0_i32_0 = arith.constant 0 : i32
    %c0_i32_1 = arith.constant 0 : i32
    return %c0_i32, %c0_i32_0 : i32, i32
  }
  func.func @transform_5(%arg0: i32) -> (i32, i32) {
    %c0_i32 = arith.constant 0 : i32
    %c0_i32_0 = arith.constant 0 : i32
    %c0_i32_1 = arith.constant 0 : i32
    return %c0_i32, %c0_i32_0 : i32, i32
  }
  func.func @transform_6(%arg0: i32) -> (i32, i32) {
    %c0_i32 = arith.constant 0 : i32
    %c0_i32_0 = arith.constant 0 : i32
    return %arg0, %c0_i32 : i32, i32
  }
}

module attributes {stable_mosaic.version = 14 : i64} {
  func.func @_g_body(%arg0: i32, %arg1: memref<512x128xf32, #tpu.memory_space<vmem>>, %arg2: memref<128x128xf32, #tpu.memory_space<vmem>>, %arg3: memref<1x128xf32, #tpu.memory_space<vmem>>, %arg4: memref<512x128xf32, #tpu.memory_space<vmem>>) attributes {dimension_semantics = [#tpu.dimension_semantics<arbitrary>], iteration_bounds = array<i64: 20>, scalar_prefetch = 0 : i64, scratch_operands = 0 : i64, tpu.core_type = #tpu.core_type<tc>, window_params = [{transform_indices = @transform_0, window_bounds = array<i64: 512, 128>}, {pipeline_mode = #tpu.pipeline_mode<synchronous>, transform_indices = @transform_1, window_bounds = array<i64: 128, 128>}, {pipeline_mode = #tpu.pipeline_mode<synchronous>, transform_indices = @transform_2, window_bounds = array<i64: 1, 128>}, {transform_indices = @transform_3, window_bounds = array<i64: 512, 128>}]} {
    %get3A = arith.constant 0 : index
    %get3A_0 = arith.constant 0 : index
    %get3A_1 = vector.load %arg1[%get3A, %get3A_0] : memref<512x128xf32, #tpu.memory_space<vmem>>, vector<512x128xf32>
    %get3A_2 = arith.constant 0 : index
    %get3A_3 = arith.constant 0 : index
    %get3A_4 = vector.load %arg2[%get3A_2, %get3A_3] : memref<128x128xf32, #tpu.memory_space<vmem>>, vector<128x128xf32>
    %dot_general3A = arith.constant dense<0.000000e+00> : vector<512x128xf32>
    %dot_general3A_5 = tpu.matmul %get3A_1, %get3A_4, %dot_general3A {dimension_numbers = #tpu.dot_dimension_numbers<[1], [0], [0], [1], [0, 0, 1, 1], [], []>, transpose_lhs_hint = false} : vector<512x128xf32>, vector<128x128xf32>, vector<512x128xf32> -> vector<512x128xf32>
    %get3A_6 = arith.constant 0 : index
    %get3A_7 = arith.constant 0 : index
    %get3A_8 = vector.load %arg3[%get3A_6, %get3A_7] : memref<1x128xf32, #tpu.memory_space<vmem>>, vector<1x128xf32>
    %add3A = vector.broadcast %get3A_8 : vector<1x128xf32> to vector<512x128xf32>
    %add3A_9 = arith.addf %dot_general3A_5, %add3A : vector<512x128xf32>
    %swap3A = arith.constant 0 : index
    %swap3A_10 = arith.constant 0 : index
    %swap3A_11 = vector.load %arg4[%swap3A, %swap3A_10] : memref<512x128xf32, #tpu.memory_space<vmem>>, vector<512x128xf32>
    tpu.vector_store %arg4[%swap3A, %swap3A_10], %add3A_9 {strides = array<i32>} : memref<512x128xf32, #tpu.memory_space<vmem>>, vector<512x128xf32>,
    return
  }
  func.func @transform_0(%arg0: i32) -> (i32, i32) {
    %c0_i32 = arith.constant 0 : i32
    %c0_i32_0 = arith.constant 0 : i32
    return %arg0, %c0_i32 : i32, i32
  }
  func.func @transform_1(%arg0: i32) -> (i32, i32) {
    %c0_i32 = arith.constant 0 : i32
    %c0_i32_0 = arith.constant 0 : i32
    %c0_i32_1 = arith.constant 0 : i32
    return %c0_i32, %c0_i32_0 : i32, i32
  }
  func.func @transform_2(%arg0: i32) -> (i32, i32) {
    %c0_i32 = arith.constant 0 : i32
    %c0_i32_0 = arith.constant 0 : i32
    %c0_i32_1 = arith.constant 0 : i32
    return %c0_i32, %c0_i32_0 : i32, i32
  }
  func.func @transform_3(%arg0: i32) -> (i32, i32) {
    %c0_i32 = arith.constant 0 : i32
    %c0_i32_0 = arith.constant 0 : i32
    return %arg0, %c0_i32 : i32, i32
  }
}

</mosaic_0001>

<sc_bundles>
// kernel: gather_offload_async_start
scs
__scs_entry_jumppad:
0x0: {  	(pc) =	sbr.rel $0x88, $3  }
0x1: {  	(tag) =	ssettag $0x0;
	lr =	simm.s32 $0x1  }
0x2: {  	[smem:$0x3F9C] =	sst lr;
	_ =	strace $0xD0000000  }
0x3: {  	_ = 	snop  }
0x4: {  	_ = 	snop  }
0x5: {  	_ = 	snop  }
0x6: {  	_ = 	snop  }
0x7: {  	_ = 	snop  }
__scs_overlays_trampoline_lowered:
0x8: {  	[smem:$0x3FAB] =	sst s0  }
0x9: {  	[smem:$0x3FAC] =	sst s1  }
0xa: {  	[smem:$0x3FAD] =	sst s2  }
0xb: {  	[smem:$0x3FAE] =	sst s3  }
0xc: {  	[smem:$0x3FAF] =	sst s4  }
0xd: {  	[smem:$0x3FB0] =	sst s5  }
0xe: {  	[smem:$0x3FB1] =	sst s6  }
0xf: {  	[smem:$0x3FB2] =	sst s7  }
0x10: {  	[smem:$0x3FB3] =	sst s8  }
0x11: {  	[smem:$0x3FB4] =	sst s9;
	s0 =	simm.s32 @!p0 $0x0  }
0x12: {  	s1 =	sld [smem:$0x3F9A];
	s0 =	simm.s32 @p0 $0x1  }
0x13: {  	[smem:$0x3FB5] =	sst s0;
	s0 =	simm.s32 @!p1 $0x0  }
0x14: {  	s2 =	sld [smem:$0x3F99];
	s0 =	simm.s32 @p1 $0x1  }
0x15: {  	[smem:$0x3FB6] =	sst s0;
	s0 =	simm.s32 @!p2 $0x0  }
0x16: {  	s3 =	sld [smem:$0x3FDB];
	s0 =	simm.s32 @p2 $0x1  }
0x17: {  	s4 =	simm.s32 $0x1BF5;
	[smem:$0x3FB8] =	sst s0  }
0x18: {  	s0 =	sld [smem:$0x3F9B];
	_ =	swait.ge [sflag:s4], $0x0  }
0x19: {  	s7 =	sld [smem:$0x3F9C]  }
0x1a: {  	s8 =	sadd.s32 $0xFFFFE003, lr  }
0x1b: {  	s9 =	sadd.s32 $0xFFFFFEF7, lr;
	s5 =	simm.s32 $0xFFFFFFFF;
	p2 =	slt.u32 s8, $0xFFFFF086  }
0x1c: {  	p1 =	slt.u32 s9, $0xF7A;
	s5 =	simm.s32 @!p2 $0x0  }
0x1d: {  	s5 =	simm.s32 @p1 $0x1;
	p0 =	seq.s32 s7, s2  }
0x1e: {  	s7 =	smul.u32 @!p0 $0xF7A, s2;
	p2 =	seq.s32 @!p0 s5, $0x0  }
0x1f: {  	s9 =	smul.u32 $0xF7A, s1;
	s8 =	simm.s32 @!p0 $0x1BF5;
	p2 =	por !p2, p0  }
0x20: {  	[sflag:s8] =	ssyncset.s32 @!p0 $0xFFFFF086;
	s6 =	sadd.s32 @!p0 s3, s7;
	s7 =	simm.s32 @!p0 $0x108  }
0x21: {  	s3 =	sadd.s32 s3, s9;
	s6 =	sadd.s32 @!p0 $0x88, s6;
	s7 =	simm.s32 @p2 $0x1082  }
0x22: {  	[simem:s7], [sflag:s8] =	dma.local @!p0 [hbm:s6], $0xF7A  }
0x23: {  	s9 =	sor.u32 $0xD0000000, s2;
	s6 =	simm.s32 $0x108;
	_ =	swait.ge @!p0 [sflag:s8], $0x0  }
0x24: {  	s3 =	sadd.s32 $0x88, s3;
	s6 =	simm.s32 @!p1 $0x1082;
	[sflag:s4] =	ssyncset.s32 $0xFFFFF086  }
0x25: {  	[simem:s6], [sflag:s4] =	dma.local [hbm:s3], $0xF7A  }
0x26: {  	[smem:$0x3F9C] =	sst s1;
	(tag) =	ssettag s2;
	_ =	strace s9  }
0x27: {  	s1 =	sld [smem:$0x3FAC]  }
0x28: {  	s2 =	sld [smem:$0x3FAD]  }
0x29: {  	s4 =	sld [smem:$0x3FAF]  }
0x2a: {  	p0 =	seq.s32 s5, $0x0;
	s5 =	sld [smem:$0x3FB0]  }
0x2b: {  	s6 =	sld [smem:$0x3FB1]  }
0x2c: {  	s7 =	sld [smem:$0x3FB2]  }
0x2d: {  	s3 =	simm.s32 $0x108;
	s8 =	sld [smem:$0x3FB3]  }
0x2e: {  	s3 =	simm.s32 @!p0 $0x1082;
	s9 =	sld [smem:$0x3FB4]  }
0x2f: {  	lr =	sadd.s32 s0, s3;
	s0 =	sld [smem:$0x3FAB]  }
0x30: {  	s3 =	sld [smem:$0x3FAE]  }
0x31: {  	[smem:$0x3FB7] =	sst s10  }
0x32: {  	s10 =	sld [smem:$0x3FB5];
	_ =	sdelay $0x3  }
0x33: {  	p0 =	seq.s32 s10, $0x1;
	s10 =	sld [smem:$0x3FB7];
	_ =	sdelay $0x3  }
0x34: {  	[smem:$0x3FB7] =	sst s10  }
0x35: {  	s10 =	sld [smem:$0x3FB6];
	_ =	sdelay $0x3  }
0x36: {  	p1 =	seq.s32 s10, $0x1;
	s10 =	sld [smem:$0x3FB7];
	_ =	sdelay $0x3  }
0x37: {  	[smem:$0x3FB7] =	sst s10  }
0x38: {  	s10 =	sld [smem:$0x3FB8]  }
0x39: {  	_ = 	snop;
	(pc) =	sbr.ind lr, $3  }
0x3a: {  	_ = 	snop  }
0x3b: {  	_ = 	snop  }
0x3c: {  	p2 =	seq.s32 s10, $0x1;
	s10 =	sld [smem:$0x3FB7]  }
0x3d: {  	_ =	shalt  }
0x3e: {  	_ =	shalt  }
0x3f: {  	_ =	shalt  }
0x40: {  	_ =	shalt  }
0x41: {  	_ =	shalt  }
0x42: {  	_ =	shalt  }
0x43: {  	_ =	shalt  }
0x44: {  	_ =	shalt  }
0x45: {  	_ =	shalt  }
0x46: {  	_ =	shalt  }
0x47: {  	_ =	shalt  }
0x48: {  	_ =	shalt  }
0x49: {  	_ =	shalt  }
0x4a: {  	_ =	shalt  }
0x4b: {  	_ =	shalt  }
0x4c: {  	_ =	shalt  }
0x4d: {  	_ =	shalt  }
0x4e: {  	_ =	shalt  }
0x4f: {  	_ =	shalt  }
0x50: {  	_ =	shalt  }
0x51: {  	_ =	shalt  }
0x52: {  	_ =	shalt  }
0x53: {  	_ =	shalt  }
0x54: {  	_ =	shalt  }
0x55: {  	_ =	shalt  }
0x56: {  	_ =	shalt  }
0x57: {  	_ =	shalt  }
0x58: {  	_ =	shalt  }
0x59: {  	_ =	shalt  }
0x5a: {  	_ =	shalt  }
0x5b: {  	_ =	shalt  }
0x5c: {  	_ =	shalt  }
0x5d: {  	_ =	shalt  }
0x5e: {  	_ =	shalt  }
0x5f: {  	_ =	shalt  }
0x60: {  	_ =	shalt  }
0x61: {  	_ =	shalt  }
0x62: {  	_ =	shalt  }
0x63: {  	_ =	shalt  }
0x64: {  	_ =	shalt  }
0x65: {  	_ =	shalt  }
0x66: {  	_ =	shalt  }
0x67: {  	_ =	shalt  }
0x68: {  	_ =	shalt  }
0x69: {  	_ =	shalt  }
0x6a: {  	_ =	shalt  }
0x6b: {  	_ =	shalt  }
0x6c: {  	_ =	shalt  }
0x6d: {  	_ =	shalt  }
0x6e: {  	_ =	shalt  }
0x6f: {  	_ =	shalt  }
0x70: {  	_ =	shalt  }
0x71: {  	_ =	shalt  }
0x72: {  	_ =	shalt  }
0x73: {  	_ =	shalt  }
0x74: {  	_ =	shalt  }
0x75: {  	_ =	shalt  }
0x76: {  	_ =	shalt  }
0x77: {  	_ =	shalt  }
0x78: {  	_ =	shalt  }
0x79: {  	_ =	shalt  }
0x7a: {  	_ =	shalt  }
0x7b: {  	_ =	shalt  }
0x7c: {  	_ =	shalt  }
0x7d: {  	_ =	shalt  }
0x7e: {  	_ =	shalt  }
0x7f: {  	_ =	shalt  }
0x80: {  	_ =	shalt  }
0x81: {  	_ =	shalt  }
0x82: {  	_ =	shalt  }
0x83: {  	_ =	shalt  }
0x84: {  	_ =	shalt  }
0x85: {  	_ =	shalt  }
0x86: {  	_ =	shalt  }
0x87: {  	_ =	shalt  }
.Lfunc_end0:
.L_simem_size_0:
called_computation_lowered:
.L_overlay_start_0:
0x88: {  	s0 =	sld [smem:$0x3FD9]  }
0x89: {  	s1 =	sld [smem:$0x3FFE];
	_ =	sdelay $0x3  }
0x8a: {  	s0 =	sadd.s32 s1, s0  }
0x8b: {  	[smem:$0x3FC3] =	sst s0  }
0x8c: {  	_ = 	snop  }
0x8d: {  	s0 =	sld [smem:$0x3FD0];
	_ =	sdelay $0x2  }
0x8e: {  	s2 =	simm.s32 $0xB;
	s3 =	simm.s32 $0x10;
	s13 =	sld [smem:$0x3FC7]  }
0x8f: {  	[smem:s3], [sflag:s2] =	dma.local [hbm:s0], $0x1  }
0x90: {  	_ =	swait.eq [sflag:s2], $0x1  }
0x91: {  	[sflag:s2] =	ssyncset.done $0x0  }
0x92: {  	[sflag:s2] =	ssyncadd.s32 $0xFFFFFFFF  }
0x93: {  	s14 =	sld [smem:$0x12];
	(tm) =	ssettm $0x1  }
0x94: {  	s15 =	sld [smem:$0x3FFB];
	_ =	sdelay $0x3  }
0x95: {  	_ =	strace s15  }
0x96: {  	s2 =	sld [smem:$0x3FFC];
	_ =	sdelay $0x3  }
0x97: {  	_ =	strace s2  }
0x98: {  	s2 =	sld [smem:$0x3FFD];
	_ =	sdelay $0x3  }
0x99: {  	_ =	strace s2  }
0x9a: {  	_ =	strace $0x8FFFFFFF  }
0x9b: {  	s16 =	sld [smem:$0x3FDB];
	_ =	sdelay $0x1  }
0x9c: {  	s17 =	simm.s32 $_scs_section_size  }
0x9d: {  	s4 =	simm.s32 $_size__tile_overlayer_lowered;
	s5 =	simm.s32 $_tile_overlayer_lowered  }
0x9e: {  	s20 =	simm.s32 $0x1BFF;
	s19 =	sshll.u32 s5, $0x1;
	s2 =	sadd.s32 s17, s16  }
0x9f: {  	s6 =	simm.s32 $0x0;
	s18 =	sshll.u32 s4, $0x1;
	s4 =	sadd.s32 s19, s2  }
0xa0: {  	[timem:s6], [sflag:s20] =	dma.local [hbm:s4], s18  }
0xa1: {  	_ =	swait.ge [sflag:s20], s18  }
0xa2: {  	s3 =	ssub.s32 $0x0, s18;
	[sflag:s20] =	ssyncset.done $0x0  }
0xa3: {  	[sflag:s20] =	ssyncadd.s32 s3;
	_ =	sdelay $0x1  }
0xa4: {  	s21 =	simm.s32 $0x1B8B  }
0xa5: {  	_ =	swait.ge [sflag:s21], $0x1  }
0xa6: {  	[sflag:s21] =	ssyncset.done $0x0  }
0xa7: {  	s23 =	simm.s32 $0x1B8E;
	s22 =	sld [smem:$0x3FFE];
	[sflag:s21] =	ssyncadd.s32 $0xFFFFFFFF  }
0xa8: {  	s24 =	simm.s32 $execute0_lowered;
	[smem:$0x3FD2] =	sst s23  }
0xa9: {  	s4 =	sshll.u32 s24, $0x1;
	_ =	strace $0x80000049;
	[dreg:$0x1] =	wrdreg $0xFFFFFFFF  }
0xaa: {  	s25 =	simm.s32 $_size_execute0_lowered;
	s2 =	sadd.s32 s2, s4;
	[dreg:$0x0] =	wrdreg $0x0  }
0xab: {  	s4 =	sshll.u32 s25, $0x1;
	[dreg:$0x2] =	wrdreg s2  }
0xac: {  	[dreg:$0x3] =	wrdreg s4  }
0xad: {  	[dreg:$0x4] =	wrdreg $0xC0  }
0xae: {  	_ =	task [dreg:s6], $0x5FFFF  }
0xaf: {  	[dreg:$0x1] =	wrdreg $0xFFFFFFFF  }
0xb0: {  	[dreg:$0x0] =	wrdreg $0x60  }
0xb1: {  	[dreg:$0x2] =	wrdreg s13  }
0xb2: {  	[dreg:$0x3] =	wrdreg s22  }
0xb3: {  	[dreg:$0x4] =	wrdreg s14  }
0xb4: {  	[dreg:$0x5] =	wrdreg $0x9  }
0xb5: {  	_ =	task.clear_ibuf [dreg:s6], $0x6FFFF;
	_ =	strace $0x90000049  }
0xb6: {  	s26 =	simm.s32 $0x9;
	_ =	strace $0x8000004B  }
0xb7: {  	_ =	swait.ge [sflag:s26], $0x1  }
0xb8: {  	[sflag:s26] =	ssyncadd.s32 $0xFFFFFFFF  }
0xb9: {  	_ =	strace $0x9000004B  }
0xba: {  	_ =	sfence  }
0xbb: {  	s28 =	sld [smem:$0x0];
	_ =	sdelay $0x1  }
0xbc: {  	s29 =	srdreg.scid  }
0xbd: {  	s30 =	sshll.u32 s29, $0xD;
	s31 =	sshrl.u32 s29, $0x2  }
0xbe: {  	s1 =	sand.u32 $0x1, s29;
	s2 =	sand.u32 $0x4000, s30;
	s0 =	sadd.s32 s31, s28  }
0xbf: {  	s1 =	sor.u32 s2, s1;
	s0 =	sshll.u32 s0, $0x11  }
0xc0: {  	s0 =	sor.u32 s0, s1  }
0xc1: {  	s0 =	sadd.s32 $0x8F2B, s0  }
0xc2: {  	[sflag:s0] =	ssyncadd.remote.s32 $0x1  }
0xc3: {  	_ =	sfence.sel $0xFFFF  }
0xc4: {  	[dreg:$0x0] =	wrdreg $0xFFFFFFFF;
	(pc) =	sbr.abs _section_cstart, $3  }
0xc5: {  	[dreg:$0x1] =	wrdreg $0xFFFFFFFF  }
0xc6: {  	_ =	task.clear_ibuf [dreg:s6], $0x2FFFF;
	_ =	strace $0x9FFFFFFF  }
0xc7: {  	(tm) =	ssettm $0x7FFFFFFF  }
tec
execute0_lowered:
.L_overlay_start_1:
0x0: {  	(tag) =	ssettag $0x1  }
0x1: {  	s2 =	rddreg [dreg:$0x0]  }
0x2: {  	s5 =	rddreg [dreg:$0x1]  }
0x3: {  	s3 =	rddreg [dreg:$0x2]  }
0x4: {  	s0 =	rddreg [dreg:$0x3];
	s1 =	stileid.u32  }
0x5: {  	_ =	strace $0x8000004A;
	s6 =	simm.s32 $0x1;
	s8 =	simm.s32 $0x2  }
0x6: {  	s30 =	simm.s32 $0x3;
	s12 =	simm.s32 $0x0;
	s4 =	sshll.u32 s1, $0x4  }
0x7: {  	s9 =	simm.s32 $0x0;
	s10 =	simm.s32 $0x0;
	s7 =	ssub.s32 $0x1380, s4  }
0x8: {  	s5 =	sadd.s32 $0xA4000, s5;
	[sflag:s6] =	ssyncpa.u1 $0x0;
	s6 =	sshrl.u32 s7, $0x8  }
0x9: {  	[sflag:s8] =	ssyncpa.u1 $0x0;
	s11 =	smov.u32 s4;
	s31 =	sshll.u32 s6, $0x4  }
0xa: {  	[sflag:s30] =	ssyncpa.u1 $0x0;
	s7 =	sadd.s32 $0x2, s6;
	s8 =	sadd.s32 $0x30, s31  }
.LBB2_1:
0xb: {  	p0 =	sgt.u32 s10, s6  }
0xc: {  	s13 =	sxor.u32 @!p0 $0xFFFFFFFF, s9;
	s14 =	sshrl.u32 @!p0 s11, $0x3  }
0xd: {  	s15 =	sand.u32 @!p0 $0x7, s11;
	s13 =	sand.u32 @!p0 $0x10, s13;
	s14 =	sadd.s32 @!p0 s5, s14  }
0xe: {  	[tilespmem:s13], [sflag:$0x2] =	stream.linear.gather @!p0 [hbm4b:s14+s15], $0x10, $0x38;
	[tilespmem:$0x40] =	vst v63  }
0xf: {  	p0 =	seq.s32 s9, $0x0  }
0x10: {  	p1 =	sge.u32 @!p0 s10, s7  }
0x11: {  	p0 =	por p1, p0  }
0x12: {  	s13 =	simm.s32 @!p0 $0x2  }
0x13: {  	_ =	swait.ge @!p0 [sflag:s13], $0x10  }
0x14: {  	[sflag:s13] =	ssyncset.done @!p0 $0x0  }
0x15: {  	[sflag:s13] =	ssyncadd.s32 @!p0 $0xFFFFFFF0;
	s13 =	sand.u32 @!p0 $0x10, s9  }
0x16: {  	(ifvalue) =	ssetifvalue @!p0 $0x7FFFFFFF;
	v0 =	vld.msk @!p0 [tilespmem:s13+$0x0 ss:$0x1], $0xffff;
	_ =	sdelay $0x4  }
0x17: {  	vm0 =	vgt.s32 @!p0 v0, $0x0  }
0x18: {  	v0 =	vnsel @!p0 vm0, $0x0, v0  }
0x19: {  	v0 =	vmin.u32 @!p0 v0, $0x270F;
	_ =	sdelay $0x3  }
0x1a: {  	s14 =	simm.s32 @!p0 $0x0;
	s13 =	sor.u32 @!p0 $0x20, s13;
	(ifvalue) =	ssetifvalue @!p0 $0x7FFFFFFF;
	vm0 =	vmmov @!p0 $0xffff  }
0x1b: {  	[tilespmem:s13], [sflag:$0x1] =	stream.indirect_vreg.gather @!p0 [hbm4b:s2+s14], $0x1, v0, vm0, $0x4038;
	[tilespmem:$0x40] =	vst v63  }
0x1c: {  	s14 =	simm.s32 @!p0 $0x1  }
0x1d: {  	_ =	swait.ge @!p0 [sflag:s14], $0x10  }
0x1e: {  	s15 =	sshrl.u32 @!p0 s12, $0x3;
	[sflag:s14] =	ssyncset.done @!p0 $0x0  }
0x1f: {  	s12 =	sand.u32 @!p0 $0x7, s12;
	[sflag:s14] =	ssyncadd.s32 @!p0 $0xFFFFFFF0;
	s14 =	sadd.s32 @!p0 s3, s15  }
0x20: {  	[hbm4b:s14+s12] =	stream.linear.scatter @!p0 [tilespmem:s13], [sflag:$0x3], $0x10, $0x38;
	[tilespmem:$0x40] =	vst v63  }
0x21: {  	s14 =	sadd.s32 $0x100, s11  }
0x22: {  	s9 =	sadd.s32 $0x10, s9;
	p1 =	sgt.s32 s14, $0x1387  }
0x23: {  	s14 =	smov.u32 @p1 s4;
	p1 =	sne.s32 s8, s9  }
.Ltmp0:
0x24: {  	p0 =	slt.u32 s10, $0x2;
	(pc) =	sbr.rel @p1 .LBB2_1-.Ltmp0, $4  }
0x25: {  	s13 =	simm.s32 @!p0 $0x3  }
0x26: {  	_ =	swait.ge @!p0 [sflag:s13], $0x10  }
0x27: {  	s12 =	smov.u32 s11;
	[sflag:s13] =	ssyncset.done @!p0 $0x0  }
0x28: {  	s10 =	sadd.s32 $0x1, s10;
	s11 =	smov.u32 s14;
	[sflag:s13] =	ssyncadd.s32 @!p0 $0xFFFFFFF0  }
0x29: {  	_ =	sfence.sel $0x180000  }
0x2a: {  	s2 =	simm.s32 $0x2;
	[bflag:$0x0] =	sbarrier.arrive $0xFFFF  }
0x2b: {  	s30 =	simm.s32 $0x3;
	[sflag:s2] =	ssyncpa.u1 $0x1  }
0x2c: {  	s31 =	simm.s32 $0x1;
	[sflag:s30] =	ssyncpa.u1 $0x1  }
0x2d: {  	[sflag:s31] =	ssyncpa.u1 $0x1  }
0x2e: {  	p0 =	sne.s32 s1, $0x0;
	_ =	strace $0x9000004A  }
0x2f: {  	s0 =	sadd.s32 @!p0 $0x100000, s0;
	[bflag:$0x2] =	sbarrier.arrive $0xFFFF  }
0x30: {  	[sflag:s0] =	ssyncadd.tile.s32 @!p0 $0x1;
	_ =	shalt  }
.Lfunc_end2:
_tile_overlayer_lowered:
.L_overlay_start_2:
0x31: {  	(tag) =	ssettag $0x2  }
0x32: {  	s0 =	rddreg [dreg:$0x0];
	s2 =	stileid.u32  }
0x33: {  	s1 =	rddreg [dreg:$0x1];
	p0 =	sne.s32 s2, $0x0  }
0x34: {  	s3 =	rddreg [dreg:$0x2];
	[bflag:$0x3] =	sbarrier.arrive $0xFFFF;
	s2 =	simm.s32 @!p0 $0x1C01  }
0x35: {  	[timem:s3], [sflag:s2] =	dma.local @!p0 [hbm:s0], s1  }
0x36: {  	s0 =	simm.s32 @!p0 $0x1  }
0x37: {  	_ =	swait.ge @!p0 [sflag:s0], s1  }
0x38: {  	s1 =	ssub.s32 @!p0 $0x0, s1;
	[sflag:s0] =	ssyncset.done @!p0 $0x0  }
0x39: {  	[sflag:s0] =	ssyncadd.s32 @!p0 s1  }
0x3a: {  	[bflag:$0x3] =	sbarrier.arrive $0xFFFF  }
0x3b: {  	_ =	shalt  }

// kernel: kernel.6.cloned.1.call-start
scs
__scs_entry_jumppad:
0x0: {  	(pc) =	sbr.rel $0x88, $3  }
0x1: {  	(tag) =	ssettag $0x0;
	lr =	simm.s32 $0x1  }
0x2: {  	[smem:$0x3F9C] =	sst lr;
	_ =	strace $0xD0000000  }
0x3: {  	_ = 	snop  }
0x4: {  	_ = 	snop  }
0x5: {  	_ = 	snop  }
0x6: {  	_ = 	snop  }
0x7: {  	_ = 	snop  }
__scs_overlays_trampoline_lowered:
0x8: {  	[smem:$0x3FAB] =	sst s0  }
0x9: {  	[smem:$0x3FAC] =	sst s1  }
0xa: {  	[smem:$0x3FAD] =	sst s2  }
0xb: {  	[smem:$0x3FAE] =	sst s3  }
0xc: {  	[smem:$0x3FAF] =	sst s4  }
0xd: {  	[smem:$0x3FB0] =	sst s5  }
0xe: {  	[smem:$0x3FB1] =	sst s6  }
0xf: {  	[smem:$0x3FB2] =	sst s7  }
0x10: {  	[smem:$0x3FB3] =	sst s8  }
0x11: {  	[smem:$0x3FB4] =	sst s9;
	s0 =	simm.s32 @!p0 $0x0  }
0x12: {  	s1 =	sld [smem:$0x3F9A];
	s0 =	simm.s32 @p0 $0x1  }
0x13: {  	[smem:$0x3FB5] =	sst s0;
	s0 =	simm.s32 @!p1 $0x0  }
0x14: {  	s2 =	sld [smem:$0x3F99];
	s0 =	simm.s32 @p1 $0x1  }
0x15: {  	[smem:$0x3FB6] =	sst s0;
	s0 =	simm.s32 @!p2 $0x0  }
0x16: {  	s3 =	sld [smem:$0x3FDB];
	s0 =	simm.s32 @p2 $0x1  }
0x17: {  	s4 =	simm.s32 $0x1BF5;
	[smem:$0x3FB8] =	sst s0  }
0x18: {  	s0 =	sld [smem:$0x3F9B];
	_ =	swait.ge [sflag:s4], $0x0  }
0x19: {  	s7 =	sld [smem:$0x3F9C]  }
0x1a: {  	s8 =	sadd.s32 $0xFFFFE003, lr  }
0x1b: {  	s9 =	sadd.s32 $0xFFFFFEF7, lr;
	s5 =	simm.s32 $0xFFFFFFFF;
	p2 =	slt.u32 s8, $0xFFFFF086  }
0x1c: {  	p1 =	slt.u32 s9, $0xF7A;
	s5 =	simm.s32 @!p2 $0x0  }
0x1d: {  	s5 =	simm.s32 @p1 $0x1;
	p0 =	seq.s32 s7, s2  }
0x1e: {  	s7 =	smul.u32 @!p0 $0xF7A, s2;
	p2 =	seq.s32 @!p0 s5, $0x0  }
0x1f: {  	s9 =	smul.u32 $0xF7A, s1;
	s8 =	simm.s32 @!p0 $0x1BF5;
	p2 =	por !p2, p0  }
0x20: {  	[sflag:s8] =	ssyncset.s32 @!p0 $0xFFFFF086;
	s6 =	sadd.s32 @!p0 s3, s7;
	s7 =	simm.s32 @!p0 $0x108  }
0x21: {  	s3 =	sadd.s32 s3, s9;
	s6 =	sadd.s32 @!p0 $0x88, s6;
	s7 =	simm.s32 @p2 $0x1082  }
0x22: {  	[simem:s7], [sflag:s8] =	dma.local @!p0 [hbm:s6], $0xF7A  }
0x23: {  	s9 =	sor.u32 $0xD0000000, s2;
	s6 =	simm.s32 $0x108;
	_ =	swait.ge @!p0 [sflag:s8], $0x0  }
0x24: {  	s3 =	sadd.s32 $0x88, s3;
	s6 =	simm.s32 @!p1 $0x1082;
	[sflag:s4] =	ssyncset.s32 $0xFFFFF086  }
0x25: {  	[simem:s6], [sflag:s4] =	dma.local [hbm:s3], $0xF7A  }
0x26: {  	[smem:$0x3F9C] =	sst s1;
	(tag) =	ssettag s2;
	_ =	strace s9  }
0x27: {  	s1 =	sld [smem:$0x3FAC]  }
0x28: {  	s2 =	sld [smem:$0x3FAD]  }
0x29: {  	s4 =	sld [smem:$0x3FAF]  }
0x2a: {  	p0 =	seq.s32 s5, $0x0;
	s5 =	sld [smem:$0x3FB0]  }
0x2b: {  	s6 =	sld [smem:$0x3FB1]  }
0x2c: {  	s7 =	sld [smem:$0x3FB2]  }
0x2d: {  	s3 =	simm.s32 $0x108;
	s8 =	sld [smem:$0x3FB3]  }
0x2e: {  	s3 =	simm.s32 @!p0 $0x1082;
	s9 =	sld [smem:$0x3FB4]  }
0x2f: {  	lr =	sadd.s32 s0, s3;
	s0 =	sld [smem:$0x3FAB]  }
0x30: {  	s3 =	sld [smem:$0x3FAE]  }
0x31: {  	[smem:$0x3FB7] =	sst s10  }
0x32: {  	s10 =	sld [smem:$0x3FB5];
	_ =	sdelay $0x3  }
0x33: {  	p0 =	seq.s32 s10, $0x1;
	s10 =	sld [smem:$0x3FB7];
	_ =	sdelay $0x3  }
0x34: {  	[smem:$0x3FB7] =	sst s10  }
0x35: {  	s10 =	sld [smem:$0x3FB6];
	_ =	sdelay $0x3  }
0x36: {  	p1 =	seq.s32 s10, $0x1;
	s10 =	sld [smem:$0x3FB7];
	_ =	sdelay $0x3  }
0x37: {  	[smem:$0x3FB7] =	sst s10  }
0x38: {  	s10 =	sld [smem:$0x3FB8]  }
0x39: {  	_ = 	snop;
	(pc) =	sbr.ind lr, $3  }
0x3a: {  	_ = 	snop  }
0x3b: {  	_ = 	snop  }
0x3c: {  	p2 =	seq.s32 s10, $0x1;
	s10 =	sld [smem:$0x3FB7]  }
0x3d: {  	_ =	shalt  }
0x3e: {  	_ =	shalt  }
0x3f: {  	_ =	shalt  }
0x40: {  	_ =	shalt  }
0x41: {  	_ =	shalt  }
0x42: {  	_ =	shalt  }
0x43: {  	_ =	shalt  }
0x44: {  	_ =	shalt  }
0x45: {  	_ =	shalt  }
0x46: {  	_ =	shalt  }
0x47: {  	_ =	shalt  }
0x48: {  	_ =	shalt  }
0x49: {  	_ =	shalt  }
0x4a: {  	_ =	shalt  }
0x4b: {  	_ =	shalt  }
0x4c: {  	_ =	shalt  }
0x4d: {  	_ =	shalt  }
0x4e: {  	_ =	shalt  }
0x4f: {  	_ =	shalt  }
0x50: {  	_ =	shalt  }
0x51: {  	_ =	shalt  }
0x52: {  	_ =	shalt  }
0x53: {  	_ =	shalt  }
0x54: {  	_ =	shalt  }
0x55: {  	_ =	shalt  }
0x56: {  	_ =	shalt  }
0x57: {  	_ =	shalt  }
0x58: {  	_ =	shalt  }
0x59: {  	_ =	shalt  }
0x5a: {  	_ =	shalt  }
0x5b: {  	_ =	shalt  }
0x5c: {  	_ =	shalt  }
0x5d: {  	_ =	shalt  }
0x5e: {  	_ =	shalt  }
0x5f: {  	_ =	shalt  }
0x60: {  	_ =	shalt  }
0x61: {  	_ =	shalt  }
0x62: {  	_ =	shalt  }
0x63: {  	_ =	shalt  }
0x64: {  	_ =	shalt  }
0x65: {  	_ =	shalt  }
0x66: {  	_ =	shalt  }
0x67: {  	_ =	shalt  }
0x68: {  	_ =	shalt  }
0x69: {  	_ =	shalt  }
0x6a: {  	_ =	shalt  }
0x6b: {  	_ =	shalt  }
0x6c: {  	_ =	shalt  }
0x6d: {  	_ =	shalt  }
0x6e: {  	_ =	shalt  }
0x6f: {  	_ =	shalt  }
0x70: {  	_ =	shalt  }
0x71: {  	_ =	shalt  }
0x72: {  	_ =	shalt  }
0x73: {  	_ =	shalt  }
0x74: {  	_ =	shalt  }
0x75: {  	_ =	shalt  }
0x76: {  	_ =	shalt  }
0x77: {  	_ =	shalt  }
0x78: {  	_ =	shalt  }
0x79: {  	_ =	shalt  }
0x7a: {  	_ =	shalt  }
0x7b: {  	_ =	shalt  }
0x7c: {  	_ =	shalt  }
0x7d: {  	_ =	shalt  }
0x7e: {  	_ =	shalt  }
0x7f: {  	_ =	shalt  }
0x80: {  	_ =	shalt  }
0x81: {  	_ =	shalt  }
0x82: {  	_ =	shalt  }
0x83: {  	_ =	shalt  }
0x84: {  	_ =	shalt  }
0x85: {  	_ =	shalt  }
0x86: {  	_ =	shalt  }
0x87: {  	_ =	shalt  }
.Lfunc_end0:
.L_simem_size_0:
called_computation.1_lowered:
.L_overlay_start_0:
0x88: {  	s2 =	sld [smem:$0x3FD9]  }
0x89: {  	s3 =	sld [smem:$0x3FFE];
	_ =	sdelay $0x1  }
0x8a: {  	s1 =	srdreg.scid  }
0x8b: {  	s0 =	sand.u32 $0x1, s1  }
0x8c: {  	s14 =	sshll.u32 s0, $0xA;
	s2 =	sadd.s32 s3, s2  }
0x8d: {  	s2 =	sadd.s32 s2, s14  }
0x8e: {  	[smem:$0x3FC3] =	sst s2  }
0x8f: {  	_ = 	snop  }
0x90: {  	s2 =	sld [smem:$0x3FD0];
	_ =	sdelay $0x2  }
0x91: {  	s15 =	simm.s32 $0xB;
	s4 =	simm.s32 $0x10  }
0x92: {  	[smem:s4], [sflag:s15] =	dma.local [hbm:s2], $0x1  }
0x93: {  	_ =	swait.eq [sflag:s15], $0x1  }
0x94: {  	[sflag:s15] =	ssyncset.done $0x0  }
0x95: {  	[sflag:s15] =	ssyncadd.s32 $0xFFFFFFFF  }
0x96: {  	s16 =	sld [smem:$0x10];
	(tm) =	ssettm $0x1  }
0x97: {  	s17 =	sld [smem:$0x3FFB];
	_ =	sdelay $0x3  }
0x98: {  	_ =	strace s17  }
0x99: {  	s3 =	sld [smem:$0x3FFC];
	_ =	sdelay $0x3  }
0x9a: {  	_ =	strace s3  }
0x9b: {  	s3 =	sld [smem:$0x3FFD];
	_ =	sdelay $0x3  }
0x9c: {  	_ =	strace s3  }
0x9d: {  	_ =	strace $0x8FFFFFFF  }
0x9e: {  	s18 =	sld [smem:$0x3FDB];
	_ =	sdelay $0x1  }
0x9f: {  	s19 =	simm.s32 $_scs_section_size  }
0xa0: {  	s5 =	simm.s32 $_size__tile_overlayer_lowered;
	s6 =	simm.s32 $_tile_overlayer_lowered  }
0xa1: {  	s22 =	simm.s32 $0x1BFF;
	s21 =	sshll.u32 s6, $0x1;
	s3 =	sadd.s32 s19, s18  }
0xa2: {  	s7 =	simm.s32 $0x0;
	s20 =	sshll.u32 s5, $0x1;
	s5 =	sadd.s32 s21, s3  }
0xa3: {  	[timem:s7], [sflag:s22] =	dma.local [hbm:s5], s20  }
0xa4: {  	_ =	swait.ge [sflag:s22], s20  }
0xa5: {  	s4 =	ssub.s32 $0x0, s20;
	[sflag:s22] =	ssyncset.done $0x0  }
0xa6: {  	[sflag:s22] =	ssyncadd.s32 s4;
	_ =	sdelay $0x1  }
0xa7: {  	s23 =	simm.s32 $0x1B8B  }
0xa8: {  	_ =	swait.ge [sflag:s23], $0x1  }
0xa9: {  	[sflag:s23] =	ssyncset.done $0x0  }
0xaa: {  	s25 =	simm.s32 $0x1B8E;
	s24 =	sld [smem:$0x3FFE];
	[sflag:s23] =	ssyncadd.s32 $0xFFFFFFFF  }
0xab: {  	s26 =	simm.s32 $execute0_lowered;
	[smem:$0x3FD2] =	sst s25  }
0xac: {  	s5 =	sshll.u32 s26, $0x1;
	_ =	strace $0x80000046;
	[dreg:$0x1] =	wrdreg $0xFFFFFFFF  }
0xad: {  	s28 =	simm.s32 $_size_execute0_lowered;
	s3 =	sadd.s32 s3, s5;
	[dreg:$0x0] =	wrdreg $0x0  }
0xae: {  	s5 =	sshll.u32 s28, $0x1;
	[dreg:$0x2] =	wrdreg s3  }
0xaf: {  	[dreg:$0x3] =	wrdreg s5  }
0xb0: {  	[dreg:$0x4] =	wrdreg $0xC0  }
0xb1: {  	_ =	task [dreg:s7], $0x5FFFF  }
0xb2: {  	[dreg:$0x1] =	wrdreg $0xFFFFFFFF  }
0xb3: {  	[dreg:$0x0] =	wrdreg $0x60  }
0xb4: {  	[dreg:$0x2] =	wrdreg s16  }
0xb5: {  	[dreg:$0x3] =	wrdreg s24  }
0xb6: {  	[dreg:$0x4] =	wrdreg $0xA  }
0xb7: {  	_ =	task.clear_ibuf [dreg:s7], $0x5FFFF;
	_ =	strace $0x90000046  }
0xb8: {  	s29 =	simm.s32 $0xA;
	_ =	strace $0x80000048  }
0xb9: {  	_ =	swait.ge [sflag:s29], $0x1  }
0xba: {  	[sflag:s29] =	ssyncadd.s32 $0xFFFFFFFF  }
0xbb: {  	_ =	strace $0x90000048  }
0xbc: {  	_ =	sfence  }
0xbd: {  	s30 =	sld [smem:$0x0];
	_ =	sdelay $0x2  }
0xbe: {  	s31 =	sshll.u32 s1, $0xD;
	s1 =	sshrl.u32 s1, $0x2  }
0xbf: {  	s3 =	sand.u32 $0x4000, s31;
	s1 =	sadd.s32 s1, s30  }
0xc0: {  	s0 =	sor.u32 s3, s0;
	s1 =	sshll.u32 s1, $0x11  }
0xc1: {  	s0 =	sor.u32 s1, s0  }
0xc2: {  	s0 =	sadd.s32 $0x8F2B, s0  }
0xc3: {  	[sflag:s0] =	ssyncadd.remote.s32 $0x1  }
0xc4: {  	_ =	sfence.sel $0xFFFF  }
0xc5: {  	[dreg:$0x0] =	wrdreg $0xFFFFFFFF;
	(pc) =	sbr.abs _section_cstart, $3  }
0xc6: {  	[dreg:$0x1] =	wrdreg $0xFFFFFFFF  }
0xc7: {  	_ =	task.clear_ibuf [dreg:s7], $0x2FFFF;
	_ =	strace $0x9FFFFFFF  }
0xc8: {  	(tm) =	ssettm $0x7FFFFFFF  }
0xc9: {  	_ =	shalt  }
tec
execute0_lowered:
.L_overlay_start_1:
0x0: {  	(tag) =	ssettag $0x1  }
0x1: {  	s0 =	srdreg.scid;
	s2 =	stileid.u32  }
0x2: {  	s1 =	rddreg [dreg:$0x1];
	s6 =	simm.s32 $0x0;
	s15 =	simm.s32 $0x2  }
0x3: {  	s23 =	simm.s32 $0x8600;
	s0 =	sand.u32 $0x1, s0;
	s2 =	sshll.u32 s2, $0x1  }
0x4: {  	[smem:$0x7FF] =	sst s6;
	s3 =	sadd.s32 $0x67400, s1;
	s25 =	sadd.s32 $0x67A00, s1  }
0x5: {  	s7 =	sadd.s32 $0x68000, s1;
	s2 =	sor.u32 s0, s2;
	_ =	strace $0x80000047  }
0x6: {  	[dreg:$0x3] =	wrdreg s3;
	s0 =	ssub.s32 $0x2, s0;
	s4 =	smul.u32 $0xA0, s2  }
0x7: {  	s5 =	sadd.s32 $0x2600, s1;
	[dreg:$0x4] =	wrdreg s25;
	s28 =	sshrl.u32 s0, $0x1  }
0x8: {  	[dreg:$0x5] =	wrdreg s5;
	s0 =	ssub.s32 s0, s28;
	s26 =	sshrl.u32 s4, $0x3  }
0x9: {  	s2 =	smul.u32 $0xA00, s2;
	s0 =	smax.u32 s0, $0x1;
	s3 =	sadd.s32 s26, s1  }
.Ltmp0:
0xa: {  	[dreg:$0xa] =	wrdreg s0;
	s29 =	sadd.s32 $0x2800, s3;
	(pc) =	sbr.rel .LBB2_1-.Ltmp0, $4  }
0xb: {  	s9 =	sadd.s32 $0x3400, s1;
	s30 =	sadd.s32 $0x2C00, s3;
	[dreg:$0x6] =	wrdreg s29  }
0xc: {  	s1 =	sadd.s32 s2, s1;
	s31 =	sadd.s32 $0x3000, s3;
	[dreg:$0x7] =	wrdreg s30  }
0xd: {  	s24 =	simm.s32 $0x8680;
	s1 =	sadd.s32 $0x90000, s1;
	[dreg:$0x8] =	wrdreg s31  }
0xe: {  	vm0 =	vmmov $0x1;
	s25 =	simm.s32 $0x1;
	[dreg:$0x9] =	wrdreg s1;
	s1 =	simm.s32 $0x0  }
.LBB2_27:
0xf: {  	s6 =	simm.s32 $0x0;
	s0 =	rddreg [dreg:$0x9];
	s1 =	simm.s32 $0xA880  }
0x10: {  	[hbm4b:s0+s6] =	stream.linear.scatter [tilespmem:s1], [sflag:$0x2], $0x5000, $0x38;
	[tilespmem:$0xF880] =	vst v63  }
0x11: {  	_ =	swait.ge [sflag:s15], $0x5000  }
0x12: {  	s30 =	rddreg [dreg:$0xb]  }
0x13: {  	s31 =	rddreg [dreg:$0xa];
	s1 =	sadd.s32 $0x1, s30  }
0x14: {  	p0 =	sne.s32 s1, s31  }
.Ltmp1:
0x15: {  	_ = 	snop;
	(pc) =	sbr.rel @!p0 .LBB2_28-.Ltmp1, $3  }
0x16: {  	_ =	sdelay $0x1  }
0x17: {  	[sflag:s15] =	ssyncset.done $0x0  }
0x18: {  	[sflag:s15] =	ssyncadd.s32 $0xFFFFB000  }
.LBB2_1:
0x19: {  	[dreg:$0xb] =	wrdreg s1  }
0x1a: {  	s0 =	rddreg [dreg:$0x0]  }
0x1b: {  	[tilespmem:s6], [sflag:$0x2] =	stream.linear.gather [hbm4b:s0+s6], $0x2800, $0x38;
	[tilespmem:$0xF880] =	vst v63  }
0x1c: {  	_ =	swait.ge [sflag:s15], $0x2800  }
0x1d: {  	[sflag:s15] =	ssyncset.done $0x0  }
0x1e: {  	s16 =	simm.s32 $0x2880;
	s14 =	rddreg [dreg:$0x3];
	[sflag:s15] =	ssyncadd.s32 $0xFFFFD800  }
0x1f: {  	[tilespmem:s16], [sflag:$0x2] =	stream.linear.gather [hbm4b:s14+s6], $0x2800, $0x38;
	[tilespmem:$0xF880] =	vst v63  }
0x20: {  	_ =	swait.ge [sflag:s15], $0x2800  }
0x21: {  	[sflag:s15] =	ssyncset.done $0x0  }
0x22: {  	s18 =	simm.s32 $0x5100;
	s17 =	rddreg [dreg:$0x4];
	[sflag:s15] =	ssyncadd.s32 $0xFFFFD800  }
0x23: {  	[tilespmem:s18], [sflag:$0x2] =	stream.linear.gather [hbm4b:s17+s6], $0x2800, $0x38;
	[tilespmem:$0xF880] =	vst v63  }
0x24: {  	_ =	swait.ge [sflag:s15], $0x2800  }
0x25: {  	[sflag:s15] =	ssyncset.done $0x0  }
0x26: {  	s20 =	simm.s32 $0x7980;
	s19 =	rddreg [dreg:$0x6];
	[sflag:s15] =	ssyncadd.s32 $0xFFFFD800  }
0x27: {  	[tilespmem:s20], [sflag:$0x2] =	stream.linear.gather [hbm4b:s19+s6], $0xA0, $0x38;
	[tilespmem:$0xF880] =	vst v63  }
0x28: {  	_ =	swait.ge [sflag:s15], $0xA0  }
0x29: {  	[sflag:s15] =	ssyncset.done $0x0  }
0x2a: {  	s22 =	simm.s32 $0x7A80;
	s21 =	rddreg [dreg:$0x7];
	[sflag:s15] =	ssyncadd.s32 $0xFFFFFF60  }
0x2b: {  	[tilespmem:s22], [sflag:$0x2] =	stream.linear.gather [hbm4b:s21+s6], $0xA0, $0x38;
	[tilespmem:$0xF880] =	vst v63  }
0x2c: {  	_ =	swait.ge [sflag:s15], $0xA0  }
0x2d: {  	[sflag:s15] =	ssyncset.done $0x0  }
0x2e: {  	s28 =	simm.s32 $0x7B80;
	s26 =	rddreg [dreg:$0x8];
	[sflag:s15] =	ssyncadd.s32 $0xFFFFFF60  }
0x2f: {  	[tilespmem:s28], [sflag:$0x2] =	stream.linear.gather [hbm4b:s26+s6], $0xA0, $0x38;
	[tilespmem:$0xF880] =	vst v63  }
0x30: {  	_ =	swait.ge [sflag:s15], $0xA0  }
0x31: {  	[sflag:s15] =	ssyncset.done $0x0  }
0x32: {  	s31 =	simm.s32 $0xA680;
	s30 =	rddreg [dreg:$0x5];
	[sflag:s15] =	ssyncadd.s32 $0xFFFFFF60  }
0x33: {  	[tilespmem:s31], [sflag:$0x2] =	stream.linear.gather [hbm4b:s30+s6], $0x180, $0x38;
	[tilespmem:$0xF880] =	vst v63  }
0x34: {  	_ =	swait.ge [sflag:s15], $0x180  }
0x35: {  	[sflag:s15] =	ssyncset.done $0x0  }
0x36: {  	s29 =	simm.s32 $0x0;
	[sflag:s15] =	ssyncadd.s32 $0xFFFFFE80  }
.LBB2_2:
0x37: {  	v0 =	vld [tilespmem:s29+$0x7980]  }
0x38: {  	v1 =	vld [tilespmem:s29+$0x7A80]  }
0x39: {  	v2 =	vld [tilespmem:s29+$0x7B80];
	_ =	sdelay $0x2  }
0x3a: {  	(v2sf) =	vpush v0, $0x0  }
0x3b: {  	(v2sf) =	vpush v1, $0x0  }
0x3c: {  	(v2sf) =	vpush v2, $0x0;
	_ =	sdelay $0x7  }
0x3d: {  	s0 =	sadd.s32 s4, s29  }
0x3e: {  	s0 =	smul.u32 $0x50, s0;
	_ =	sdelay $0x1  }
0x3f: {  	s19 =	simm.s32 $0x0;
	s2 =	sadd.s32 s9, s0;
	s0 =	simm.s32 $0x8300  }
0x40: {  	[tilespmem:s0], [sflag:$0x2] =	stream.linear.gather [hbm4b:s2+s19], $0x280, $0x38;
	[tilespmem:$0xF880] =	vst v63  }
0x41: {  	s30 =	spop (v2sf)  }
.Ltmp2:
0x42: {  	s31 =	spop (v2sf);
	(pc) =	sbr.rel .LBB2_3-.Ltmp2, $4  }
0x43: {  	s1 =	spop (v2sf)  }
0x44: {  	_ =	swait.ge [sflag:s15], $0x280  }
0x45: {  	s16 =	simm.s32 $0x5108;
	s17 =	simm.s32 $0x2888;
	v0 =	vbroadcast v0, $0x0;
	[sflag:s15] =	ssyncset.done $0x0  }
0x46: {  	s18 =	simm.s32 $0x8;
	s2 =	simm.s32 $0xF;
	v1 =	vbroadcast v1, $0x0;
	v2 =	vbroadcast v2, $0x0;
	[sflag:s15] =	ssyncadd.s32 $0xFFFFFD80  }
.LBB2_5:
0x47: {  	s2 =	sadd.s32 $0x10, s2  }
0x48: {  	p0 =	sne.s32 s2, $0x280F  }
.Ltmp3:
0x49: {  	_ = 	snop;
	(pc) =	sbr.rel @!p0 .LBB2_6-.Ltmp3, $3  }
0x4a: {  	_ =	sdelay $0x1  }
0x4b: {  	s0 =	sadd.s32 $0x1, s0  }
0x4c: {  	s16 =	sadd.s32 $0x10, s16;
	s17 =	sadd.s32 $0x10, s17;
	s18 =	sadd.s32 $0x10, s18  }
.LBB2_3:
0x4d: {  	v3 =	vld [tilespmem:s0+$0x0];
	_ =	sdelay $0x4  }
0x4e: {  	(v2sf) =	vpush v3, $0x0;
	_ =	sdelay $0xe  }
0x4f: {  	s3 =	spop (v2sf)  }
0x50: {  	p0 =	sle.f32 s3, $1.001000030e-02  }
.Ltmp4:
0x51: {  	_ = 	snop;
	(pc) =	sbr.rel @!p0 .LBB2_5-.Ltmp4, $1  }
0x52: {  	_ =	sdelay $0x3  }
0x53: {  	v3 =	vld [tilespmem:s18+$0xFFFFFFF8]  }
0x54: {  	v4 =	vld [tilespmem:s17+$0xFFFFFFF8];
	_ =	sdelay $0x1  }
0x55: {  	v5 =	vld [tilespmem:s16+$0xFFFFFFF8];
	_ =	sdelay $0x2  }
0x56: {  	v3 =	vsub.f32 v3, v0;
	v4 =	vsub.f32 v4, v1;
	_ =	sdelay $0x1  }
0x57: {  	v5 =	vsub.f32 v5, v2;
	v3 =	vmul.f32 v3, v3;
	v4 =	vmul.f32 v4, v4;
	_ =	sdelay $0x1  }
0x58: {  	v31 =	vmul.f32 v5, v5;
	v3 =	vadd.f32 v4, v3;
	_ =	sdelay $0x1  }
0x59: {  	v3 =	vadd.f32 v31, v3;
	_ =	sdelay $0x1  }
0x5a: {  	[tilespmem:$0x8280] =	vst v3  }
0x5b: {  	v32 =	vld [tilespmem:s18+$0xFFFFFFF8]  }
0x5c: {  	v33 =	vld [tilespmem:s17+$0xFFFFFFF8]  }
0x5d: {  	(v2sf) =	vpush v3, $0x0;
	v3 =	vld [tilespmem:s16+$0xFFFFFFF8];
	_ =	sdelay $0x2  }
0x5e: {  	(v2sf) =	vpush v32, $0x0  }
0x5f: {  	(v2sf) =	vpush v33, $0x0  }
0x60: {  	(v2sf) =	vpush v3, $0x0;
	_ =	sdelay $0x9  }
0x61: {  	s3 =	spop (v2sf)  }
0x62: {  	p0 =	sle.f32 s3, $9.999999770e-03  }
0x63: {  	p1 =	slt.s32 s19, $0x100;
	s6 =	sadd.s32 $0xFFFFFFF1, s2  }
0x64: {  	s8 =	smov.u32 s19;
	p0 =	por !p1, !p0;
	s13 =	spop (v2sf)  }
0x65: {  	p0 =	por !p0, !p0;
	s3 =	ssub.f32 s13, s30;
	s5 =	spop (v2sf)  }
0x66: {  	v3 =	vmov s6;
	s8 =	simm.s32 @!p0 $0x108;
	s5 =	ssub.f32 s5, s31;
	s10 =	spop (v2sf)  }
0x67: {  	[tilespmem:s8+$0x7C80] =	vst v3;
	s14 =	ssub.f32 s10, s1;
	v3 =	vmov s3  }
0x68: {  	[tilespmem:s8+$0x7E00] =	vst v3;
	v3 =	vmov s5  }
0x69: {  	[tilespmem:s8+$0x7F80] =	vst v3;
	v3 =	vmov s14  }
0x6a: {  	[tilespmem:s8+$0x8100] =	vst v3  }
0x6b: {  	v3 =	vld [tilespmem:$0x8281];
	_ =	sdelay $0x2  }
0x6c: {  	v34 =	vld [tilespmem:s18+$0xFFFFFFF9]  }
0x6d: {  	v35 =	vld [tilespmem:s17+$0xFFFFFFF9]  }
0x6e: {  	(v2sf) =	vpush v3, $0x0;
	v3 =	vld [tilespmem:s16+$0xFFFFFFF9];
	_ =	sdelay $0x2  }
0x6f: {  	(v2sf) =	vpush v34, $0x0  }
0x70: {  	(v2sf) =	vpush v35, $0x0  }
0x71: {  	(v2sf) =	vpush v3, $0x0;
	_ =	sdelay $0x8  }
0x72: {  	s3 =	simm.s32 $0x1  }
0x73: {  	s3 =	simm.s32 @!p0 $0x0;
	s20 =	spop (v2sf)  }
0x74: {  	s3 =	sadd.s32 s3, s19;
	p1 =	sle.f32 s20, $9.999999770e-03  }
0x75: {  	s26 =	sadd.s32 $0xFFFFFFF2, s2;
	p2 =	slt.s32 s3, $0x100  }
0x76: {  	s10 =	smov.u32 s3;
	s21 =	spop (v2sf);
	p0 =	por !p2, !p1  }
0x77: {  	s5 =	ssub.f32 s21, s30;
	s22 =	spop (v2sf);
	p0 =	por !p0, !p0  }
0x78: {  	v3 =	vmov s26;
	s6 =	ssub.f32 s22, s31;
	s11 =	spop (v2sf);
	s10 =	simm.s32 @!p0 $0x108  }
0x79: {  	s28 =	ssub.f32 s11, s1;
	[tilespmem:s10+$0x7C80] =	vst v3;
	v3 =	vmov s5  }
0x7a: {  	[tilespmem:s10+$0x7E00] =	vst v3;
	v3 =	vmov s6  }
0x7b: {  	[tilespmem:s10+$0x7F80] =	vst v3;
	v3 =	vmov s28  }
0x7c: {  	[tilespmem:s10+$0x8100] =	vst v3  }
0x7d: {  	v3 =	vld [tilespmem:$0x8282];
	_ =	sdelay $0x1  }
0x7e: {  	v36 =	vld [tilespmem:s18+$0xFFFFFFFA];
	_ =	sdelay $0x1  }
0x7f: {  	v37 =	vld [tilespmem:s17+$0xFFFFFFFA]  }
0x80: {  	(v2sf) =	vpush v3, $0x0;
	v3 =	vld [tilespmem:s16+$0xFFFFFFFA];
	_ =	sdelay $0x1  }
0x81: {  	(v2sf) =	vpush v36, $0x0;
	_ =	sdelay $0x1  }
0x82: {  	(v2sf) =	vpush v37, $0x0  }
0x83: {  	(v2sf) =	vpush v3, $0x0;
	_ =	sdelay $0x8  }
0x84: {  	s5 =	simm.s32 $0x1  }
0x85: {  	s5 =	simm.s32 @!p0 $0x0;
	s8 =	spop (v2sf)  }
0x86: {  	s3 =	sadd.s32 s5, s3;
	p3 =	sle.f32 s8, $9.999999770e-03  }
0x87: {  	p4 =	slt.s32 s3, $0x100;
	s10 =	spop (v2sf)  }
0x88: {  	s12 =	sadd.s32 $0xFFFFFFF3, s2;
	s5 =	ssub.f32 s10, s30;
	p0 =	por !p4, !p3  }
0x89: {  	s11 =	spop (v2sf);
	s10 =	smov.u32 s3;
	p0 =	por !p0, !p0  }
0x8a: {  	v3 =	vmov s12;
	s6 =	ssub.f32 s11, s31;
	s13 =	spop (v2sf);
	s10 =	simm.s32 @!p0 $0x108  }
0x8b: {  	s14 =	ssub.f32 s13, s1;
	[tilespmem:s10+$0x7C80] =	vst v3;
	v3 =	vmov s5  }
0x8c: {  	[tilespmem:s10+$0x7E00] =	vst v3;
	v3 =	vmov s6  }
0x8d: {  	[tilespmem:s10+$0x7F80] =	vst v3;
	v3 =	vmov s14  }
0x8e: {  	[tilespmem:s10+$0x8100] =	vst v3  }
0x8f: {  	v3 =	vld [tilespmem:$0x8283];
	_ =	sdelay $0x2  }
0x90: {  	v38 =	vld [tilespmem:s18+$0xFFFFFFFB]  }
0x91: {  	v39 =	vld [tilespmem:s17+$0xFFFFFFFB]  }
0x92: {  	(v2sf) =	vpush v3, $0x0;
	v3 =	vld [tilespmem:s16+$0xFFFFFFFB];
	_ =	sdelay $0x2  }
0x93: {  	(v2sf) =	vpush v38, $0x0  }
0x94: {  	(v2sf) =	vpush v39, $0x0  }
0x95: {  	(v2sf) =	vpush v3, $0x0;
	_ =	sdelay $0x8  }
0x96: {  	s5 =	simm.s32 $0x1  }
0x97: {  	s5 =	simm.s32 @!p0 $0x0;
	s19 =	spop (v2sf)  }
0x98: {  	s3 =	sadd.s32 s5, s3;
	p5 =	sle.f32 s19, $9.999999770e-03  }
0x99: {  	s22 =	sadd.s32 $0xFFFFFFF4, s2;
	p6 =	slt.s32 s3, $0x100  }
0x9a: {  	s10 =	smov.u32 s3;
	s20 =	spop (v2sf);
	p0 =	por !p6, !p5  }
0x9b: {  	s5 =	ssub.f32 s20, s30;
	s21 =	spop (v2sf);
	p0 =	por !p0, !p0  }
0x9c: {  	v3 =	vmov s22;
	s6 =	ssub.f32 s21, s31;
	s26 =	spop (v2sf);
	s10 =	simm.s32 @!p0 $0x108  }
0x9d: {  	s28 =	ssub.f32 s26, s1;
	[tilespmem:s10+$0x7C80] =	vst v3;
	v3 =	vmov s5  }
0x9e: {  	[tilespmem:s10+$0x7E00] =	vst v3;
	v3 =	vmov s6  }
0x9f: {  	[tilespmem:s10+$0x7F80] =	vst v3;
	v3 =	vmov s28  }
0xa0: {  	[tilespmem:s10+$0x8100] =	vst v3  }
0xa1: {  	v3 =	vld [tilespmem:$0x8284];
	_ =	sdelay $0x1  }
0xa2: {  	v40 =	vld [tilespmem:s18+$0xFFFFFFFC];
	_ =	sdelay $0x1  }
0xa3: {  	v41 =	vld [tilespmem:s17+$0xFFFFFFFC]  }
0xa4: {  	(v2sf) =	vpush v3, $0x0;
	v3 =	vld [tilespmem:s16+$0xFFFFFFFC];
	_ =	sdelay $0x1  }
0xa5: {  	(v2sf) =	vpush v40, $0x0;
	_ =	sdelay $0x1  }
0xa6: {  	(v2sf) =	vpush v41, $0x0  }
0xa7: {  	(v2sf) =	vpush v3, $0x0;
	_ =	sdelay $0x8  }
0xa8: {  	s5 =	simm.s32 $0x1  }
0xa9: {  	s5 =	simm.s32 @!p0 $0x0;
	s8 =	spop (v2sf)  }
0xaa: {  	s3 =	sadd.s32 s5, s3;
	p1 =	sle.f32 s8, $9.999999770e-03  }
0xab: {  	p2 =	slt.s32 s3, $0x100;
	s10 =	spop (v2sf)  }
0xac: {  	s12 =	sadd.s32 $0xFFFFFFF5, s2;
	s5 =	ssub.f32 s10, s30;
	p0 =	por !p2, !p1  }
0xad: {  	s11 =	spop (v2sf);
	s10 =	smov.u32 s3;
	p0 =	por !p0, !p0  }
0xae: {  	v3 =	vmov s12;
	s6 =	ssub.f32 s11, s31;
	s13 =	spop (v2sf);
	s10 =	simm.s32 @!p0 $0x108  }
0xaf: {  	s14 =	ssub.f32 s13, s1;
	[tilespmem:s10+$0x7C80] =	vst v3;
	v3 =	vmov s5  }
0xb0: {  	[tilespmem:s10+$0x7E00] =	vst v3;
	v3 =	vmov s6  }
0xb1: {  	[tilespmem:s10+$0x7F80] =	vst v3;
	v3 =	vmov s14  }
0xb2: {  	[tilespmem:s10+$0x8100] =	vst v3  }
0xb3: {  	v3 =	vld [tilespmem:$0x8285];
	_ =	sdelay $0x2  }
0xb4: {  	v42 =	vld [tilespmem:s18+$0xFFFFFFFD]  }
0xb5: {  	v43 =	vld [tilespmem:s17+$0xFFFFFFFD]  }
0xb6: {  	(v2sf) =	vpush v3, $0x0;
	v3 =	vld [tilespmem:s16+$0xFFFFFFFD];
	_ =	sdelay $0x2  }
0xb7: {  	(v2sf) =	vpush v42, $0x0  }
0xb8: {  	(v2sf) =	vpush v43, $0x0  }
0xb9: {  	(v2sf) =	vpush v3, $0x0;
	_ =	sdelay $0x8  }
0xba: {  	s5 =	simm.s32 $0x1  }
0xbb: {  	s5 =	simm.s32 @!p0 $0x0;
	s19 =	spop (v2sf)  }
0xbc: {  	s3 =	sadd.s32 s5, s3;
	p3 =	sle.f32 s19, $9.999999770e-03  }
0xbd: {  	s22 =	sadd.s32 $0xFFFFFFF6, s2;
	p4 =	slt.s32 s3, $0x100  }
0xbe: {  	s10 =	smov.u32 s3;
	s20 =	spop (v2sf);
	p0 =	por !p4, !p3  }
0xbf: {  	s5 =	ssub.f32 s20, s30;
	s21 =	spop (v2sf);
	p0 =	por !p0, !p0  }
0xc0: {  	v3 =	vmov s22;
	s6 =	ssub.f32 s21, s31;
	s26 =	spop (v2sf);
	s10 =	simm.s32 @!p0 $0x108  }
0xc1: {  	s28 =	ssub.f32 s26, s1;
	[tilespmem:s10+$0x7C80] =	vst v3;
	v3 =	vmov s5  }
0xc2: {  	[tilespmem:s10+$0x7E00] =	vst v3;
	v3 =	vmov s6  }
0xc3: {  	[tilespmem:s10+$0x7F80] =	vst v3;
	v3 =	vmov s28  }
0xc4: {  	[tilespmem:s10+$0x8100] =	vst v3  }
0xc5: {  	v3 =	vld [tilespmem:$0x8286];
	_ =	sdelay $0x1  }
0xc6: {  	v44 =	vld [tilespmem:s18+$0xFFFFFFFE];
	_ =	sdelay $0x1  }
0xc7: {  	v45 =	vld [tilespmem:s17+$0xFFFFFFFE]  }
0xc8: {  	(v2sf) =	vpush v3, $0x0;
	v3 =	vld [tilespmem:s16+$0xFFFFFFFE];
	_ =	sdelay $0x1  }
0xc9: {  	(v2sf) =	vpush v44, $0x0;
	_ =	sdelay $0x1  }
0xca: {  	(v2sf) =	vpush v45, $0x0  }
0xcb: {  	(v2sf) =	vpush v3, $0x0;
	_ =	sdelay $0x8  }
0xcc: {  	s5 =	simm.s32 $0x1  }
0xcd: {  	s5 =	simm.s32 @!p0 $0x0;
	s8 =	spop (v2sf)  }
0xce: {  	s3 =	sadd.s32 s5, s3;
	p5 =	sle.f32 s8, $9.999999770e-03  }
0xcf: {  	p6 =	slt.s32 s3, $0x100;
	s10 =	spop (v2sf)  }
0xd0: {  	s12 =	sadd.s32 $0xFFFFFFF7, s2;
	s5 =	ssub.f32 s10, s30;
	p0 =	por !p6, !p5  }
0xd1: {  	s11 =	spop (v2sf);
	s10 =	smov.u32 s3;
	p0 =	por !p0, !p0  }
0xd2: {  	v3 =	vmov s12;
	s6 =	ssub.f32 s11, s31;
	s13 =	spop (v2sf);
	s10 =	simm.s32 @!p0 $0x108  }
0xd3: {  	s14 =	ssub.f32 s13, s1;
	[tilespmem:s10+$0x7C80] =	vst v3;
	v3 =	vmov s5  }
0xd4: {  	[tilespmem:s10+$0x7E00] =	vst v3;
	v3 =	vmov s6  }
0xd5: {  	[tilespmem:s10+$0x7F80] =	vst v3;
	v3 =	vmov s14  }
0xd6: {  	[tilespmem:s10+$0x8100] =	vst v3  }
0xd7: {  	v3 =	vld [tilespmem:$0x8287];
	_ =	sdelay $0x2  }
0xd8: {  	v46 =	vld [tilespmem:s18+$0xFFFFFFFF]  }
0xd9: {  	v47 =	vld [tilespmem:s17+$0xFFFFFFFF]  }
0xda: {  	(v2sf) =	vpush v3, $0x0;
	v3 =	vld [tilespmem:s16+$0xFFFFFFFF];
	_ =	sdelay $0x2  }
0xdb: {  	(v2sf) =	vpush v46, $0x0  }
0xdc: {  	(v2sf) =	vpush v47, $0x0  }
0xdd: {  	(v2sf) =	vpush v3, $0x0;
	_ =	sdelay $0x8  }
0xde: {  	s5 =	simm.s32 $0x1  }
0xdf: {  	s5 =	simm.s32 @!p0 $0x0;
	s19 =	spop (v2sf)  }
0xe0: {  	s3 =	sadd.s32 s5, s3;
	p1 =	sle.f32 s19, $9.999999770e-03  }
0xe1: {  	s22 =	sadd.s32 $0xFFFFFFF8, s2;
	p2 =	slt.s32 s3, $0x100  }
0xe2: {  	s10 =	smov.u32 s3;
	s20 =	spop (v2sf);
	p0 =	por !p2, !p1  }
0xe3: {  	s5 =	ssub.f32 s20, s30;
	s21 =	spop (v2sf);
	p0 =	por !p0, !p0  }
0xe4: {  	v3 =	vmov s22;
	s6 =	ssub.f32 s21, s31;
	s26 =	spop (v2sf);
	s10 =	simm.s32 @!p0 $0x108  }
0xe5: {  	s28 =	ssub.f32 s26, s1;
	[tilespmem:s10+$0x7C80] =	vst v3;
	v3 =	vmov s5  }
0xe6: {  	[tilespmem:s10+$0x7E00] =	vst v3;
	v3 =	vmov s6  }
0xe7: {  	[tilespmem:s10+$0x7F80] =	vst v3;
	v3 =	vmov s28  }
0xe8: {  	[tilespmem:s10+$0x8100] =	vst v3  }
0xe9: {  	v3 =	vld [tilespmem:$0x8288];
	_ =	sdelay $0x1  }
0xea: {  	v48 =	vld [tilespmem:s18+$0x0];
	_ =	sdelay $0x1  }
0xeb: {  	v49 =	vld [tilespmem:s17+$0x0]  }
0xec: {  	(v2sf) =	vpush v3, $0x0;
	v3 =	vld [tilespmem:s16+$0x0];
	_ =	sdelay $0x1  }
0xed: {  	(v2sf) =	vpush v48, $0x0;
	_ =	sdelay $0x1  }
0xee: {  	(v2sf) =	vpush v49, $0x0  }
0xef: {  	(v2sf) =	vpush v3, $0x0;
	_ =	sdelay $0x8  }
0xf0: {  	s5 =	simm.s32 $0x1  }
0xf1: {  	s5 =	simm.s32 @!p0 $0x0;
	s8 =	spop (v2sf)  }
0xf2: {  	s3 =	sadd.s32 s5, s3;
	p3 =	sle.f32 s8, $9.999999770e-03  }
0xf3: {  	p4 =	slt.s32 s3, $0x100;
	s10 =	spop (v2sf)  }
0xf4: {  	s12 =	sadd.s32 $0xFFFFFFF9, s2;
	s5 =	ssub.f32 s10, s30;
	p0 =	por !p4, !p3  }
0xf5: {  	s11 =	spop (v2sf);
	s10 =	smov.u32 s3;
	p0 =	por !p0, !p0  }
0xf6: {  	v3 =	vmov s12;
	s6 =	ssub.f32 s11, s31;
	s13 =	spop (v2sf);
	s10 =	simm.s32 @!p0 $0x108  }
0xf7: {  	s14 =	ssub.f32 s13, s1;
	[tilespmem:s10+$0x7C80] =	vst v3;
	v3 =	vmov s5  }
0xf8: {  	[tilespmem:s10+$0x7E00] =	vst v3;
	v3 =	vmov s6  }
0xf9: {  	[tilespmem:s10+$0x7F80] =	vst v3;
	v3 =	vmov s14  }
0xfa: {  	[tilespmem:s10+$0x8100] =	vst v3  }
0xfb: {  	v3 =	vld [tilespmem:$0x8289];
	_ =	sdelay $0x2  }
0xfc: {  	v50 =	vld [tilespmem:s18+$0x1]  }
0xfd: {  	v51 =	vld [tilespmem:s17+$0x1]  }
0xfe: {  	(v2sf) =	vpush v3, $0x0;
	v3 =	vld [tilespmem:s16+$0x1];
	_ =	sdelay $0x2  }
0xff: {  	(v2sf) =	vpush v50, $0x0  }
0x100: {  	(v2sf) =	vpush v51, $0x0  }
0x101: {  	(v2sf) =	vpush v3, $0x0;
	_ =	sdelay $0x8  }
0x102: {  	s5 =	simm.s32 $0x1  }
0x103: {  	s5 =	simm.s32 @!p0 $0x0;
	s19 =	spop (v2sf)  }
0x104: {  	s3 =	sadd.s32 s5, s3;
	p5 =	sle.f32 s19, $9.999999770e-03  }
0x105: {  	s22 =	sadd.s32 $0xFFFFFFFA, s2;
	p6 =	slt.s32 s3, $0x100  }
0x106: {  	s10 =	smov.u32 s3;
	s20 =	spop (v2sf);
	p0 =	por !p6, !p5  }
0x107: {  	s5 =	ssub.f32 s20, s30;
	s21 =	spop (v2sf);
	p0 =	por !p0, !p0  }
0x108: {  	v3 =	vmov s22;
	s6 =	ssub.f32 s21, s31;
	s26 =	spop (v2sf);
	s10 =	simm.s32 @!p0 $0x108  }
0x109: {  	s28 =	ssub.f32 s26, s1;
	[tilespmem:s10+$0x7C80] =	vst v3;
	v3 =	vmov s5  }
0x10a: {  	[tilespmem:s10+$0x7E00] =	vst v3;
	v3 =	vmov s6  }
0x10b: {  	[tilespmem:s10+$0x7F80] =	vst v3;
	v3 =	vmov s28  }
0x10c: {  	[tilespmem:s10+$0x8100] =	vst v3  }
0x10d: {  	v3 =	vld [tilespmem:$0x828A];
	_ =	sdelay $0x1  }
0x10e: {  	v52 =	vld [tilespmem:s18+$0x2];
	_ =	sdelay $0x1  }
0x10f: {  	v53 =	vld [tilespmem:s17+$0x2]  }
0x110: {  	(v2sf) =	vpush v3, $0x0;
	v3 =	vld [tilespmem:s16+$0x2];
	_ =	sdelay $0x1  }
0x111: {  	(v2sf) =	vpush v52, $0x0;
	_ =	sdelay $0x1  }
0x112: {  	(v2sf) =	vpush v53, $0x0  }
0x113: {  	(v2sf) =	vpush v3, $0x0;
	_ =	sdelay $0x8  }
0x114: {  	s5 =	simm.s32 $0x1  }
0x115: {  	s5 =	simm.s32 @!p0 $0x0;
	s8 =	spop (v2sf)  }
0x116: {  	s3 =	sadd.s32 s5, s3;
	p1 =	sle.f32 s8, $9.999999770e-03  }
0x117: {  	p2 =	slt.s32 s3, $0x100;
	s10 =	spop (v2sf)  }
0x118: {  	s12 =	sadd.s32 $0xFFFFFFFB, s2;
	s5 =	ssub.f32 s10, s30;
	p0 =	por !p2, !p1  }
0x119: {  	s11 =	spop (v2sf);
	s10 =	smov.u32 s3;
	p0 =	por !p0, !p0  }
0x11a: {  	v3 =	vmov s12;
	s6 =	ssub.f32 s11, s31;
	s13 =	spop (v2sf);
	s10 =	simm.s32 @!p0 $0x108  }
0x11b: {  	s14 =	ssub.f32 s13, s1;
	[tilespmem:s10+$0x7C80] =	vst v3;
	v3 =	vmov s5  }
0x11c: {  	[tilespmem:s10+$0x7E00] =	vst v3;
	v3 =	vmov s6  }
0x11d: {  	[tilespmem:s10+$0x7F80] =	vst v3;
	v3 =	vmov s14  }
0x11e: {  	[tilespmem:s10+$0x8100] =	vst v3  }
0x11f: {  	v3 =	vld [tilespmem:$0x828B];
	_ =	sdelay $0x2  }
0x120: {  	v54 =	vld [tilespmem:s18+$0x3]  }
0x121: {  	v55 =	vld [tilespmem:s17+$0x3]  }
0x122: {  	(v2sf) =	vpush v3, $0x0;
	v3 =	vld [tilespmem:s16+$0x3];
	_ =	sdelay $0x2  }
0x123: {  	(v2sf) =	vpush v54, $0x0  }
0x124: {  	(v2sf) =	vpush v55, $0x0  }
0x125: {  	(v2sf) =	vpush v3, $0x0;
	_ =	sdelay $0x8  }
0x126: {  	s5 =	simm.s32 $0x1  }
0x127: {  	s5 =	simm.s32 @!p0 $0x0;
	s19 =	spop (v2sf)  }
0x128: {  	s3 =	sadd.s32 s5, s3;
	p3 =	sle.f32 s19, $9.999999770e-03  }
0x129: {  	s22 =	sadd.s32 $0xFFFFFFFC, s2;
	p4 =	slt.s32 s3, $0x100  }
0x12a: {  	s10 =	smov.u32 s3;
	s20 =	spop (v2sf);
	p0 =	por !p4, !p3  }
0x12b: {  	s5 =	ssub.f32 s20, s30;
	s21 =	spop (v2sf);
	p0 =	por !p0, !p0  }
0x12c: {  	v3 =	vmov s22;
	s6 =	ssub.f32 s21, s31;
	s26 =	spop (v2sf);
	s10 =	simm.s32 @!p0 $0x108  }
0x12d: {  	s28 =	ssub.f32 s26, s1;
	[tilespmem:s10+$0x7C80] =	vst v3;
	v3 =	vmov s5  }
0x12e: {  	[tilespmem:s10+$0x7E00] =	vst v3;
	v3 =	vmov s6  }
0x12f: {  	[tilespmem:s10+$0x7F80] =	vst v3;
	v3 =	vmov s28  }
0x130: {  	[tilespmem:s10+$0x8100] =	vst v3  }
0x131: {  	v3 =	vld [tilespmem:$0x828C];
	_ =	sdelay $0x1  }
0x132: {  	v56 =	vld [tilespmem:s18+$0x4];
	_ =	sdelay $0x1  }
0x133: {  	v57 =	vld [tilespmem:s17+$0x4]  }
0x134: {  	(v2sf) =	vpush v3, $0x0;
	v3 =	vld [tilespmem:s16+$0x4];
	_ =	sdelay $0x1  }
0x135: {  	(v2sf) =	vpush v56, $0x0;
	_ =	sdelay $0x1  }
0x136: {  	(v2sf) =	vpush v57, $0x0  }
0x137: {  	(v2sf) =	vpush v3, $0x0;
	_ =	sdelay $0x8  }
0x138: {  	s5 =	simm.s32 $0x1  }
0x139: {  	s5 =	simm.s32 @!p0 $0x0;
	s8 =	spop (v2sf)  }
0x13a: {  	s3 =	sadd.s32 s5, s3;
	p5 =	sle.f32 s8, $9.999999770e-03  }
0x13b: {  	p6 =	slt.s32 s3, $0x100;
	s10 =	spop (v2sf)  }
0x13c: {  	s12 =	sadd.s32 $0xFFFFFFFD, s2;
	s5 =	ssub.f32 s10, s30;
	p0 =	por !p6, !p5  }
0x13d: {  	s11 =	spop (v2sf);
	s10 =	smov.u32 s3;
	p0 =	por !p0, !p0  }
0x13e: {  	v3 =	vmov s12;
	s6 =	ssub.f32 s11, s31;
	s13 =	spop (v2sf);
	s10 =	simm.s32 @!p0 $0x108  }
0x13f: {  	s14 =	ssub.f32 s13, s1;
	[tilespmem:s10+$0x7C80] =	vst v3;
	v3 =	vmov s5  }
0x140: {  	[tilespmem:s10+$0x7E00] =	vst v3;
	v3 =	vmov s6  }
0x141: {  	[tilespmem:s10+$0x7F80] =	vst v3;
	v3 =	vmov s14  }
0x142: {  	[tilespmem:s10+$0x8100] =	vst v3  }
0x143: {  	v3 =	vld [tilespmem:$0x828D];
	_ =	sdelay $0x2  }
0x144: {  	v58 =	vld [tilespmem:s18+$0x5]  }
0x145: {  	v59 =	vld [tilespmem:s17+$0x5]  }
0x146: {  	(v2sf) =	vpush v3, $0x0;
	v3 =	vld [tilespmem:s16+$0x5];
	_ =	sdelay $0x2  }
0x147: {  	(v2sf) =	vpush v58, $0x0  }
0x148: {  	(v2sf) =	vpush v59, $0x0  }
0x149: {  	(v2sf) =	vpush v3, $0x0;
	_ =	sdelay $0x8  }
0x14a: {  	s5 =	simm.s32 $0x1  }
0x14b: {  	s5 =	simm.s32 @!p0 $0x0;
	s19 =	spop (v2sf)  }
0x14c: {  	s3 =	sadd.s32 s5, s3;
	p1 =	sle.f32 s19, $9.999999770e-03  }
0x14d: {  	s22 =	sadd.s32 $0xFFFFFFFE, s2;
	p2 =	slt.s32 s3, $0x100  }
0x14e: {  	s10 =	smov.u32 s3;
	s20 =	spop (v2sf);
	p0 =	por !p2, !p1  }
0x14f: {  	s5 =	ssub.f32 s20, s30;
	s21 =	spop (v2sf);
	p0 =	por !p0, !p0  }
0x150: {  	v3 =	vmov s22;
	s6 =	ssub.f32 s21, s31;
	s26 =	spop (v2sf);
	s10 =	simm.s32 @!p0 $0x108  }
0x151: {  	s28 =	ssub.f32 s26, s1;
	[tilespmem:s10+$0x7C80] =	vst v3;
	v3 =	vmov s5  }
0x152: {  	[tilespmem:s10+$0x7E00] =	vst v3;
	v3 =	vmov s6  }
0x153: {  	[tilespmem:s10+$0x7F80] =	vst v3;
	v3 =	vmov s28  }
0x154: {  	[tilespmem:s10+$0x8100] =	vst v3  }
0x155: {  	v3 =	vld [tilespmem:$0x828E];
	_ =	sdelay $0x2  }
0x156: {  	v60 =	vld [tilespmem:s18+$0x6]  }
0x157: {  	v61 =	vld [tilespmem:s17+$0x6]  }
0x158: {  	(v2sf) =	vpush v3, $0x0;
	v3 =	vld [tilespmem:s16+$0x6];
	_ =	sdelay $0x2  }
0x159: {  	(v2sf) =	vpush v60, $0x0  }
0x15a: {  	(v2sf) =	vpush v61, $0x0  }
0x15b: {  	(v2sf) =	vpush v3, $0x0;
	_ =	sdelay $0x8  }
0x15c: {  	s5 =	simm.s32 $0x1  }
0x15d: {  	s5 =	simm.s32 @!p0 $0x0;
	s11 =	spop (v2sf)  }
0x15e: {  	s3 =	sadd.s32 s5, s3;
	p3 =	sle.f32 s11, $9.999999770e-03  }
0x15f: {  	s14 =	sadd.s32 $0xFFFFFFFF, s2;
	p4 =	slt.s32 s3, $0x100  }
0x160: {  	s10 =	smov.u32 s3;
	s12 =	spop (v2sf);
	p0 =	por !p4, !p3  }
0x161: {  	s5 =	ssub.f32 s12, s30;
	s13 =	spop (v2sf);
	p0 =	por !p0, !p0  }
0x162: {  	v3 =	vmov s14;
	s6 =	ssub.f32 s13, s31;
	s19 =	spop (v2sf);
	s10 =	simm.s32 @!p0 $0x108  }
0x163: {  	s20 =	ssub.f32 s19, s1;
	[tilespmem:s10+$0x7C80] =	vst v3;
	v3 =	vmov s5  }
0x164: {  	[tilespmem:s10+$0x7E00] =	vst v3;
	v3 =	vmov s6  }
0x165: {  	[tilespmem:s10+$0x7F80] =	vst v3;
	v3 =	vmov s20  }
0x166: {  	[tilespmem:s10+$0x8100] =	vst v3  }
0x167: {  	v3 =	vld [tilespmem:$0x828F];
	_ =	sdelay $0x1  }
0x168: {  	v62 =	vld [tilespmem:s18+$0x7]  }
0x169: {  	v63 =	vld [tilespmem:s17+$0x7];
	_ =	sdelay $0x1  }
0x16a: {  	(v2sf) =	vpush v3, $0x0;
	v3 =	vld [tilespmem:s16+$0x7];
	_ =	sdelay $0x1  }
0x16b: {  	(v2sf) =	vpush v62, $0x0  }
0x16c: {  	(v2sf) =	vpush v63, $0x0;
	_ =	sdelay $0x1  }
0x16d: {  	(v2sf) =	vpush v3, $0x0;
	_ =	sdelay $0x8  }
0x16e: {  	s5 =	simm.s32 $0x1  }
0x16f: {  	s5 =	simm.s32 @!p0 $0x0;
	s21 =	spop (v2sf)  }
0x170: {  	s3 =	sadd.s32 s5, s3;
	p5 =	sle.f32 s21, $9.999999770e-03  }
0x171: {  	p6 =	slt.s32 s3, $0x100;
	s22 =	spop (v2sf)  }
0x172: {  	s26 =	spop (v2sf);
	s5 =	ssub.f32 s22, s30;
	p0 =	por !p6, !p5  }
0x173: {  	s8 =	smov.u32 s3;
	s6 =	ssub.f32 s26, s31;
	p0 =	por !p0, !p0  }
.Ltmp5:
0x174: {  	v3 =	vmov s2;
	s28 =	spop (v2sf);
	s8 =	simm.s32 @!p0 $0x108;
	(pc) =	sbr.rel .LBB2_5-.Ltmp5, $4  }
0x175: {  	s10 =	ssub.f32 s28, s1;
	[tilespmem:s8+$0x7C80] =	vst v3;
	v3 =	vmov s5  }
0x176: {  	s5 =	simm.s32 $0x1;
	[tilespmem:s8+$0x7E00] =	vst v3;
	v3 =	vmov s6  }
0x177: {  	s5 =	simm.s32 @!p0 $0x0;
	[tilespmem:s8+$0x7F80] =	vst v3;
	v3 =	vmov s10  }
0x178: {  	s19 =	sadd.s32 s5, s3;
	[tilespmem:s8+$0x8100] =	vst v3  }
.LBB2_6:
0x179: {  	p0 =	sgt.s32 s19, $0x40  }
.Ltmp6:
0x17a: {  	_ = 	snop;
	(pc) =	sbr.rel @p0 .LBB2_10-.Ltmp6, $1  }
0x17b: {  	_ =	sdelay $0x3  }
0x17c: {  	p0 =	seq.s32 s19, $0x40  }
.Ltmp7:
0x17d: {  	_ = 	snop;
	(pc) =	sbr.rel @p0 .LBB2_24-.Ltmp7, $1  }
0x17e: {  	_ =	sdelay $0x3  }
0x17f: {  	v0 =	vld.msk [tilespmem:$0x7C80 ss:$0x0], $0xffff  }
0x180: {  	v1 =	vld.msk [tilespmem:$0x7E00 ss:$0x0], $0xffff  }
0x181: {  	v2 =	vld.msk [tilespmem:$0x7F80 ss:$0x0], $0xffff;
	s0 =	sshll.u32 s19, $0x2;
	s5 =	ssub.s32 $0x40, s19  }
0x182: {  	v3 =	vld.msk [tilespmem:$0x8100 ss:$0x0], $0xffff;
	s2 =	sshra.s32 s0, $0x2;
	p0 =	seq.s32 s5, $0x1  }
.Ltmp8:
0x183: {  	s3 =	sadd.s32 $0x7C80, s2;
	(pc) =	sbr.rel @p0 .LBB2_24-.Ltmp8, $4  }
0x184: {  	s0 =	sadd.s32 $0x7E00, s2;
	[tilespmem:s3+$0x0] =	vst v0  }
0x185: {  	s1 =	sadd.s32 $0x7F80, s2;
	[tilespmem:s0+$0x0] =	vst v1  }
0x186: {  	s2 =	sadd.s32 $0x8100, s2;
	[tilespmem:s1+$0x0] =	vst v2  }
0x187: {  	s5 =	sadd.s32 $0xFFFFFFFF, s5;
	s3 =	sadd.s32 $0x1, s3;
	[tilespmem:s2+$0x0] =	vst v3  }
.LBB2_9:
0x188: {  	[tilespmem:s3+$0x0] =	vst v0;
	p0 =	seq.s32 s5, $0x1  }
.Ltmp9:
0x189: {  	(pc) =	sbr.rel @!p0 .LBB2_9-.Ltmp9, $4  }
0x18a: {  	s0 =	sadd.s32 $0x1, s0  }
0x18b: {  	s1 =	sadd.s32 $0x1, s1;
	[tilespmem:s0+$0x0] =	vst v1  }
0x18c: {  	s2 =	sadd.s32 $0x1, s2;
	[tilespmem:s1+$0x0] =	vst v2  }
0x18d: {  	s3 =	sadd.s32 $0x1, s3;
	s5 =	sadd.s32 $0xFFFFFFFF, s5;
	[tilespmem:s2+$0x0] =	vst v3  }
.LBB2_24:
0x18e: {  	v0 =	vld [tilespmem:$0x7C80]  }
0x18f: {  	v1 =	vld [tilespmem:$0x7C90]  }
0x190: {  	v2 =	vld [tilespmem:$0x7CA0]  }
0x191: {  	v3 =	vld [tilespmem:$0x7CB0];
	_ =	sdelay $0x1  }
0x192: {  	[tilespmem:$0x8600] =	vst v0  }
0x193: {  	[tilespmem:$0x8610] =	vst v1  }
0x194: {  	[tilespmem:$0x8620] =	vst v2  }
0x195: {  	s0 =	simm.s32 $0x40;
	[tilespmem:$0x8630] =	vst v3  }
0x196: {  	[tilespmem:s24], [sflag:$0x1] =	stream.indirect.gather [hbm4b:s7+s0], $0x80, s23, s0, $0xb8;
	[tilespmem:$0xF880] =	vst v63  }
0x197: {  	_ =	swait.ge [sflag:s25], $0x2000  }
0x198: {  	[sflag:s25] =	ssyncset.done $0x0  }
0x199: {  	[sflag:s25] =	ssyncadd.s32 $0xFFFFE000  }
0x19a: {  	v10 =	vld [tilespmem:$0xA680]  }
0x19b: {  	v2 =	vld [tilespmem:$0xA700]  }
0x19c: {  	v14 =	vld [tilespmem:$0xA690]  }
0x19d: {  	v3 =	vld [tilespmem:$0xA710]  }
0x19e: {  	v16 =	vld [tilespmem:$0xA6A0]  }
0x19f: {  	v5 =	vld [tilespmem:$0xA720]  }
0x1a0: {  	v11 =	vld [tilespmem:$0xA6B0]  }
0x1a1: {  	v6 =	vld [tilespmem:$0xA730]  }
0x1a2: {  	v12 =	vld [tilespmem:$0xA6C0]  }
0x1a3: {  	v7 =	vld [tilespmem:$0xA740]  }
0x1a4: {  	v13 =	vld [tilespmem:$0xA6D0]  }
0x1a5: {  	v8 =	vld [tilespmem:$0xA750]  }
0x1a6: {  	v15 =	vld [tilespmem:$0xA6E0]  }
0x1a7: {  	v4 =	vld [tilespmem:$0xA760]  }
0x1a8: {  	v24 =	vld [tilespmem:$0xA6F0]  }
0x1a9: {  	s1 =	simm.s32 $0x0;
	v20 =	vld [tilespmem:$0xA770]  }
0x1aa: {  	v9 =	vld.msk [tilespmem:s1+$0x7E00 ss:$0x0], $0xffff  }
0x1ab: {  	s0 =	simm.s32 $0x86C0;
	v25 =	vld.msk [tilespmem:s1+$0x7F80 ss:$0x0], $0xffff  }
0x1ac: {  	v18 =	vld [tilespmem:s0+$0x30]  }
0x1ad: {  	v19 =	vld [tilespmem:s0+$0xFFFFFFC0]  }
0x1ae: {  	v22 =	vld [tilespmem:s0+$0xFFFFFFD0]  }
0x1af: {  	v29 =	vld [tilespmem:s0+$0xFFFFFFE0];
	v21 =	vmul.f32 v10, v9  }
0x1b0: {  	v31 =	vld [tilespmem:s0+$0xFFFFFFF0];
	v23 =	vmul.f32 v24, v9;
	v28 =	vmul.f32 v14, v9  }
0x1b1: {  	v33 =	vld [tilespmem:s0+$0x0];
	v30 =	vmul.f32 v16, v9;
	v32 =	vmul.f32 v11, v9  }
0x1b2: {  	v36 =	vld [tilespmem:s0+$0x10];
	v34 =	vmul.f32 v12, v9;
	v35 =	vmul.f32 v13, v9  }
0x1b3: {  	v26 =	vimm.f32 $0.0e+00;
	v40 =	vld [tilespmem:s0+$0x20];
	v37 =	vmul.f32 v15, v9;
	v39 =	vmul.f32 v2, v25  }
0x1b4: {  	v17 =	vld [tilespmem:$0xA7F0];
	v41 =	vmul.f32 v3, v25;
	v61 =	vmul.f32 v6, v25;
	v18 =	vadd.f32 v23, v18  }
0x1b5: {  	v27 =	vld.msk [tilespmem:s1+$0x8100 ss:$0x0], $0xffff;
	v62 =	vmul.f32 v7, v25;
	v38 =	vadd.f32 v21, v19;
	v28 =	vadd.f32 v28, v22  }
0x1b6: {  	v0 =	vld [tilespmem:$0xA780];
	v23 =	vmul.f32 v20, v25;
	v29 =	vadd.f32 v30, v29;
	v31 =	vadd.f32 v32, v31  }
0x1b7: {  	v1 =	vld [tilespmem:$0xA790];
	v43 =	vmul.f32 v8, v25;
	v33 =	vadd.f32 v34, v33;
	v42 =	vadd.f32 v35, v36  }
0x1b8: {  	v19 =	vld [tilespmem:$0xA7B0];
	v30 =	vmul.f32 v5, v25;
	v37 =	vadd.f32 v37, v40;
	v9 =	vadd.f32 v23, v18  }
0x1b9: {  	v21 =	vld [tilespmem:$0xA7C0];
	v25 =	vmul.f32 v4, v25;
	v39 =	vadd.f32 v39, v38;
	v28 =	vadd.f32 v41, v28  }
0x1ba: {  	v22 =	vld [tilespmem:$0xA7D0];
	v23 =	vmul.f32 v17, v27;
	v35 =	vadd.f32 v30, v29;
	v36 =	vadd.f32 v61, v31  }
0x1bb: {  	v63 =	vmul.f32 v0, v27;
	v18 =	vld [tilespmem:$0xA7A0];
	v33 =	vadd.f32 v62, v33;
	v34 =	vadd.f32 v43, v42  }
0x1bc: {  	v29 =	vmul.f32 v1, v27;
	v32 =	vadd.f32 v25, v37;
	v9 =	vadd.f32 v23, v9;
	v23 =	vld [tilespmem:$0xA7E0]  }
0x1bd: {  	v30 =	vimm.f32 $0.0e+00;
	v31 =	vimm.f32 $0.0e+00;
	v25 =	vimm.f32 $0.0e+00  }
0x1be: {  	v40 =	vadd.f32 v63, v39;
	v43 =	vadd.f32 v29, v28;
	v28 =	vimm.f32 $0.0e+00  }
0x1bf: {  	v29 =	vimm.f32 $0.0e+00;
	v42 =	vmul.f32 v19, v27;
	v39 =	vmul.f32 v21, v27  }
0x1c0: {  	v41 =	vmul.f32 v22, v27;
	v9 =	vmax.f32 v9, $0.0e+00;
	v38 =	vmul.f32 v18, v27  }
0x1c1: {  	s2 =	simm.s32 $0x1;
	s1 =	simm.s32 $0x8;
	v9 =	vmax.f32 v26, v9;
	v37 =	vmul.f32 v23, v27;
	v27 =	vimm.f32 $0.0e+00  }
.LBB2_25:
0x1c2: {  	p0 =	sne.s32 s1, $0xFC;
	v44 =	vld.msk [tilespmem:s2+$0x7E00 ss:$0x0], $0xffff;
	v40 =	vmax.f32 v40, $0.0e+00;
	v35 =	vadd.f32 v38, v35;
	v36 =	vadd.f32 v42, v36  }
0x1c3: {  	v33 =	vadd.f32 v39, v33;
	v38 =	vmax.f32 v43, $0.0e+00;
	v34 =	vadd.f32 v41, v34  }
0x1c4: {  	s0 =	sadd.s32 $0x80, s0;
	v32 =	vadd.f32 v37, v32;
	v39 =	vld.msk [tilespmem:s2+$0x7F80 ss:$0x0], $0xffff;
	v35 =	vmax.f32 v35, $0.0e+00;
	v36 =	vmax.f32 v36, $0.0e+00  }
0x1c5: {  	v26 =	vmax.f32 v26, v40;
	v33 =	vmax.f32 v33, $0.0e+00;
	v37 =	vld [tilespmem:s0+$0x30];
	v34 =	vmax.f32 v34, $0.0e+00  }
0x1c6: {  	v30 =	vmax.f32 v30, v38;
	v31 =	vmax.f32 v31, v35;
	v32 =	vmax.f32 v32, $0.0e+00;
	v45 =	vld.msk [tilespmem:s2+$0x8100 ss:$0x0], $0xffff  }
0x1c7: {  	v28 =	vmax.f32 v28, v36;
	v29 =	vmax.f32 v29, v33;
	v27 =	vmax.f32 v27, v34;
	v35 =	vld [tilespmem:s0+$0xFFFFFFC0]  }
0x1c8: {  	v25 =	vmax.f32 v25, v32;
	v33 =	vmul.f32 v10, v44;
	v36 =	vmul.f32 v24, v44;
	v34 =	vld [tilespmem:s0+$0xFFFFFFD0]  }
0x1c9: {  	v32 =	vmul.f32 v14, v44;
	v40 =	vmul.f32 v16, v44;
	v38 =	vld [tilespmem:s0+$0xFFFFFFE0]  }
0x1ca: {  	v42 =	vmul.f32 v11, v44;
	v41 =	vld [tilespmem:s0+$0xFFFFFFF0];
	v36 =	vadd.f32 v36, v37;
	v37 =	vmul.f32 v20, v39  }
0x1cb: {  	v46 =	vmul.f32 v12, v44;
	v47 =	vmul.f32 v13, v44;
	v43 =	vld [tilespmem:s0+$0x0]  }
0x1cc: {  	v44 =	vmul.f32 v15, v44;
	v48 =	vld [tilespmem:s0+$0x10];
	v36 =	vadd.f32 v37, v36;
	v37 =	vmul.f32 v17, v45  }
0x1cd: {  	v33 =	vadd.f32 v33, v35;
	v35 =	vmul.f32 v2, v39;
	v32 =	vadd.f32 v32, v34;
	v34 =	vld [tilespmem:s0+$0x20]  }
0x1ce: {  	v49 =	vmul.f32 v3, v39;
	v38 =	vadd.f32 v40, v38;
	v36 =	vadd.f32 v37, v36  }
0x1cf: {  	v37 =	vmul.f32 v5, v39;
	v40 =	vadd.f32 v42, v41;
	v41 =	vmul.f32 v6, v39  }
0x1d0: {  	v42 =	vadd.f32 v46, v43;
	v43 =	vmul.f32 v7, v39;
	v36 =	vmax.f32 v36, $0.0e+00  }
0x1d1: {  	v46 =	vadd.f32 v47, v48;
	v47 =	vmul.f32 v8, v39;
	v9 =	vmax.f32 v9, v36  }
0x1d2: {  	v48 =	vadd.f32 v35, v33;
	v39 =	vmul.f32 v4, v39;
	v44 =	vadd.f32 v44, v34  }
.Ltmp10:
0x1d3: {  	v50 =	vmul.f32 v0, v45;
	v49 =	vadd.f32 v49, v32;
	v35 =	vadd.f32 v37, v38;
	(pc) =	sbr.rel @p0 .LBB2_25-.Ltmp10, $4  }
0x1d4: {  	v37 =	vmul.f32 v1, v45;
	v36 =	vadd.f32 v41, v40;
	v33 =	vadd.f32 v43, v42  }
0x1d5: {  	v38 =	vmul.f32 v18, v45;
	v34 =	vadd.f32 v47, v46;
	v32 =	vadd.f32 v39, v44  }
0x1d6: {  	v42 =	vmul.f32 v19, v45;
	v40 =	vadd.f32 v50, v48;
	v39 =	vmul.f32 v21, v45  }
0x1d7: {  	s2 =	sshra.s32 s1, $0x2;
	s1 =	sadd.s32 $0x4, s1;
	v41 =	vmul.f32 v22, v45;
	v43 =	vadd.f32 v37, v49;
	v37 =	vmul.f32 v23, v45  }
0x1d8: {  	v44 =	vld.msk [tilespmem:s2+$0x7E00 ss:$0x0], $0xffff  }
0x1d9: {  	v35 =	vadd.f32 v38, v35  }
0x1da: {  	v36 =	vadd.f32 v42, v36;
	v59 =	vld.msk [tilespmem:s2+$0x7F80 ss:$0x0], $0xffff;
	v40 =	vmax.f32 v40, $0.0e+00;
	v33 =	vadd.f32 v39, v33  }
0x1db: {  	s0 =	sadd.s32 $0x80, s0;
	v62 =	vld.msk [tilespmem:s2+$0x8100 ss:$0x0], $0xffff;
	v60 =	vmax.f32 v43, $0.0e+00;
	v34 =	vadd.f32 v41, v34;
	v32 =	vadd.f32 v37, v32  }
0x1dc: {  	v61 =	vld [tilespmem:s0+$0x30];
	v26 =	vmax.f32 v26, v40;
	v35 =	vmax.f32 v35, $0.0e+00;
	v36 =	vmax.f32 v36, $0.0e+00  }
0x1dd: {  	v63 =	vld [tilespmem:s0+$0xFFFFFFC0];
	v33 =	vmax.f32 v33, $0.0e+00;
	v24 =	vmul.f32 v24, v44;
	v10 =	vmul.f32 v10, v44  }
0x1de: {  	v43 =	vld [tilespmem:s0+$0xFFFFFFD0];
	v30 =	vmax.f32 v30, v60;
	v14 =	vmul.f32 v14, v44;
	v16 =	vmul.f32 v16, v44  }
0x1df: {  	v45 =	vld [tilespmem:s0+$0xFFFFFFE0];
	v34 =	vmax.f32 v34, $0.0e+00;
	v20 =	vmul.f32 v20, v59;
	v11 =	vmul.f32 v11, v44  }
0x1e0: {  	v46 =	vld [tilespmem:s0+$0xFFFFFFF0];
	v31 =	vmax.f32 v31, v35;
	v12 =	vmul.f32 v12, v44;
	v13 =	vmul.f32 v13, v44  }
0x1e1: {  	v47 =	vld [tilespmem:s0+$0x0];
	v32 =	vmax.f32 v32, $0.0e+00;
	v15 =	vmul.f32 v15, v44;
	v17 =	vmul.f32 v17, v62  }
0x1e2: {  	v48 =	vld [tilespmem:s0+$0x10];
	v28 =	vmax.f32 v28, v36;
	v2 =	vmul.f32 v2, v59;
	v3 =	vmul.f32 v3, v59  }
0x1e3: {  	v49 =	vld [tilespmem:s0+$0x20];
	v29 =	vmax.f32 v29, v33;
	v5 =	vmul.f32 v5, v59;
	v6 =	vmul.f32 v6, v59  }
0x1e4: {  	v7 =	vmul.f32 v7, v59;
	v8 =	vmul.f32 v8, v59;
	v24 =	vadd.f32 v24, v61  }
0x1e5: {  	v4 =	vmul.f32 v4, v59;
	v10 =	vadd.f32 v10, v63;
	v14 =	vadd.f32 v14, v43  }
0x1e6: {  	v0 =	vmul.f32 v0, v62;
	v16 =	vadd.f32 v16, v45;
	v11 =	vadd.f32 v11, v46  }
0x1e7: {  	v1 =	vmul.f32 v1, v62;
	v12 =	vadd.f32 v12, v47;
	v13 =	vadd.f32 v13, v48  }
0x1e8: {  	v51 =	vmul.f32 v18, v62;
	v50 =	vadd.f32 v15, v49;
	v20 =	vadd.f32 v20, v24  }
0x1e9: {  	v52 =	vmul.f32 v19, v62;
	v2 =	vadd.f32 v2, v10;
	v3 =	vadd.f32 v3, v14  }
0x1ea: {  	v53 =	vmul.f32 v21, v62;
	v5 =	vadd.f32 v5, v16;
	v6 =	vadd.f32 v6, v11  }
0x1eb: {  	v54 =	vmul.f32 v22, v62;
	v7 =	vadd.f32 v7, v12;
	v0 =	vadd.f32 v0, v2  }
0x1ec: {  	v55 =	vmul.f32 v23, v62;
	v8 =	vadd.f32 v8, v13;
	v1 =	vadd.f32 v1, v3  }
0x1ed: {  	s31 =	sshll.u32 s29, $0x7;
	v4 =	vadd.f32 v4, v50;
	v5 =	vadd.f32 v51, v5;
	v0 =	vmax.f32 v0, $0.0e+00  }
0x1ee: {  	s0 =	sand.u32 $0x3FFFFF80, s31;
	v2 =	vadd.f32 v52, v6;
	v1 =	vmax.f32 v1, $0.0e+00;
	v0 =	vmax.f32 v26, v0  }
0x1ef: {  	v56 =	vadd.f32 v53, v7;
	v5 =	vmax.f32 v5, $0.0e+00;
	v1 =	vmax.f32 v30, v1;
	[tilespmem:s0+$0xA880] =	vst v0  }
0x1f0: {  	s29 =	sadd.s32 $0x1, s29;
	v61 =	vadd.f32 v17, v20;
	v2 =	vmax.f32 v2, $0.0e+00;
	v58 =	vmax.f32 v31, v5;
	[tilespmem:s0+$0xA890] =	vst v1  }
0x1f1: {  	p0 =	sne.s32 s29, $0xA0;
	v57 =	vadd.f32 v54, v8;
	v60 =	vmax.f32 v56, $0.0e+00;
	v2 =	vmax.f32 v28, v2;
	[tilespmem:s0+$0xA8A0] =	vst v58  }
.Ltmp11:
0x1f2: {  	v59 =	vadd.f32 v55, v4;
	v3 =	vmax.f32 v61, $0.0e+00;
	v4 =	vmax.f32 v29, v60;
	[tilespmem:s0+$0xA8B0] =	vst v2;
	(pc) =	sbr.rel @p0 .LBB2_2-.Ltmp11, $4  }
.Ltmp12:
0x1f3: {  	v27 =	vmax.f32 v27, v34;
	v63 =	vmax.f32 v9, v3;
	v0 =	vmax.f32 v57, $0.0e+00;
	[tilespmem:s0+$0xA8C0] =	vst v4;
	(pc) =	sbr.rel @!p0 .LBB2_27-.Ltmp12, $4  }
0x1f4: {  	v62 =	vmax.f32 v25, v32;
	v1 =	vmax.f32 v59, $0.0e+00;
	[tilespmem:s0+$0xA8F0] =	vst v63;
	v0 =	vmax.f32 v27, v0  }
0x1f5: {  	v1 =	vmax.f32 v62, v1;
	[tilespmem:s0+$0xA8D0] =	vst v0  }
0x1f6: {  	[tilespmem:s0+$0xA8E0] =	vst v1  }
0x1f7: {  	_ = 	snop  }
.LBB2_10:
.Ltmp13:
0x1f8: {  	(pc) =	sbr.rel .LBB2_11-.Ltmp13, $2  }
0x1f9: {  	_ =	sdelay $0x2  }
0x1fa: {  	s0 =	sadd.s32 $0xFFFFFFBF, s19;
	s11 =	simm.s32 $0x0;
	s2 =	simm.s32 $0x0  }
.LBB2_13:
0x1fb: {  	s6 =	simm.s32 $0x0;
	s8 =	simm.f32 $-Inf;
	s12 =	simm.s32 $0xFFFFFFFF  }
.LBB2_22:
0x1fc: {  	p3 =	por @p2 p3, p4  }
0x1fd: {  	s3 =	sadd.f32 @p1 s20, s31;
	s18 =	smul.f32 @p1 s21, s21;
	p3 =	por !p3, !p2  }
0x1fe: {  	s26 =	smov.u32 @p3 s8  }
0x1ff: {  	s1 =	smov.u32 @p3 s12;
	s8 =	simm.s32 $0xFFFFFFFF;
	s3 =	sadd.f32 @p1 s18, s3  }
0x200: {  	s12 =	spop @p0 (v2sf);
	s8 =	smov.u32 @p2 s1;
	s1 =	simm.f32 $-Inf  }
0x201: {  	(v2sf) =	vpush v0, $0x0;
	s12 =	smul.f32 @p0 s12, s12;
	s1 =	smov.u32 @p2 s26  }
0x202: {  	s18 =	spop @p0 (v2sf);
	p3 =	seq.f32 @p1 s3, s1  }
0x203: {  	s20 =	smov.u32 @p1 s30;
	p2 =	sgt.s32 @p1 s30, s8;
	s18 =	smul.f32 @p0 s18, s18  }
0x204: {  	p4 =	sgt.f32 @p1 s3, s1;
	s5 =	smov.u32 @p0 s12;
	p2 =	por @p1 !p2, !p3  }
0x205: {  	s12 =	smov.u32 @p0 s14;
	s3 =	smov.u32 @p1 s3;
	p2 =	por @p1 !p2, !p2  }
0x206: {  	s21 =	spop @p0 (v2sf);
	p4 =	por @!p1 p0, p0;
	p2 =	por @!p1 p0, p0  }
0x207: {  	s10 =	smov.u32 @p0 s18;
	s13 =	smov.u32 @p0 s21;
	p2 =	por @p1 p4, p2  }
0x208: {  	s5 =	sadd.f32 @p0 s10, s5;
	s10 =	smul.f32 @p0 s13, s13;
	p2 =	por !p2, !p1  }
0x209: {  	s14 =	smov.u32 s11;
	s18 =	smov.u32 @p1 s20;
	s3 =	smov.u32 @p2 s1  }
0x20a: {  	s18 =	smov.u32 @p2 s8;
	s1 =	sadd.f32 @p0 s10, s5;
	s8 =	simm.f32 $-Inf  }
0x20b: {  	s14 =	smov.u32 @p0 s12;
	s5 =	simm.s32 $0xFFFFFFFF;
	s8 =	smov.u32 @p1 s3  }
0x20c: {  	s28 =	spop (v2sf);
	s5 =	smov.u32 @p1 s18;
	p1 =	seq.f32 @p0 s1, s8  }
0x20d: {  	s30 =	spop (v2sf);
	p2 =	sgt.s32 @p0 s14, s5  }
0x20e: {  	s3 =	smul.f32 s28, s28;
	p3 =	sgt.f32 @p0 s1, s8;
	p1 =	por @p0 !p2, !p1  }
0x20f: {  	s10 =	smul.f32 s30, s30;
	p1 =	por @p0 !p1, !p1  }
0x210: {  	s12 =	spop (v2sf);
	p3 =	por @!p0 p0, p0;
	p1 =	por @!p0 p0, p0  }
0x211: {  	s3 =	sadd.f32 s10, s3;
	s31 =	smul.f32 s12, s12;
	p1 =	por @p0 p3, p1  }
0x212: {  	s13 =	smov.u32 @p0 s14;
	s1 =	smov.u32 @p0 s1;
	p1 =	por !p1, !p0  }
0x213: {  	s12 =	smov.u32 @p0 s13;
	s3 =	sadd.f32 s31, s3;
	s1 =	smov.u32 @p1 s8  }
0x214: {  	s12 =	smov.u32 @p1 s5;
	s17 =	smov.u32 @p0 s1  }
0x215: {  	s16 =	smov.u32 @p0 s12;
	p4 =	seq.f32 s3, s17  }
0x216: {  	p5 =	sgt.s32 s6, s16  }
0x217: {  	p6 =	sgt.f32 s3, s17;
	p0 =	por !p5, !p4  }
0x218: {  	p0 =	por !p0, !p0  }
0x219: {  	p0 =	por p6, p0  }
0x21a: {  	s16 =	smov.u32 @p0 s6  }
.LBB2_23:
0x21b: {  	v0 =	vld [tilespmem:s19+$0x7C7F]  }
0x21c: {  	v1 =	vld [tilespmem:s16+$0x7C80]  }
0x21d: {  	v2 =	vld [tilespmem:s19+$0x7DFF]  }
0x21e: {  	v3 =	vld [tilespmem:s19+$0x7F7F]  }
0x21f: {  	v4 =	vld [tilespmem:s19+$0x80FF]  }
0x220: {  	v61 =	vld [tilespmem:s16+$0x7E00]  }
0x221: {  	v62 =	vld [tilespmem:s16+$0x7F80]  }
0x222: {  	v63 =	vld [tilespmem:s16+$0x8100]  }
0x223: {  	p0 =	sne.s32 s2, s0  }
.Ltmp14:
0x224: {  	v0 =	vsel vm0, v0, v1;
	(pc) =	sbr.rel @!p0 .LBB2_24-.Ltmp14, $4  }
0x225: {  	[tilespmem:s16+$0x7C80] =	vst v0;
	v0 =	vsel vm0, v2, v61  }
0x226: {  	[tilespmem:s16+$0x7E00] =	vst v0;
	v0 =	vsel vm0, v3, v62  }
0x227: {  	s1 =	sadd.s32 $0x1, s2;
	[tilespmem:s16+$0x7F80] =	vst v0;
	v0 =	vsel vm0, v4, v63  }
0x228: {  	s19 =	sadd.s32 $0xFFFFFFFF, s19;
	s2 =	smov.u32 s1;
	[tilespmem:s16+$0x8100] =	vst v0  }
.LBB2_11:
0x229: {  	p0 =	slt.s32 s19, $0x1  }
.Ltmp15:
0x22a: {  	_ = 	snop;
	(pc) =	sbr.rel @p0 .LBB2_23-.Ltmp15, $2  }
0x22b: {  	_ =	sdelay $0x2  }
0x22c: {  	s16 =	simm.s32 $0xFFFFFFFF  }
0x22d: {  	s1 =	simm.s32 $0x7E00  }
0x22e: {  	s3 =	simm.s32 $0x7F80;
	v0 =	vld [tilespmem:s1+$0x0]  }
0x22f: {  	v1 =	vld [tilespmem:s3+$0x0];
	_ =	sdelay $0x3  }
0x230: {  	(v2sf) =	vpush v0, $0x0  }
0x231: {  	(v2sf) =	vpush v1, $0x0;
	_ =	sdelay $0x8  }
0x232: {  	p3 =	sne.s32 s19, $0x1  }
.Ltmp16:
0x233: {  	_ = 	snop;
	(pc) =	sbr.rel @!p3 .LBB2_13-.Ltmp16, $4  }
0x234: {  	_ = 	snop  }
0x235: {  	s17 =	simm.f32 $-Inf;
	s6 =	simm.s32 $0x8100;
	s30 =	simm.s32 $0x1  }
0x236: {  	s5 =	simm.s32 $0x7E01;
	p0 =	por $0x0, $0x0;
	p1 =	por $0x0, $0x0  }
0x237: {  	p2 =	por $0x0, $0x0;
	s1 =	simm.s32 $0x8101;
	s3 =	simm.s32 $0x7F81;
	v0 =	vld [tilespmem:s6+$0x0]  }
0x238: {  	_ =	sdelay $0x1  }
0x239: {  	v1 =	vld [tilespmem:s5+$0x0]  }
0x23a: {  	v2 =	vld [tilespmem:s3+$0x0];
	p3 =	sne.s32 s19, $0x2  }
.Ltmp17:
0x23b: {  	(v2sf) =	vpush v0, $0x0;
	(pc) =	sbr.rel @!p3 .LBB2_15-.Ltmp17, $3  }
0x23c: {  	_ =	sdelay $0x1  }
0x23d: {  	s6 =	simm.s32 $0x2;
	s3 =	simm.s32 $0x8102;
	(v2sf) =	vpush v1, $0x0  }
0x23e: {  	s5 =	simm.s32 $0x7E02;
	p0 =	por $0x1, $0x1;
	v0 =	vld [tilespmem:s1+$0x0];
	s1 =	simm.s32 $0x7F82;
	(v2sf) =	vpush v2, $0x0  }
0x23f: {  	v1 =	vld [tilespmem:s5+$0x0];
	_ =	sdelay $0x1  }
0x240: {  	v2 =	vld [tilespmem:s1+$0x0];
	_ =	sdelay $0x1  }
0x241: {  	(v2sf) =	vpush v0, $0x0  }
0x242: {  	s31 =	spop (v2sf);
	(v2sf) =	vpush v1, $0x0;
	_ =	sdelay $0x1  }
0x243: {  	s10 =	spop (v2sf);
	(v2sf) =	vpush v2, $0x0;
	_ =	sdelay $0x2  }
0x244: {  	p3 =	sne.s32 s19, $0x3  }
.Ltmp18:
0x245: {  	_ = 	snop;
	(pc) =	sbr.rel @!p3 .LBB2_17-.Ltmp18, $4  }
0x246: {  	_ = 	snop  }
0x247: {  	s18 =	simm.s32 $0x3;
	s1 =	simm.s32 $0x8103  }
0x248: {  	s8 =	simm.s32 $0x7F83;
	p1 =	por $0x1, $0x1;
	s5 =	smul.f32 s31, s31  }
0x249: {  	s10 =	smul.f32 s10, s10;
	v0 =	vld [tilespmem:s3+$0x0];
	s3 =	simm.s32 $0x7E03;
	s13 =	spop (v2sf)  }
0x24a: {  	v1 =	vld [tilespmem:s3+$0x0]  }
0x24b: {  	v2 =	vld [tilespmem:s8+$0x0];
	_ =	sdelay $0x2  }
0x24c: {  	(v2sf) =	vpush v0, $0x0  }
0x24d: {  	s14 =	smul.f32 s13, s13;
	s12 =	sadd.f32 s10, s5;
	(v2sf) =	vpush v1, $0x0  }
0x24e: {  	p5 =	sne.s32 s19, $0x4;
	s21 =	spop (v2sf);
	p4 =	por $0x1, $0x1;
	(v2sf) =	vpush v2, $0x0  }
0x24f: {  	s3 =	simm.s32 $0x8104;
	s31 =	smul.f32 s21, s21;
	s26 =	sadd.f32 s14, s12  }
.Ltmp19:
0x250: {  	s28 =	simm.s32 $0x7F84;
	s22 =	spop (v2sf);
	(pc) =	sbr.rel @!p5 .LBB2_19-.Ltmp19, $4  }
0x251: {  	s8 =	simm.f32 $-Inf;
	s20 =	smul.f32 s22, s22;
	v0 =	vld [tilespmem:s1+$0x0];
	p2 =	seq.f32 s26, s17  }
0x252: {  	s22 =	simm.s32 $0x7E04;
	s14 =	simm.s32 $0x4;
	s21 =	spop (v2sf)  }
0x253: {  	s12 =	simm.s32 $0xFFFFFFFF;
	p3 =	sgt.f32 s26, s17;
	p2 =	por !p4, !p2  }
0x254: {  	s1 =	simm.s32 $0x0;
	p4 =	por !p2, !p2;
	p2 =	por $0x1, $0x1  }
.LBB2_20:
0x255: {  	s20 =	sadd.f32 s20, s31;
	s21 =	smul.f32 s21, s21;
	p3 =	por p3, p4  }
0x256: {  	v1 =	vld [tilespmem:s22+$0x0];
	(v2sf) =	vpush v0, $0x0;
	s31 =	smov.u32 s6;
	s6 =	smov.u32 s18;
	s18 =	smov.u32 s14  }
0x257: {  	s14 =	sadd.s32 $0x1, s14;
	v2 =	vld [tilespmem:s28+$0x0];
	s8 =	smov.u32 @p3 s26;
	s12 =	smov.u32 @p3 s1  }
0x258: {  	p5 =	sne.s32 s19, s14;
	s26 =	sadd.f32 s21, s20;
	p4 =	sgt.s32 s30, s12  }
.Ltmp20:
0x259: {  	s1 =	smov.u32 s30;
	s30 =	smov.u32 s31;
	v0 =	vld [tilespmem:s3+$0x0];
	(pc) =	sbr.rel @p5 .LBB2_20-.Ltmp20, $4  }
0x25a: {  	s3 =	sadd.s32 $0x1, s3;
	s20 =	spop (v2sf);
	p6 =	seq.f32 s26, s8  }
0x25b: {  	s28 =	sadd.s32 $0x1, s28;
	(v2sf) =	vpush v1, $0x0;
	s31 =	smul.f32 s20, s20;
	s20 =	spop (v2sf)  }
0x25c: {  	p3 =	sgt.f32 s26, s8;
	(v2sf) =	vpush v2, $0x0;
	s20 =	smul.f32 s20, s20;
	p4 =	por !p4, !p6  }
0x25d: {  	s22 =	sadd.s32 $0x1, s22;
	s21 =	spop (v2sf);
	p4 =	por !p4, !p4  }
.Ltmp21:
0x25e: {  	(pc) =	sbr.rel .LBB2_22-.Ltmp21, $2  }
0x25f: {  	_ =	sdelay $0x2  }
0x260: {  	s14 =	smov.u32 s6;
	s6 =	smov.u32 s18  }
.LBB2_15:
.Ltmp22:
0x261: {  	(pc) =	sbr.rel .LBB2_22-.Ltmp22, $3  }
0x262: {  	_ =	sdelay $0x1  }
0x263: {  	s14 =	simm.s32 $0x0  }
0x264: {  	s6 =	simm.s32 $0x1;
	s8 =	simm.f32 $-Inf;
	s12 =	simm.s32 $0xFFFFFFFF  }
.LBB2_17:
.Ltmp23:
0x265: {  	(pc) =	sbr.rel .LBB2_22-.Ltmp23, $4  }
0x266: {  	_ = 	snop  }
0x267: {  	s14 =	simm.s32 $0x1  }
0x268: {  	s31 =	smov.u32 s5;
	s21 =	smov.u32 s13;
	s8 =	simm.f32 $-Inf  }
0x269: {  	s12 =	simm.s32 $0xFFFFFFFF;
	s30 =	simm.s32 $0x0;
	s20 =	smov.u32 s10  }
0x26a: {  	_ = 	snop  }
.LBB2_19:
.Ltmp24:
0x26b: {  	(pc) =	sbr.rel .LBB2_22-.Ltmp24, $3  }
0x26c: {  	_ =	sdelay $0x1  }
0x26d: {  	s14 =	simm.s32 $0x2;
	s6 =	simm.s32 $0x3  }
0x26e: {  	s8 =	simm.f32 $-Inf;
	s1 =	smov.u32 s11;
	s12 =	simm.s32 $0xFFFFFFFF  }
.LBB2_28:
0x26f: {  	_ =	sfence.sel $0x180000  }
0x270: {  	[bflag:$0x0] =	sbarrier.arrive $0xFFFF  }
0x271: {  	_ =	strace $0x90000047  }
0x272: {  	s0 =	stileid.u32;
	[bflag:$0x2] =	sbarrier.arrive $0xFFFF  }
0x273: {  	p0 =	sne.s32 s0, $0x0;
	s0 =	rddreg [dreg:$0x2]  }
0x274: {  	s0 =	sadd.s32 @!p0 $0x100000, s0  }
0x275: {  	[sflag:s0] =	ssyncadd.tile.s32 @!p0 $0x1;
	_ =	shalt  }
.Lfunc_end2:
_tile_overlayer_lowered:
.L_overlay_start_2:
0x276: {  	(tag) =	ssettag $0x2  }
0x277: {  	s0 =	rddreg [dreg:$0x0];
	s2 =	stileid.u32  }
0x278: {  	s1 =	rddreg [dreg:$0x1];
	p0 =	sne.s32 s2, $0x0  }
0x279: {  	s3 =	rddreg [dreg:$0x2];
	[bflag:$0x3] =	sbarrier.arrive $0xFFFF;
	s2 =	simm.s32 @!p0 $0x1C02  }
0x27a: {  	[timem:s3], [sflag:s2] =	dma.local @!p0 [hbm:s0], s1  }
0x27b: {  	s0 =	simm.s32 @!p0 $0x2  }
0x27c: {  	_ =	swait.ge @!p0 [sflag:s0], s1  }
0x27d: {  	s1 =	ssub.s32 @!p0 $0x0, s1;
	[sflag:s0] =	ssyncset.done @!p0 $0x0  }
0x27e: {  	[sflag:s0] =	ssyncadd.s32 @!p0 s1  }
0x27f: {  	[bflag:$0x3] =	sbarrier.arrive $0xFFFF  }
0x280: {  	_ =	shalt  }

</sc_bundles>
